<compile_context>
chip_gen: v7x
topology: tpu7x:2x2x1
jax: 0.10.2.dev20260603
libtpu: 0.0.44.dev20260713+nightly
codegen_flags: <defaults>
</compile_context>

<pallas_src>
import functools

import jax
import jax.numpy as jnp
import numpy as np
from jax import lax
from jax.experimental import pallas as pl
from jax.experimental.pallas import tpu as pltpu
from jax.experimental.pallas import tpu_sc as plsc

B = 16384
F = 26
V = 1000
D = 50
DP = 128
DK = 64
PW = DK // 2
ROW_W = F * PW
ROW_WP = 896
ROWS = B * F

NC = 2
NS = 16
NW = NC * NS
S = 4
BS = B // S
BW = BS // NW
CB = 8
CH = CB * F
NITER = BW // CB


def _pack_rows(buf, cbuf, r8):
    for f in range(F):
        row = r8 * F + f
        for g in range(2):
            a = buf[row, pl.ds(g * 32, 16)]
            b = buf[row, pl.ds(g * 32 + 16, 16)]
            p = plsc.pack(a, b, format=plsc.PackFormat.INTERLEAVED)
            w = plsc.bitcast(p, jnp.int32)
            cbuf[r8, pl.ds(f * PW + g * 16, 16)] = w


def _gather_body(emb_hbm, idx_hbm, out_hbm, idx_v0, idx_v1, buf0, buf1,
                 cbuf0, cbuf1, gs0, gs1, ws0, ws1):
    wid = lax.axis_index("s") * NC + lax.axis_index("c")
    base = wid * BW

    zero = jnp.zeros((16,), jnp.int32)
    for cbuf in (cbuf0, cbuf1):
        for r8 in range(CB):
            for w in range((ROW_WP - ROW_W) // 16):
                cbuf[r8, pl.ds(ROW_W + w * 16, 16)] = zero

    def fire(c, idx_v, buf, sem):
        pltpu.sync_copy(idx_hbm.at[wid, c], idx_v)
        pltpu.async_copy(emb_hbm.at[idx_v], buf, sem)

    def wait_gather(idx_v, buf, sem):
        pltpu.make_async_copy(emb_hbm.at[idx_v], buf, sem).wait()

    def put(c, cbuf, sem):
        pltpu.async_copy(cbuf, out_hbm.at[pl.ds((base + c * CB), CB)], sem)

    def wait_put(c, cbuf, sem):
        pltpu.make_async_copy(cbuf, out_hbm.at[pl.ds((base + c * CB), CB)],
                              sem).wait()

    fire(0, idx_v0, buf0, gs0)

    def body(j, carry):
        c0 = 2 * j
        fire(c0 + 1, idx_v1, buf1, gs1)
        wait_gather(idx_v0, buf0, gs0)

        @pl.when(j > 0)
        def _():
            wait_put(c0 - 2, cbuf0, ws0)

        def pk0(r8, carry):
            _pack_rows(buf0, cbuf0, r8)
            return carry
        lax.fori_loop(0, CB, pk0, 0, unroll=False)
        put(c0, cbuf0, ws0)

        @pl.when(j < NITER // 2 - 1)
        def _():
            fire(c0 + 2, idx_v0, buf0, gs0)

        wait_gather(idx_v1, buf1, gs1)

        @pl.when(j > 0)
        def _():
            wait_put(c0 - 1, cbuf1, ws1)

        def pk1(r8, carry):
            _pack_rows(buf1, cbuf1, r8)
            return carry
        lax.fori_loop(0, CB, pk1, 0, unroll=False)
        put(c0 + 1, cbuf1, ws1)
        return carry

    lax.fori_loop(0, NITER // 2, body, 0, unroll=False)
    wait_put(NITER - 2, cbuf0, ws0)
    wait_put(NITER - 1, cbuf1, ws1)


@jax.jit
def _gather(emb_flat, idx):
    mesh = plsc.VectorSubcoreMesh(core_axis_name="c", subcore_axis_name="s")
    kern = pl.kernel(
        _gather_body,
        out_type=jax.ShapeDtypeStruct((BS, ROW_WP), jnp.int32),
        mesh=mesh,
        scratch_types=[
            pltpu.VMEM((CH,), jnp.int32),
            pltpu.VMEM((CH,), jnp.int32),
            pltpu.VMEM((CH, DP), jnp.float32),
            pltpu.VMEM((CH, DP), jnp.float32),
            pltpu.VMEM((CB, ROW_WP), jnp.int32),
            pltpu.VMEM((CB, ROW_WP), jnp.int32),
            pltpu.SemaphoreType.DMA,
            pltpu.SemaphoreType.DMA,
            pltpu.SemaphoreType.DMA,
            pltpu.SemaphoreType.DMA,
        ],
        compiler_params=pltpu.CompilerParams(needs_layout_passes=False),
    )
    return kern(emb_flat, idx)


_CHUNK = 512
_NSTEP1 = BS // _CHUNK


def _mlp1_body(x_ref, wa_ref, wb_ref, b1_ref, h1_ref, st_ref,
               s1_scr, ss1_scr):
    i = pl.program_id(0)

    @pl.when(i == 0)
    def _():
        s1_scr[...] = jnp.zeros_like(s1_scr)
        ss1_scr[...] = jnp.zeros_like(ss1_scr)

    xw = x_ref[...]
    xa = lax.bitcast_convert_type(
        lax.shift_left(xw, 16), jnp.float32).astype(jnp.bfloat16)
    xb = lax.bitcast_convert_type(
        jnp.bitwise_and(xw, jnp.int32(-65536)), jnp.float32).astype(jnp.bfloat16)
    h = (jnp.dot(xa, wa_ref[...], preferred_element_type=jnp.float32)
         + jnp.dot(xb, wb_ref[...], preferred_element_type=jnp.float32))
    h = jnp.maximum(h + b1_ref[...], 0.0)
    h1_ref[...] = h
    s1_scr[...] += jnp.sum(h, axis=0, keepdims=True)
    ss1_scr[...] += jnp.sum(h * h, axis=0, keepdims=True)

    @pl.when(i == _NSTEP1 - 1)
    def _():
        st_ref[0:1, :] = s1_scr[...]
        st_ref[1:2, :] = ss1_scr[...]


@jax.jit
def _mlp1(x, Wa, Wb, b1):
    const = lambda shape: pl.BlockSpec(shape, lambda i: (0, 0))
    return pl.pallas_call(
        _mlp1_body,
        grid=(_NSTEP1,),
        in_specs=[
            pl.BlockSpec((_CHUNK, ROW_WP), lambda i: (i, 0)),
            const((ROW_WP, 150)),
            const((ROW_WP, 150)),
            const((1, 150)),
        ],
        out_specs=[
            pl.BlockSpec((_CHUNK, 150), lambda i: (i, 0)),
            pl.BlockSpec((2, 150), lambda i: (0, 0)),
        ],
        out_shape=[
            jax.ShapeDtypeStruct((BS, 150), jnp.float32),
            jax.ShapeDtypeStruct((2, 150), jnp.float32),
        ],
        scratch_shapes=[
            pltpu.VMEM((1, 150), jnp.float32),
            pltpu.VMEM((1, 150), jnp.float32),
        ],
        compiler_params=pltpu.CompilerParams(
            dimension_semantics=("arbitrary",),
            vmem_limit_bytes=100 * 1024 * 1024,
        ),
    )(x, Wa, Wb, b1)


def _mlp2_body(h1a_ref, h1b_ref, h1c_ref, h1d_ref, st_ref,
               w2_ref, b2_ref, w3_ref, b3_ref,
               g2_ref, be2_ref, g3_ref, be3_ref, out_ref, h2_scr):
    h1_refs = (h1a_ref, h1b_ref, h1c_ref, h1d_ref)
    st = st_ref[...]
    s1 = st[0:1] + st[2:3] + st[4:5] + st[6:7]
    ss1 = st[1:2] + st[3:4] + st[5:6] + st[7:8]
    m1 = s1 * (1.0 / B)
    v1 = ss1 * (1.0 / B) - m1 * m1
    a1 = g2_ref[...] * lax.rsqrt(v1 + 1e-5)
    c1 = be2_ref[...] - m1 * a1
    s2 = jnp.zeros((1, 75), jnp.float32)
    ss2 = jnp.zeros((1, 75), jnp.float32)
    for s in range(S):
        h1n = h1_refs[s][...] * a1 + c1
        h2 = jnp.dot(h1n, w2_ref[...], preferred_element_type=jnp.float32)
        h2 = jnp.maximum(h2 + b2_ref[...], 0.0)
        h2_scr[pl.ds(s * BS, BS), :] = h2
        s2 = s2 + jnp.sum(h2, axis=0, keepdims=True)
        ss2 = ss2 + jnp.sum(h2 * h2, axis=0, keepdims=True)
    m2 = s2 * (1.0 / B)
    v2 = ss2 * (1.0 / B) - m2 * m2
    a2 = g3_ref[...] * lax.rsqrt(v2 + 1e-5)
    c2 = be3_ref[...] - m2 * a2
    for s in range(S):
        h2n = h2_scr[pl.ds(s * BS, BS), :] * a2 + c2
        z = jnp.dot(h2n, w3_ref[...], preferred_element_type=jnp.float32)
        z = z + b3_ref[...]
        out_ref[pl.ds(s * BS, BS), :] = jax.nn.sigmoid(z)


@jax.jit
def _mlp2(h1s, st, W2, b2, W3, b3, g2, be2, g3, be3):
    const = lambda shape: pl.BlockSpec(shape, lambda i: (0, 0))
    return pl.pallas_call(
        _mlp2_body,
        grid=(1,),
        in_specs=[
            const((BS, 150)),
            const((BS, 150)),
            const((BS, 150)),
            const((BS, 150)),
            const((2 * S, 150)),
            const((150, 75)),
            const((1, 75)),
            const((75, 1)),
            const((1, 1)),
            const((1, 150)),
            const((1, 150)),
            const((1, 75)),
            const((1, 75)),
        ],
        out_specs=pl.BlockSpec((B, 1), lambda i: (0, 0)),
        out_shape=jax.ShapeDtypeStruct((B, 1), jnp.float32),
        scratch_shapes=[
            pltpu.VMEM((B, 75), jnp.float32),
        ],
        compiler_params=pltpu.CompilerParams(
            vmem_limit_bytes=100 * 1024 * 1024,
        ),
    )(*h1s, st, W2, b2, W3, b3, g2, be2, g3, be3)


def _half_weights(W1):
    w = np.arange(ROW_WP)
    f = w // PW
    g = (w % PW) // 16
    k = w % 16
    lo = g * 32 + k
    hi = lo + 16
    valid = w < ROW_W
    va = valid & (lo < D)
    vb = valid & (hi < D)
    ra = np.where(va, np.minimum(f, F - 1) * D + np.minimum(lo, D - 1), 0)
    rb = np.where(vb, np.minimum(f, F - 1) * D + np.minimum(hi, D - 1), 0)
    Wa = jnp.where(jnp.asarray(va)[:, None], W1[jnp.asarray(ra)], 0.0)
    Wb = jnp.where(jnp.asarray(vb)[:, None], W1[jnp.asarray(rb)], 0.0)
    return Wa.astype(jnp.bfloat16), Wb.astype(jnp.bfloat16)


def kernel(x_cat, emb, W1, b1, W2, b2, W3, b3, g2, be2, g3, be3):
    emb_flat = jnp.pad(emb.reshape(F * V, D), ((0, 0), (0, DP - D)))
    Wa, Wb = _half_weights(W1)
    offs = (jnp.arange(F, dtype=jnp.int32) * V)[None, :]
    idx = (x_cat.astype(jnp.int32) + offs).reshape(S, NW, NITER, CH)
    xs = [_gather(emb_flat, idx[s]) for s in range(S)]
    h1s, sts = [], []
    for s in range(S):
        h1_s, st_s = _mlp1(xs[s], Wa, Wb, b1.reshape(1, -1))
        h1s.append(h1_s)
        sts.append(st_s)
    st = jnp.concatenate(sts, axis=0)
    return _mlp2(h1s, st, W2, b2.reshape(1, -1),
                 W3, b3.reshape(1, -1), g2.reshape(1, -1), be2.reshape(1, -1),
                 g3.reshape(1, -1), be3.reshape(1, -1))

# --- scband reference (transcript-rebuilt; emitter-appended) ---
"""Pipeline reference for scband-tftbinary-classifier-69226282877107 (READ-ONLY COPY).

The authoritative reference and input builder live on the scoring server;
editing this copy changes nothing except your own understanding.
"""

import jax, jax.numpy as jnp
import numpy as np

NUM_FIELDS = 26
VOCAB = 1000
EMB_DIM = 50
BATCH = 16384
N_EMB = NUM_FIELDS * EMB_DIM


def setup_inputs(seed: int = 0):
    key = jax.random.key(seed)
    ks = jax.random.split(key, 6)
    x_cat = jax.random.randint(ks[0], (BATCH, NUM_FIELDS), 0, VOCAB)
    emb = jax.random.normal(ks[1], (NUM_FIELDS, VOCAB, EMB_DIM), dtype=jnp.float32) * 0.05
    W1 = jax.random.normal(ks[2], (N_EMB, 150), dtype=jnp.float32) * (1.0 / np.sqrt(N_EMB))
    b1 = jnp.zeros((150,), dtype=jnp.float32)
    W2 = jax.random.normal(ks[3], (150, 75), dtype=jnp.float32) * (1.0 / np.sqrt(150))
    b2 = jnp.zeros((75,), dtype=jnp.float32)
    W3 = jax.random.normal(ks[4], (75, 1), dtype=jnp.float32) * (1.0 / np.sqrt(75))
    b3 = jnp.zeros((1,), dtype=jnp.float32)
    g2 = jnp.ones((150,), dtype=jnp.float32)
    be2 = jnp.zeros((150,), dtype=jnp.float32)
    g3 = jnp.ones((75,), dtype=jnp.float32)
    be3 = jnp.zeros((75,), dtype=jnp.float32)
    return {"x_cat": x_cat, "emb": emb, "W1": W1, "b1": b1, "W2": W2, "b2": b2,
            "W3": W3, "b3": b3, "g2": g2, "be2": be2, "g3": g3, "be3": be3}


def _bn(x, g, b):
    m = jnp.mean(x, axis=0)
    v = jnp.var(x, axis=0)
    return (x - m) / jnp.sqrt(v + 1e-5) * g + b


def reference(x_cat, emb, W1, b1, W2, b2, W3, b3, g2, be2, g3, be3):
    # per-field embedding lookup, then concat (dropout is identity in eval)
    xs = [emb[i][x_cat[:, i]] for i in range(NUM_FIELDS)]
    x = jnp.concatenate(xs, axis=1)
    x = jax.nn.relu(x @ W1 + b1)
    x = _bn(x, g2, be2)
    x = jax.nn.relu(x @ W2 + b2)
    x = _bn(x, g3, be3)
    x = x @ W3 + b3
    return jax.nn.sigmoid(x)

if __name__ == "__main__":
    import jax
    _d = setup_inputs()
    print(jax.jit(kernel)(*tuple(_d.values())))

</pallas_src>

<mosaic_0001>
#map = affine_map<(d0, d1) -> (0, 0)>
#map1 = affine_map<(d0, d1) -> (0, 0, 0)>
module attributes {stable_mosaic.version = 14 : i64} {
  func.func @_gather_body(%arg0: i32, %arg1: i32, %arg2: memref<26000x128xf32, #tpu.memory_space<hbm>>, %arg3: memref<32x16x208xi32, #tpu.memory_space<hbm>>, %arg4: memref<4096x896xi32, #tpu.memory_space<hbm>>, %arg5: memref<208xi32, #tpu.memory_space<vmem>>, %arg6: memref<208xi32, #tpu.memory_space<vmem>>, %arg7: memref<208x128xf32, #tpu.memory_space<vmem>>, %arg8: memref<208x128xf32, #tpu.memory_space<vmem>>, %arg9: memref<8x896xi32, #tpu.memory_space<vmem>>, %arg10: memref<8x896xi32, #tpu.memory_space<vmem>>, %arg11: memref<!tpu.dma_semaphore, #tpu.memory_space<semaphore_mem>>, %arg12: memref<!tpu.dma_semaphore, #tpu.memory_space<semaphore_mem>>, %arg13: memref<!tpu.dma_semaphore, #tpu.memory_space<semaphore_mem>>, %arg14: memref<!tpu.dma_semaphore, #tpu.memory_space<semaphore_mem>>) attributes {dimension_semantics = [#tpu.dimension_semantics<core_parallel>, #tpu.dimension_semantics<subcore_parallel>], iteration_bounds = array<i64: 2, 16>, scalar_prefetch = 0 : i64, scratch_operands = 10 : i64, tpu.core_type = #tpu.core_type<sc_vector_subcore>, window_params = [{transform_indices = #map}, {transform_indices = #map1}, {transform_indices = #map}]} {
    %mul3A = arith.constant 2 : i32
    %mul3A_0 = arith.muli %arg1, %mul3A : i32
    %add3A = arith.addi %mul3A_0, %arg0 : i32
    %mul3A_1 = arith.constant 128 : i32
    %mul3A_2 = arith.muli %add3A, %mul3A_1 : i32
    %broadcast_in_dim3A = arith.constant 0 : i32
    %broadcast_in_dim3A_3 = vector.broadcast %broadcast_in_dim3A : i32 to vector<16xi32>
    %swap3A = arith.constant 0 : i32
    %swap3A_4 = arith.index_cast %swap3A : i32 to index
    %swap3A_5 = arith.constant 832 : index
    %swap3A_6 = tpu.vector_load %arg9[%swap3A_4, %swap3A_5] {strides = array<i32>} : memref<8x896xi32, #tpu.memory_space<vmem>>, vector<16xi32>,
    tpu.vector_store %arg9[%swap3A_4, %swap3A_5], %broadcast_in_dim3A_3 {strides = array<i32>} : memref<8x896xi32, #tpu.memory_space<vmem>>, vector<16xi32>,
    %swap3A_7 = arith.constant 0 : i32
    %swap3A_8 = arith.index_cast %swap3A_7 : i32 to index
    %swap3A_9 = arith.constant 848 : index
    %swap3A_10 = tpu.vector_load %arg9[%swap3A_8, %swap3A_9] {strides = array<i32>} : memref<8x896xi32, #tpu.memory_space<vmem>>, vector<16xi32>,
    tpu.vector_store %arg9[%swap3A_8, %swap3A_9], %broadcast_in_dim3A_3 {strides = array<i32>} : memref<8x896xi32, #tpu.memory_space<vmem>>, vector<16xi32>,
    %swap3A_11 = arith.constant 0 : i32
    %swap3A_12 = arith.index_cast %swap3A_11 : i32 to index
    %swap3A_13 = arith.constant 864 : index
    %swap3A_14 = tpu.vector_load %arg9[%swap3A_12, %swap3A_13] {strides = array<i32>} : memref<8x896xi32, #tpu.memory_space<vmem>>, vector<16xi32>,
    tpu.vector_store %arg9[%swap3A_12, %swap3A_13], %broadcast_in_dim3A_3 {strides = array<i32>} : memref<8x896xi32, #tpu.memory_space<vmem>>, vector<16xi32>,
    %swap3A_15 = arith.constant 0 : i32
    %swap3A_16 = arith.index_cast %swap3A_15 : i32 to index
    %swap3A_17 = arith.constant 880 : index
    %swap3A_18 = tpu.vector_load %arg9[%swap3A_16, %swap3A_17] {strides = array<i32>} : memref<8x896xi32, #tpu.memory_space<vmem>>, vector<16xi32>,
    tpu.vector_store %arg9[%swap3A_16, %swap3A_17], %broadcast_in_dim3A_3 {strides = array<i32>} : memref<8x896xi32, #tpu.memory_space<vmem>>, vector<16xi32>,
    %swap3A_19 = arith.constant 1 : i32
    %swap3A_20 = arith.index_cast %swap3A_19 : i32 to index
    %swap3A_21 = arith.constant 832 : index
    %swap3A_22 = tpu.vector_load %arg9[%swap3A_20, %swap3A_21] {strides = array<i32>} : memref<8x896xi32, #tpu.memory_space<vmem>>, vector<16xi32>,
    tpu.vector_store %arg9[%swap3A_20, %swap3A_21], %broadcast_in_dim3A_3 {strides = array<i32>} : memref<8x896xi32, #tpu.memory_space<vmem>>, vector<16xi32>,
    %swap3A_23 = arith.constant 1 : i32
    %swap3A_24 = arith.index_cast %swap3A_23 : i32 to index
    %swap3A_25 = arith.constant 848 : index
    %swap3A_26 = tpu.vector_load %arg9[%swap3A_24, %swap3A_25] {strides = array<i32>} : memref<8x896xi32, #tpu.memory_space<vmem>>, vector<16xi32>,
    tpu.vector_store %arg9[%swap3A_24, %swap3A_25], %broadcast_in_dim3A_3 {strides = array<i32>} : memref<8x896xi32, #tpu.memory_space<vmem>>, vector<16xi32>,
    %swap3A_27 = arith.constant 1 : i32
    %swap3A_28 = arith.index_cast %swap3A_27 : i32 to index
    %swap3A_29 = arith.constant 864 : index
    %swap3A_30 = tpu.vector_load %arg9[%swap3A_28, %swap3A_29] {strides = array<i32>} : memref<8x896xi32, #tpu.memory_space<vmem>>, vector<16xi32>,
    tpu.vector_store %arg9[%swap3A_28, %swap3A_29], %broadcast_in_dim3A_3 {strides = array<i32>} : memref<8x896xi32, #tpu.memory_space<vmem>>, vector<16xi32>,
    %swap3A_31 = arith.constant 1 : i32
    %swap3A_32 = arith.index_cast %swap3A_31 : i32 to index
    %swap3A_33 = arith.constant 880 : index
    %swap3A_34 = tpu.vector_load %arg9[%swap3A_32, %swap3A_33] {strides = array<i32>} : memref<8x896xi32, #tpu.memory_space<vmem>>, vector<16xi32>,
    tpu.vector_store %arg9[%swap3A_32, %swap3A_33], %broadcast_in_dim3A_3 {strides = array<i32>} : memref<8x896xi32, #tpu.memory_space<vmem>>, vector<16xi32>,
    %swap3A_35 = arith.constant 2 : i32
    %swap3A_36 = arith.index_cast %swap3A_35 : i32 to index
    %swap3A_37 = arith.constant 832 : index
    %swap3A_38 = tpu.vector_load %arg9[%swap3A_36, %swap3A_37] {strides = array<i32>} : memref<8x896xi32, #tpu.memory_space<vmem>>, vector<16xi32>,
    tpu.vector_store %arg9[%swap3A_36, %swap3A_37], %broadcast_in_dim3A_3 {strides = array<i32>} : memref<8x896xi32, #tpu.memory_space<vmem>>, vector<16xi32>,
    %swap3A_39 = arith.constant 2 : i32
    %swap3A_40 = arith.index_cast %swap3A_39 : i32 to index
    %swap3A_41 = arith.constant 848 : index
    %swap3A_42 = tpu.vector_load %arg9[%swap3A_40, %swap3A_41] {strides = array<i32>} : memref<8x896xi32, #tpu.memory_space<vmem>>, vector<16xi32>,
    tpu.vector_store %arg9[%swap3A_40, %swap3A_41], %broadcast_in_dim3A_3 {strides = array<i32>} : memref<8x896xi32, #tpu.memory_space<vmem>>, vector<16xi32>,
    %swap3A_43 = arith.constant 2 : i32
    %swap3A_44 = arith.index_cast %swap3A_43 : i32 to index
    %swap3A_45 = arith.constant 864 : index
    %swap3A_46 = tpu.vector_load %arg9[%swap3A_44, %swap3A_45] {strides = array<i32>} : memref<8x896xi32, #tpu.memory_space<vmem>>, vector<16xi32>,
    tpu.vector_store %arg9[%swap3A_44, %swap3A_45], %broadcast_in_dim3A_3 {strides = array<i32>} : memref<8x896xi32, #tpu.memory_space<vmem>>, vector<16xi32>,
    %swap3A_47 = arith.constant 2 : i32
    %swap3A_48 = arith.index_cast %swap3A_47 : i32 to index
    %swap3A_49 = arith.constant 880 : index
    %swap3A_50 = tpu.vector_load %arg9[%swap3A_48, %swap3A_49] {strides = array<i32>} : memref<8x896xi32, #tpu.memory_space<vmem>>, vector<16xi32>,
    tpu.vector_store %arg9[%swap3A_48, %swap3A_49], %broadcast_in_dim3A_3 {strides = array<i32>} : memref<8x896xi32, #tpu.memory_space<vmem>>, vector<16xi32>,
    %swap3A_51 = arith.constant 3 : i32
    %swap3A_52 = arith.index_cast %swap3A_51 : i32 to index
    %swap3A_53 = arith.constant 832 : index
    %swap3A_54 = tpu.vector_load %arg9[%swap3A_52, %swap3A_53] {strides = array<i32>} : memref<8x896xi32, #tpu.memory_space<vmem>>, vector<16xi32>,
    tpu.vector_store %arg9[%swap3A_52, %swap3A_53], %broadcast_in_dim3A_3 {strides = array<i32>} : memref<8x896xi32, #tpu.memory_space<vmem>>, vector<16xi32>,
    %swap3A_55 = arith.constant 3 : i32
    %swap3A_56 = arith.index_cast %swap3A_55 : i32 to index
    %swap3A_57 = arith.constant 848 : index
    %swap3A_58 = tpu.vector_load %arg9[%swap3A_56, %swap3A_57] {strides = array<i32>} : memref<8x896xi32, #tpu.memory_space<vmem>>, vector<16xi32>,
    tpu.vector_store %arg9[%swap3A_56, %swap3A_57], %broadcast_in_dim3A_3 {strides = array<i32>} : memref<8x896xi32, #tpu.memory_space<vmem>>, vector<16xi32>,
    %swap3A_59 = arith.constant 3 : i32
    %swap3A_60 = arith.index_cast %swap3A_59 : i32 to index
    %swap3A_61 = arith.constant 864 : index
    %swap3A_62 = tpu.vector_load %arg9[%swap3A_60, %swap3A_61] {strides = array<i32>} : memref<8x896xi32, #tpu.memory_space<vmem>>, vector<16xi32>,
    tpu.vector_store %arg9[%swap3A_60, %swap3A_61], %broadcast_in_dim3A_3 {strides = array<i32>} : memref<8x896xi32, #tpu.memory_space<vmem>>, vector<16xi32>,
    %swap3A_63 = arith.constant 3 : i32
    %swap3A_64 = arith.index_cast %swap3A_63 : i32 to index
    %swap3A_65 = arith.constant 880 : index
    %swap3A_66 = tpu.vector_load %arg9[%swap3A_64, %swap3A_65] {strides = array<i32>} : memref<8x896xi32, #tpu.memory_space<vmem>>, vector<16xi32>,
    tpu.vector_store %arg9[%swap3A_64, %swap3A_65], %broadcast_in_dim3A_3 {strides = array<i32>} : memref<8x896xi32, #tpu.memory_space<vmem>>, vector<16xi32>,
    %swap3A_67 = arith.constant 4 : i32
    %swap3A_68 = arith.index_cast %swap3A_67 : i32 to index
    %swap3A_69 = arith.constant 832 : index
    %swap3A_70 = tpu.vector_load %arg9[%swap3A_68, %swap3A_69] {strides = array<i32>} : memref<8x896xi32, #tpu.memory_space<vmem>>, vector<16xi32>,
    tpu.vector_store %arg9[%swap3A_68, %swap3A_69], %broadcast_in_dim3A_3 {strides = array<i32>} : memref<8x896xi32, #tpu.memory_space<vmem>>, vector<16xi32>,
    %swap3A_71 = arith.constant 4 : i32
    %swap3A_72 = arith.index_cast %swap3A_71 : i32 to index
    %swap3A_73 = arith.constant 848 : index
    %swap3A_74 = tpu.vector_load %arg9[%swap3A_72, %swap3A_73] {strides = array<i32>} : memref<8x896xi32, #tpu.memory_space<vmem>>, vector<16xi32>,
    tpu.vector_store %arg9[%swap3A_72, %swap3A_73], %broadcast_in_dim3A_3 {strides = array<i32>} : memref<8x896xi32, #tpu.memory_space<vmem>>, vector<16xi32>,
    %swap3A_75 = arith.constant 4 : i32
    %swap3A_76 = arith.index_cast %swap3A_75 : i32 to index
    %swap3A_77 = arith.constant 864 : index
    %swap3A_78 = tpu.vector_load %arg9[%swap3A_76, %swap3A_77] {strides = array<i32>} : memref<8x896xi32, #tpu.memory_space<vmem>>, vector<16xi32>,
    tpu.vector_store %arg9[%swap3A_76, %swap3A_77], %broadcast_in_dim3A_3 {strides = array<i32>} : memref<8x896xi32, #tpu.memory_space<vmem>>, vector<16xi32>,
    %swap3A_79 = arith.constant 4 : i32
    %swap3A_80 = arith.index_cast %swap3A_79 : i32 to index
    %swap3A_81 = arith.constant 880 : index
    %swap3A_82 = tpu.vector_load %arg9[%swap3A_80, %swap3A_81] {strides = array<i32>} : memref<8x896xi32, #tpu.memory_space<vmem>>, vector<16xi32>,
    tpu.vector_store %arg9[%swap3A_80, %swap3A_81], %broadcast_in_dim3A_3 {strides = array<i32>} : memref<8x896xi32, #tpu.memory_space<vmem>>, vector<16xi32>,
    %swap3A_83 = arith.constant 5 : i32
    %swap3A_84 = arith.index_cast %swap3A_83 : i32 to index
    %swap3A_85 = arith.constant 832 : index
    %swap3A_86 = tpu.vector_load %arg9[%swap3A_84, %swap3A_85] {strides = array<i32>} : memref<8x896xi32, #tpu.memory_space<vmem>>, vector<16xi32>,
    tpu.vector_store %arg9[%swap3A_84, %swap3A_85], %broadcast_in_dim3A_3 {strides = array<i32>} : memref<8x896xi32, #tpu.memory_space<vmem>>, vector<16xi32>,
    %swap3A_87 = arith.constant 5 : i32
    %swap3A_88 = arith.index_cast %swap3A_87 : i32 to index
    %swap3A_89 = arith.constant 848 : index
    %swap3A_90 = tpu.vector_load %arg9[%swap3A_88, %swap3A_89] {strides = array<i32>} : memref<8x896xi32, #tpu.memory_space<vmem>>, vector<16xi32>,
    tpu.vector_store %arg9[%swap3A_88, %swap3A_89], %broadcast_in_dim3A_3 {strides = array<i32>} : memref<8x896xi32, #tpu.memory_space<vmem>>, vector<16xi32>,
    %swap3A_91 = arith.constant 5 : i32
    %swap3A_92 = arith.index_cast %swap3A_91 : i32 to index
    %swap3A_93 = arith.constant 864 : index
    %swap3A_94 = tpu.vector_load %arg9[%swap3A_92, %swap3A_93] {strides = array<i32>} : memref<8x896xi32, #tpu.memory_space<vmem>>, vector<16xi32>,
    tpu.vector_store %arg9[%swap3A_92, %swap3A_93], %broadcast_in_dim3A_3 {strides = array<i32>} : memref<8x896xi32, #tpu.memory_space<vmem>>, vector<16xi32>,
    %swap3A_95 = arith.constant 5 : i32
    %swap3A_96 = arith.index_cast %swap3A_95 : i32 to index
    %swap3A_97 = arith.constant 880 : index
    %swap3A_98 = tpu.vector_load %arg9[%swap3A_96, %swap3A_97] {strides = array<i32>} : memref<8x896xi32, #tpu.memory_space<vmem>>, vector<16xi32>,
    tpu.vector_store %arg9[%swap3A_96, %swap3A_97], %broadcast_in_dim3A_3 {strides = array<i32>} : memref<8x896xi32, #tpu.memory_space<vmem>>, vector<16xi32>,
    %swap3A_99 = arith.constant 6 : i32
    %swap3A_100 = arith.index_cast %swap3A_99 : i32 to index
    %swap3A_101 = arith.constant 832 : index
    %swap3A_102 = tpu.vector_load %arg9[%swap3A_100, %swap3A_101] {strides = array<i32>} : memref<8x896xi32, #tpu.memory_space<vmem>>, vector<16xi32>,
    tpu.vector_store %arg9[%swap3A_100, %swap3A_101], %broadcast_in_dim3A_3 {strides = array<i32>} : memref<8x896xi32, #tpu.memory_space<vmem>>, vector<16xi32>,
    %swap3A_103 = arith.constant 6 : i32
    %swap3A_104 = arith.index_cast %swap3A_103 : i32 to index
    %swap3A_105 = arith.constant 848 : index
    %swap3A_106 = tpu.vector_load %arg9[%swap3A_104, %swap3A_105] {strides = array<i32>} : memref<8x896xi32, #tpu.memory_space<vmem>>, vector<16xi32>,
    tpu.vector_store %arg9[%swap3A_104, %swap3A_105], %broadcast_in_dim3A_3 {strides = array<i32>} : memref<8x896xi32, #tpu.memory_space<vmem>>, vector<16xi32>,
    %swap3A_107 = arith.constant 6 : i32
    %swap3A_108 = arith.index_cast %swap3A_107 : i32 to index
    %swap3A_109 = arith.constant 864 : index
    %swap3A_110 = tpu.vector_load %arg9[%swap3A_108, %swap3A_109] {strides = array<i32>} : memref<8x896xi32, #tpu.memory_space<vmem>>, vector<16xi32>,
    tpu.vector_store %arg9[%swap3A_108, %swap3A_109], %broadcast_in_dim3A_3 {strides = array<i32>} : memref<8x896xi32, #tpu.memory_space<vmem>>, vector<16xi32>,
    %swap3A_111 = arith.constant 6 : i32
    %swap3A_112 = arith.index_cast %swap3A_111 : i32 to index
    %swap3A_113 = arith.constant 880 : index
    %swap3A_114 = tpu.vector_load %arg9[%swap3A_112, %swap3A_113] {strides = array<i32>} : memref<8x896xi32, #tpu.memory_space<vmem>>, vector<16xi32>,
    tpu.vector_store %arg9[%swap3A_112, %swap3A_113], %broadcast_in_dim3A_3 {strides = array<i32>} : memref<8x896xi32, #tpu.memory_space<vmem>>, vector<16xi32>,
    %swap3A_115 = arith.constant 7 : i32
    %swap3A_116 = arith.index_cast %swap3A_115 : i32 to index
    %swap3A_117 = arith.constant 832 : index
    %swap3A_118 = tpu.vector_load %arg9[%swap3A_116, %swap3A_117] {strides = array<i32>} : memref<8x896xi32, #tpu.memory_space<vmem>>, vector<16xi32>,
    tpu.vector_store %arg9[%swap3A_116, %swap3A_117], %broadcast_in_dim3A_3 {strides = array<i32>} : memref<8x896xi32, #tpu.memory_space<vmem>>, vector<16xi32>,
    %swap3A_119 = arith.constant 7 : i32
    %swap3A_120 = arith.index_cast %swap3A_119 : i32 to index
    %swap3A_121 = arith.constant 848 : index
    %swap3A_122 = tpu.vector_load %arg9[%swap3A_120, %swap3A_121] {strides = array<i32>} : memref<8x896xi32, #tpu.memory_space<vmem>>, vector<16xi32>,
    tpu.vector_store %arg9[%swap3A_120, %swap3A_121], %broadcast_in_dim3A_3 {strides = array<i32>} : memref<8x896xi32, #tpu.memory_space<vmem>>, vector<16xi32>,
    %swap3A_123 = arith.constant 7 : i32
    %swap3A_124 = arith.index_cast %swap3A_123 : i32 to index
    %swap3A_125 = arith.constant 864 : index
    %swap3A_126 = tpu.vector_load %arg9[%swap3A_124, %swap3A_125] {strides = array<i32>} : memref<8x896xi32, #tpu.memory_space<vmem>>, vector<16xi32>,
    tpu.vector_store %arg9[%swap3A_124, %swap3A_125], %broadcast_in_dim3A_3 {strides = array<i32>} : memref<8x896xi32, #tpu.memory_space<vmem>>, vector<16xi32>,
    %swap3A_127 = arith.constant 7 : i32
    %swap3A_128 = arith.index_cast %swap3A_127 : i32 to index
    %swap3A_129 = arith.constant 880 : index
    %swap3A_130 = tpu.vector_load %arg9[%swap3A_128, %swap3A_129] {strides = array<i32>} : memref<8x896xi32, #tpu.memory_space<vmem>>, vector<16xi32>,
    tpu.vector_store %arg9[%swap3A_128, %swap3A_129], %broadcast_in_dim3A_3 {strides = array<i32>} : memref<8x896xi32, #tpu.memory_space<vmem>>, vector<16xi32>,
    %swap3A_131 = arith.constant 0 : i32
    %swap3A_132 = arith.index_cast %swap3A_131 : i32 to index
    %swap3A_133 = arith.constant 832 : index
    %swap3A_134 = tpu.vector_load %arg10[%swap3A_132, %swap3A_133] {strides = array<i32>} : memref<8x896xi32, #tpu.memory_space<vmem>>, vector<16xi32>,
    tpu.vector_store %arg10[%swap3A_132, %swap3A_133], %broadcast_in_dim3A_3 {strides = array<i32>} : memref<8x896xi32, #tpu.memory_space<vmem>>, vector<16xi32>,
    %swap3A_135 = arith.constant 0 : i32
    %swap3A_136 = arith.index_cast %swap3A_135 : i32 to index
    %swap3A_137 = arith.constant 848 : index
    %swap3A_138 = tpu.vector_load %arg10[%swap3A_136, %swap3A_137] {strides = array<i32>} : memref<8x896xi32, #tpu.memory_space<vmem>>, vector<16xi32>,
    tpu.vector_store %arg10[%swap3A_136, %swap3A_137], %broadcast_in_dim3A_3 {strides = array<i32>} : memref<8x896xi32, #tpu.memory_space<vmem>>, vector<16xi32>,
    %swap3A_139 = arith.constant 0 : i32
    %swap3A_140 = arith.index_cast %swap3A_139 : i32 to index
    %swap3A_141 = arith.constant 864 : index
    %swap3A_142 = tpu.vector_load %arg10[%swap3A_140, %swap3A_141] {strides = array<i32>} : memref<8x896xi32, #tpu.memory_space<vmem>>, vector<16xi32>,
    tpu.vector_store %arg10[%swap3A_140, %swap3A_141], %broadcast_in_dim3A_3 {strides = array<i32>} : memref<8x896xi32, #tpu.memory_space<vmem>>, vector<16xi32>,
    %swap3A_143 = arith.constant 0 : i32
    %swap3A_144 = arith.index_cast %swap3A_143 : i32 to index
    %swap3A_145 = arith.constant 880 : index
    %swap3A_146 = tpu.vector_load %arg10[%swap3A_144, %swap3A_145] {strides = array<i32>} : memref<8x896xi32, #tpu.memory_space<vmem>>, vector<16xi32>,
    tpu.vector_store %arg10[%swap3A_144, %swap3A_145], %broadcast_in_dim3A_3 {strides = array<i32>} : memref<8x896xi32, #tpu.memory_space<vmem>>, vector<16xi32>,
    %swap3A_147 = arith.constant 1 : i32
    %swap3A_148 = arith.index_cast %swap3A_147 : i32 to index
    %swap3A_149 = arith.constant 832 : index
    %swap3A_150 = tpu.vector_load %arg10[%swap3A_148, %swap3A_149] {strides = array<i32>} : memref<8x896xi32, #tpu.memory_space<vmem>>, vector<16xi32>,
    tpu.vector_store %arg10[%swap3A_148, %swap3A_149], %broadcast_in_dim3A_3 {strides = array<i32>} : memref<8x896xi32, #tpu.memory_space<vmem>>, vector<16xi32>,
    %swap3A_151 = arith.constant 1 : i32
    %swap3A_152 = arith.index_cast %swap3A_151 : i32 to index
    %swap3A_153 = arith.constant 848 : index
    %swap3A_154 = tpu.vector_load %arg10[%swap3A_152, %swap3A_153] {strides = array<i32>} : memref<8x896xi32, #tpu.memory_space<vmem>>, vector<16xi32>,
    tpu.vector_store %arg10[%swap3A_152, %swap3A_153], %broadcast_in_dim3A_3 {strides = array<i32>} : memref<8x896xi32, #tpu.memory_space<vmem>>, vector<16xi32>,
    %swap3A_155 = arith.constant 1 : i32
    %swap3A_156 = arith.index_cast %swap3A_155 : i32 to index
    %swap3A_157 = arith.constant 864 : index
    %swap3A_158 = tpu.vector_load %arg10[%swap3A_156, %swap3A_157] {strides = array<i32>} : memref<8x896xi32, #tpu.memory_space<vmem>>, vector<16xi32>,
    tpu.vector_store %arg10[%swap3A_156, %swap3A_157], %broadcast_in_dim3A_3 {strides = array<i32>} : memref<8x896xi32, #tpu.memory_space<vmem>>, vector<16xi32>,
    %swap3A_159 = arith.constant 1 : i32
    %swap3A_160 = arith.index_cast %swap3A_159 : i32 to index
    %swap3A_161 = arith.constant 880 : index
    %swap3A_162 = tpu.vector_load %arg10[%swap3A_160, %swap3A_161] {strides = array<i32>} : memref<8x896xi32, #tpu.memory_space<vmem>>, vector<16xi32>,
    tpu.vector_store %arg10[%swap3A_160, %swap3A_161], %broadcast_in_dim3A_3 {strides = array<i32>} : memref<8x896xi32, #tpu.memory_space<vmem>>, vector<16xi32>,
    %swap3A_163 = arith.constant 2 : i32
    %swap3A_164 = arith.index_cast %swap3A_163 : i32 to index
    %swap3A_165 = arith.constant 832 : index
    %swap3A_166 = tpu.vector_load %arg10[%swap3A_164, %swap3A_165] {strides = array<i32>} : memref<8x896xi32, #tpu.memory_space<vmem>>, vector<16xi32>,
    tpu.vector_store %arg10[%swap3A_164, %swap3A_165], %broadcast_in_dim3A_3 {strides = array<i32>} : memref<8x896xi32, #tpu.memory_space<vmem>>, vector<16xi32>,
    %swap3A_167 = arith.constant 2 : i32
    %swap3A_168 = arith.index_cast %swap3A_167 : i32 to index
    %swap3A_169 = arith.constant 848 : index
    %swap3A_170 = tpu.vector_load %arg10[%swap3A_168, %swap3A_169] {strides = array<i32>} : memref<8x896xi32, #tpu.memory_space<vmem>>, vector<16xi32>,
    tpu.vector_store %arg10[%swap3A_168, %swap3A_169], %broadcast_in_dim3A_3 {strides = array<i32>} : memref<8x896xi32, #tpu.memory_space<vmem>>, vector<16xi32>,
    %swap3A_171 = arith.constant 2 : i32
    %swap3A_172 = arith.index_cast %swap3A_171 : i32 to index
    %swap3A_173 = arith.constant 864 : index
    %swap3A_174 = tpu.vector_load %arg10[%swap3A_172, %swap3A_173] {strides = array<i32>} : memref<8x896xi32, #tpu.memory_space<vmem>>, vector<16xi32>,
    tpu.vector_store %arg10[%swap3A_172, %swap3A_173], %broadcast_in_dim3A_3 {strides = array<i32>} : memref<8x896xi32, #tpu.memory_space<vmem>>, vector<16xi32>,
    %swap3A_175 = arith.constant 2 : i32
    %swap3A_176 = arith.index_cast %swap3A_175 : i32 to index
    %swap3A_177 = arith.constant 880 : index
    %swap3A_178 = tpu.vector_load %arg10[%swap3A_176, %swap3A_177] {strides = array<i32>} : memref<8x896xi32, #tpu.memory_space<vmem>>, vector<16xi32>,
    tpu.vector_store %arg10[%swap3A_176, %swap3A_177], %broadcast_in_dim3A_3 {strides = array<i32>} : memref<8x896xi32, #tpu.memory_space<vmem>>, vector<16xi32>,
    %swap3A_179 = arith.constant 3 : i32
    %swap3A_180 = arith.index_cast %swap3A_179 : i32 to index
    %swap3A_181 = arith.constant 832 : index
    %swap3A_182 = tpu.vector_load %arg10[%swap3A_180, %swap3A_181] {strides = array<i32>} : memref<8x896xi32, #tpu.memory_space<vmem>>, vector<16xi32>,
    tpu.vector_store %arg10[%swap3A_180, %swap3A_181], %broadcast_in_dim3A_3 {strides = array<i32>} : memref<8x896xi32, #tpu.memory_space<vmem>>, vector<16xi32>,
    %swap3A_183 = arith.constant 3 : i32
    %swap3A_184 = arith.index_cast %swap3A_183 : i32 to index
    %swap3A_185 = arith.constant 848 : index
    %swap3A_186 = tpu.vector_load %arg10[%swap3A_184, %swap3A_185] {strides = array<i32>} : memref<8x896xi32, #tpu.memory_space<vmem>>, vector<16xi32>,
    tpu.vector_store %arg10[%swap3A_184, %swap3A_185], %broadcast_in_dim3A_3 {strides = array<i32>} : memref<8x896xi32, #tpu.memory_space<vmem>>, vector<16xi32>,
    %swap3A_187 = arith.constant 3 : i32
    %swap3A_188 = arith.index_cast %swap3A_187 : i32 to index
    %swap3A_189 = arith.constant 864 : index
    %swap3A_190 = tpu.vector_load %arg10[%swap3A_188, %swap3A_189] {strides = array<i32>} : memref<8x896xi32, #tpu.memory_space<vmem>>, vector<16xi32>,
    tpu.vector_store %arg10[%swap3A_188, %swap3A_189], %broadcast_in_dim3A_3 {strides = array<i32>} : memref<8x896xi32, #tpu.memory_space<vmem>>, vector<16xi32>,
    %swap3A_191 = arith.constant 3 : i32
    %swap3A_192 = arith.index_cast %swap3A_191 : i32 to index
    %swap3A_193 = arith.constant 880 : index
    %swap3A_194 = tpu.vector_load %arg10[%swap3A_192, %swap3A_193] {strides = array<i32>} : memref<8x896xi32, #tpu.memory_space<vmem>>, vector<16xi32>,
    tpu.vector_store %arg10[%swap3A_192, %swap3A_193], %broadcast_in_dim3A_3 {strides = array<i32>} : memref<8x896xi32, #tpu.memory_space<vmem>>, vector<16xi32>,
    %swap3A_195 = arith.constant 4 : i32
    %swap3A_196 = arith.index_cast %swap3A_195 : i32 to index
    %swap3A_197 = arith.constant 832 : index
    %swap3A_198 = tpu.vector_load %arg10[%swap3A_196, %swap3A_197] {strides = array<i32>} : memref<8x896xi32, #tpu.memory_space<vmem>>, vector<16xi32>,
    tpu.vector_store %arg10[%swap3A_196, %swap3A_197], %broadcast_in_dim3A_3 {strides = array<i32>} : memref<8x896xi32, #tpu.memory_space<vmem>>, vector<16xi32>,
    %swap3A_199 = arith.constant 4 : i32
    %swap3A_200 = arith.index_cast %swap3A_199 : i32 to index
    %swap3A_201 = arith.constant 848 : index
    %swap3A_202 = tpu.vector_load %arg10[%swap3A_200, %swap3A_201] {strides = array<i32>} : memref<8x896xi32, #tpu.memory_space<vmem>>, vector<16xi32>,
    tpu.vector_store %arg10[%swap3A_200, %swap3A_201], %broadcast_in_dim3A_3 {strides = array<i32>} : memref<8x896xi32, #tpu.memory_space<vmem>>, vector<16xi32>,
    %swap3A_203 = arith.constant 4 : i32
    %swap3A_204 = arith.index_cast %swap3A_203 : i32 to index
    %swap3A_205 = arith.constant 864 : index
    %swap3A_206 = tpu.vector_load %arg10[%swap3A_204, %swap3A_205] {strides = array<i32>} : memref<8x896xi32, #tpu.memory_space<vmem>>, vector<16xi32>,
    tpu.vector_store %arg10[%swap3A_204, %swap3A_205], %broadcast_in_dim3A_3 {strides = array<i32>} : memref<8x896xi32, #tpu.memory_space<vmem>>, vector<16xi32>,
    %swap3A_207 = arith.constant 4 : i32
    %swap3A_208 = arith.index_cast %swap3A_207 : i32 to index
    %swap3A_209 = arith.constant 880 : index
    %swap3A_210 = tpu.vector_load %arg10[%swap3A_208, %swap3A_209] {strides = array<i32>} : memref<8x896xi32, #tpu.memory_space<vmem>>, vector<16xi32>,
    tpu.vector_store %arg10[%swap3A_208, %swap3A_209], %broadcast_in_dim3A_3 {strides = array<i32>} : memref<8x896xi32, #tpu.memory_space<vmem>>, vector<16xi32>,
    %swap3A_211 = arith.constant 5 : i32
    %swap3A_212 = arith.index_cast %swap3A_211 : i32 to index
    %swap3A_213 = arith.constant 832 : index
    %swap3A_214 = tpu.vector_load %arg10[%swap3A_212, %swap3A_213] {strides = array<i32>} : memref<8x896xi32, #tpu.memory_space<vmem>>, vector<16xi32>,
    tpu.vector_store %arg10[%swap3A_212, %swap3A_213], %broadcast_in_dim3A_3 {strides = array<i32>} : memref<8x896xi32, #tpu.memory_space<vmem>>, vector<16xi32>,
    %swap3A_215 = arith.constant 5 : i32
    %swap3A_216 = arith.index_cast %swap3A_215 : i32 to index
    %swap3A_217 = arith.constant 848 : index
    %swap3A_218 = tpu.vector_load %arg10[%swap3A_216, %swap3A_217] {strides = array<i32>} : memref<8x896xi32, #tpu.memory_space<vmem>>, vector<16xi32>,
    tpu.vector_store %arg10[%swap3A_216, %swap3A_217], %broadcast_in_dim3A_3 {strides = array<i32>} : memref<8x896xi32, #tpu.memory_space<vmem>>, vector<16xi32>,
    %swap3A_219 = arith.constant 5 : i32
    %swap3A_220 = arith.index_cast %swap3A_219 : i32 to index
    %swap3A_221 = arith.constant 864 : index
    %swap3A_222 = tpu.vector_load %arg10[%swap3A_220, %swap3A_221] {strides = array<i32>} : memref<8x896xi32, #tpu.memory_space<vmem>>, vector<16xi32>,
    tpu.vector_store %arg10[%swap3A_220, %swap3A_221], %broadcast_in_dim3A_3 {strides = array<i32>} : memref<8x896xi32, #tpu.memory_space<vmem>>, vector<16xi32>,
    %swap3A_223 = arith.constant 5 : i32
    %swap3A_224 = arith.index_cast %swap3A_223 : i32 to index
    %swap3A_225 = arith.constant 880 : index
    %swap3A_226 = tpu.vector_load %arg10[%swap3A_224, %swap3A_225] {strides = array<i32>} : memref<8x896xi32, #tpu.memory_space<vmem>>, vector<16xi32>,
    tpu.vector_store %arg10[%swap3A_224, %swap3A_225], %broadcast_in_dim3A_3 {strides = array<i32>} : memref<8x896xi32, #tpu.memory_space<vmem>>, vector<16xi32>,
    %swap3A_227 = arith.constant 6 : i32
    %swap3A_228 = arith.index_cast %swap3A_227 : i32 to index
    %swap3A_229 = arith.constant 832 : index
    %swap3A_230 = tpu.vector_load %arg10[%swap3A_228, %swap3A_229] {strides = array<i32>} : memref<8x896xi32, #tpu.memory_space<vmem>>, vector<16xi32>,
    tpu.vector_store %arg10[%swap3A_228, %swap3A_229], %broadcast_in_dim3A_3 {strides = array<i32>} : memref<8x896xi32, #tpu.memory_space<vmem>>, vector<16xi32>,
    %swap3A_231 = arith.constant 6 : i32
    %swap3A_232 = arith.index_cast %swap3A_231 : i32 to index
    %swap3A_233 = arith.constant 848 : index
    %swap3A_234 = tpu.vector_load %arg10[%swap3A_232, %swap3A_233] {strides = array<i32>} : memref<8x896xi32, #tpu.memory_space<vmem>>, vector<16xi32>,
    tpu.vector_store %arg10[%swap3A_232, %swap3A_233], %broadcast_in_dim3A_3 {strides = array<i32>} : memref<8x896xi32, #tpu.memory_space<vmem>>, vector<16xi32>,
    %swap3A_235 = arith.constant 6 : i32
    %swap3A_236 = arith.index_cast %swap3A_235 : i32 to index
    %swap3A_237 = arith.constant 864 : index
    %swap3A_238 = tpu.vector_load %arg10[%swap3A_236, %swap3A_237] {strides = array<i32>} : memref<8x896xi32, #tpu.memory_space<vmem>>, vector<16xi32>,
    tpu.vector_store %arg10[%swap3A_236, %swap3A_237], %broadcast_in_dim3A_3 {strides = array<i32>} : memref<8x896xi32, #tpu.memory_space<vmem>>, vector<16xi32>,
    %swap3A_239 = arith.constant 6 : i32
    %swap3A_240 = arith.index_cast %swap3A_239 : i32 to index
    %swap3A_241 = arith.constant 880 : index
    %swap3A_242 = tpu.vector_load %arg10[%swap3A_240, %swap3A_241] {strides = array<i32>} : memref<8x896xi32, #tpu.memory_space<vmem>>, vector<16xi32>,
    tpu.vector_store %arg10[%swap3A_240, %swap3A_241], %broadcast_in_dim3A_3 {strides = array<i32>} : memref<8x896xi32, #tpu.memory_space<vmem>>, vector<16xi32>,
    %swap3A_243 = arith.constant 7 : i32
    %swap3A_244 = arith.index_cast %swap3A_243 : i32 to index
    %swap3A_245 = arith.constant 832 : index
    %swap3A_246 = tpu.vector_load %arg10[%swap3A_244, %swap3A_245] {strides = array<i32>} : memref<8x896xi32, #tpu.memory_space<vmem>>, vector<16xi32>,
    tpu.vector_store %arg10[%swap3A_244, %swap3A_245], %broadcast_in_dim3A_3 {strides = array<i32>} : memref<8x896xi32, #tpu.memory_space<vmem>>, vector<16xi32>,
    %swap3A_247 = arith.constant 7 : i32
    %swap3A_248 = arith.index_cast %swap3A_247 : i32 to index
    %swap3A_249 = arith.constant 848 : index
    %swap3A_250 = tpu.vector_load %arg10[%swap3A_248, %swap3A_249] {strides = array<i32>} : memref<8x896xi32, #tpu.memory_space<vmem>>, vector<16xi32>,
    tpu.vector_store %arg10[%swap3A_248, %swap3A_249], %broadcast_in_dim3A_3 {strides = array<i32>} : memref<8x896xi32, #tpu.memory_space<vmem>>, vector<16xi32>,
    %swap3A_251 = arith.constant 7 : i32
    %swap3A_252 = arith.index_cast %swap3A_251 : i32 to index
    %swap3A_253 = arith.constant 864 : index
    %swap3A_254 = tpu.vector_load %arg10[%swap3A_252, %swap3A_253] {strides = array<i32>} : memref<8x896xi32, #tpu.memory_space<vmem>>, vector<16xi32>,
    tpu.vector_store %arg10[%swap3A_252, %swap3A_253], %broadcast_in_dim3A_3 {strides = array<i32>} : memref<8x896xi32, #tpu.memory_space<vmem>>, vector<16xi32>,
    %swap3A_255 = arith.constant 7 : i32
    %swap3A_256 = arith.index_cast %swap3A_255 : i32 to index
    %swap3A_257 = arith.constant 880 : index
    %swap3A_258 = tpu.vector_load %arg10[%swap3A_256, %swap3A_257] {strides = array<i32>} : memref<8x896xi32, #tpu.memory_space<vmem>>, vector<16xi32>,
    tpu.vector_store %arg10[%swap3A_256, %swap3A_257], %broadcast_in_dim3A_3 {strides = array<i32>} : memref<8x896xi32, #tpu.memory_space<vmem>>, vector<16xi32>,
    %run_scoped3A = arith.constant 0 : i32
    "tpu.region"() ({
      %run_scoped3A_277 = tpu.sem_alloc : memref<!tpu.dma_semaphore, #tpu.memory_space<semaphore_mem>>
      %dma_start3A_278 = arith.constant 0 : i32
      %dma_start3A_279 = tpu.memref_slice %arg3[%add3A, %run_scoped3A, %dma_start3A_278] : memref<32x16x208xi32, #tpu.memory_space<hbm>> -> memref<1x1x208xi32, #tpu.memory_space<hbm>>
      %dma_start3A_280 = tpu.memref_squeeze %dma_start3A_279 : memref<1x1x208xi32, #tpu.memory_space<hbm>> -> memref<208xi32, #tpu.memory_space<hbm>>
      %dma_start3A_281 = arith.constant 0 : i32
      %dma_start3A_282 = tpu.memref_slice %arg3[%add3A, %run_scoped3A, %dma_start3A_281] : memref<32x16x208xi32, #tpu.memory_space<hbm>> -> memref<1x1x208xi32, #tpu.memory_space<hbm>>
      %dma_start3A_283 = tpu.memref_squeeze %dma_start3A_282 : memref<1x1x208xi32, #tpu.memory_space<hbm>> -> memref<208xi32, #tpu.memory_space<hbm>>
      tpu.enqueue_dma source(%dma_start3A_283 : memref<208xi32, #tpu.memory_space<hbm>>) target(%arg5 : memref<208xi32, #tpu.memory_space<vmem>>) target_semaphore(%run_scoped3A_277 : memref<!tpu.dma_semaphore, #tpu.memory_space<semaphore_mem>>)
      %dma_wait3A_284 = arith.constant 0 : i32
      %dma_wait3A_285 = tpu.memref_slice %arg3[%add3A, %run_scoped3A, %dma_wait3A_284] : memref<32x16x208xi32, #tpu.memory_space<hbm>> -> memref<1x1x208xi32, #tpu.memory_space<hbm>>
      %dma_wait3A_286 = tpu.memref_squeeze %dma_wait3A_285 : memref<1x1x208xi32, #tpu.memory_space<hbm>> -> memref<208xi32, #tpu.memory_space<hbm>>
      %dma_wait3A_287 = arith.constant 0 : i32
      %dma_wait3A_288 = tpu.memref_slice %arg3[%add3A, %run_scoped3A, %dma_wait3A_287] : memref<32x16x208xi32, #tpu.memory_space<hbm>> -> memref<1x1x208xi32, #tpu.memory_space<hbm>>
      %dma_wait3A_289 = tpu.memref_squeeze %dma_wait3A_288 : memref<1x1x208xi32, #tpu.memory_space<hbm>> -> memref<208xi32, #tpu.memory_space<hbm>>
      tpu.wait_dma2 semaphore(%run_scoped3A_277 : memref<!tpu.dma_semaphore, #tpu.memory_space<semaphore_mem>>) src(%dma_wait3A_289 : memref<208xi32, #tpu.memory_space<hbm>>) dst(%arg5 : memref<208xi32, #tpu.memory_space<vmem>>)
      tpu.yield
    }) : () -> ()
    %dma_start3A = arith.constant 0 : i32
    %dma_start3A_259 = arith.constant 0 : i32
    %dma_start3A_260 = tpu.memref_slice %arg2[%dma_start3A, %dma_start3A_259] : memref<26000x128xf32, #tpu.memory_space<hbm>> -> memref<26000x128xf32, #tpu.memory_space<hbm>>
    tpu.enqueue_indirect_dma source(%dma_start3A_260 : memref<26000x128xf32, #tpu.memory_space<hbm>>) target(%arg7 : memref<208x128xf32, #tpu.memory_space<vmem>>) offsets(%arg5 : memref<208xi32, #tpu.memory_space<vmem>>) semaphore(%arg11 : memref<!tpu.dma_semaphore, #tpu.memory_space<semaphore_mem>>)
    %scan3A = arith.constant 0 : i32
    %scan3A_261 = arith.constant 0 : i32
    %scan3A_262 = arith.constant 8 : i32
    %scan3A_263 = arith.addi %scan3A_261, %scan3A_262 : i32
    %scan3A_264 = arith.constant 1 : i32
    scf.for %scan3A_277 = %scan3A_261 to %scan3A_263 step %scan3A_264  : i32 {
      %mul3A_278 = arith.constant 2 : i32
      %mul3A_279 = arith.muli %mul3A_278, %scan3A_277 : i32
      %add3A_280 = arith.constant 1 : i32
      %add3A_281 = arith.addi %mul3A_279, %add3A_280 : i32
      "tpu.region"() ({
        %run_scoped3A_330 = tpu.sem_alloc : memref<!tpu.dma_semaphore, #tpu.memory_space<semaphore_mem>>
        %dma_start3A_331 = arith.constant 0 : i32
        %dma_start3A_332 = tpu.memref_slice %arg3[%add3A, %add3A_281, %dma_start3A_331] : memref<32x16x208xi32, #tpu.memory_space<hbm>> -> memref<1x1x208xi32, #tpu.memory_space<hbm>>
        %dma_start3A_333 = tpu.memref_squeeze %dma_start3A_332 : memref<1x1x208xi32, #tpu.memory_space<hbm>> -> memref<208xi32, #tpu.memory_space<hbm>>
        %dma_start3A_334 = arith.constant 0 : i32
        %dma_start3A_335 = tpu.memref_slice %arg3[%add3A, %add3A_281, %dma_start3A_334] : memref<32x16x208xi32, #tpu.memory_space<hbm>> -> memref<1x1x208xi32, #tpu.memory_space<hbm>>
        %dma_start3A_336 = tpu.memref_squeeze %dma_start3A_335 : memref<1x1x208xi32, #tpu.memory_space<hbm>> -> memref<208xi32, #tpu.memory_space<hbm>>
        tpu.enqueue_dma source(%dma_start3A_336 : memref<208xi32, #tpu.memory_space<hbm>>) target(%arg6 : memref<208xi32, #tpu.memory_space<vmem>>) target_semaphore(%run_scoped3A_330 : memref<!tpu.dma_semaphore, #tpu.memory_space<semaphore_mem>>)
        %dma_wait3A_337 = arith.constant 0 : i32
        %dma_wait3A_338 = tpu.memref_slice %arg3[%add3A, %add3A_281, %dma_wait3A_337] : memref<32x16x208xi32, #tpu.memory_space<hbm>> -> memref<1x1x208xi32, #tpu.memory_space<hbm>>
        %dma_wait3A_339 = tpu.memref_squeeze %dma_wait3A_338 : memref<1x1x208xi32, #tpu.memory_space<hbm>> -> memref<208xi32, #tpu.memory_space<hbm>>
        %dma_wait3A_340 = arith.constant 0 : i32
        %dma_wait3A_341 = tpu.memref_slice %arg3[%add3A, %add3A_281, %dma_wait3A_340] : memref<32x16x208xi32, #tpu.memory_space<hbm>> -> memref<1x1x208xi32, #tpu.memory_space<hbm>>
        %dma_wait3A_342 = tpu.memref_squeeze %dma_wait3A_341 : memref<1x1x208xi32, #tpu.memory_space<hbm>> -> memref<208xi32, #tpu.memory_space<hbm>>
        tpu.wait_dma2 semaphore(%run_scoped3A_330 : memref<!tpu.dma_semaphore, #tpu.memory_space<semaphore_mem>>) src(%dma_wait3A_342 : memref<208xi32, #tpu.memory_space<hbm>>) dst(%arg6 : memref<208xi32, #tpu.memory_space<vmem>>)
        tpu.yield
      }) : () -> ()
      %dma_start3A_282 = arith.constant 0 : i32
      %dma_start3A_283 = arith.constant 0 : i32
      %dma_start3A_284 = tpu.memref_slice %arg2[%dma_start3A_282, %dma_start3A_283] : memref<26000x128xf32, #tpu.memory_space<hbm>> -> memref<26000x128xf32, #tpu.memory_space<hbm>>
      tpu.enqueue_indirect_dma source(%dma_start3A_284 : memref<26000x128xf32, #tpu.memory_space<hbm>>) target(%arg8 : memref<208x128xf32, #tpu.memory_space<vmem>>) offsets(%arg6 : memref<208xi32, #tpu.memory_space<vmem>>) semaphore(%arg12 : memref<!tpu.dma_semaphore, #tpu.memory_space<semaphore_mem>>)
      %dma_wait3A_285 = arith.constant 0 : i32
      %dma_wait3A_286 = arith.constant 0 : i32
      %dma_wait3A_287 = tpu.memref_slice %arg2[%dma_wait3A_285, %dma_wait3A_286] : memref<26000x128xf32, #tpu.memory_space<hbm>> -> memref<26000x128xf32, #tpu.memory_space<hbm>>
      tpu.wait_indirect_dma semaphore(%arg11 : memref<!tpu.dma_semaphore, #tpu.memory_space<semaphore_mem>>) src(%dma_wait3A_287 : memref<26000x128xf32, #tpu.memory_space<hbm>>) dst(%arg7 : memref<208x128xf32, #tpu.memory_space<vmem>>)
      %gt3A = arith.constant 0 : i32
      %gt3A_288 = arith.cmpi sgt, %scan3A_277, %gt3A : i32
      %convert_element_type3A = arith.extui %gt3A_288 : i1 to i32
      %cond3A = arith.constant 0 : i32
      %cond3A_289 = arith.cmpi ne, %convert_element_type3A, %cond3A : i32
      scf.if %cond3A_289 {
        %sub3A = arith.constant 2 : i32
        %sub3A_330 = arith.subi %mul3A_279, %sub3A : i32
        %mul3A_331 = arith.constant 8 : i32
        %mul3A_332 = arith.muli %sub3A_330, %mul3A_331 : i32
        %add3A_333 = arith.addi %mul3A_2, %mul3A_332 : i32
        %dma_wait3A_334 = arith.constant 0 : i32
        %dma_wait3A_335 = tpu.memref_slice %arg4[%add3A_333, %dma_wait3A_334] : memref<4096x896xi32, #tpu.memory_space<hbm>> -> memref<8x896xi32, #tpu.memory_space<hbm>>
        %dma_wait3A_336 = arith.constant 0 : i32
        %dma_wait3A_337 = tpu.memref_slice %arg4[%add3A_333, %dma_wait3A_336] : memref<4096x896xi32, #tpu.memory_space<hbm>> -> memref<8x896xi32, #tpu.memory_space<hbm>>
        tpu.wait_dma2 semaphore(%arg13 : memref<!tpu.dma_semaphore, #tpu.memory_space<semaphore_mem>>) src(%arg9 : memref<8x896xi32, #tpu.memory_space<vmem>>) dst(%dma_wait3A_337 : memref<8x896xi32, #tpu.memory_space<hbm>>)
      } else {
      }
      %scan3A_290 = arith.constant 0 : i32
      %scan3A_291 = arith.constant 0 : i32
      %scan3A_292 = arith.constant 8 : i32
      %scan3A_293 = arith.addi %scan3A_291, %scan3A_292 : i32
      %scan3A_294 = arith.constant 1 : i32
      scf.for %scan3A_330 = %scan3A_291 to %scan3A_293 step %scan3A_294  : i32 {
        %mul3A_331 = arith.constant 26 : i32
        %mul3A_332 = arith.muli %scan3A_330, %mul3A_331 : i32
        %add3A_333 = arith.constant 0 : i32
        %add3A_334 = arith.addi %mul3A_332, %add3A_333 : i32
        %get3A = arith.index_cast %add3A_334 : i32 to index
        %get3A_335 = arith.constant 0 : index
        %get3A_336 = tpu.vector_load %arg7[%get3A, %get3A_335] {strides = array<i32>} : memref<208x128xf32, #tpu.memory_space<vmem>>, vector<16xf32>,
        %get3A_337 = arith.index_cast %add3A_334 : i32 to index
        %get3A_338 = arith.constant 16 : index
        %get3A_339 = tpu.vector_load %arg7[%get3A_337, %get3A_338] {strides = array<i32>} : memref<208x128xf32, #tpu.memory_space<vmem>>, vector<16xf32>,
        %pack3A = tpu.pack_subelements %get3A_336, %get3A_339 {pack_format = #tpu.pack_format<interleaved>, positions = array<i32: 0, 1>} : vector<16xf32>, vector<16xf32> -> vector<32xbf16>
        %bitcast3A = vector.bitcast %pack3A : vector<32xbf16> to vector<16xi32>
        %swap3A_340 = arith.index_cast %scan3A_330 : i32 to index
        %swap3A_341 = arith.constant 0 : index
        %swap3A_342 = tpu.vector_load %arg9[%swap3A_340, %swap3A_341] {strides = array<i32>} : memref<8x896xi32, #tpu.memory_space<vmem>>, vector<16xi32>,
        tpu.vector_store %arg9[%swap3A_340, %swap3A_341], %bitcast3A {strides = array<i32>} : memref<8x896xi32, #tpu.memory_space<vmem>>, vector<16xi32>,
        %get3A_343 = arith.index_cast %add3A_334 : i32 to index
        %get3A_344 = arith.constant 32 : index
        %get3A_345 = tpu.vector_load %arg7[%get3A_343, %get3A_344] {strides = array<i32>} : memref<208x128xf32, #tpu.memory_space<vmem>>, vector<16xf32>,
        %get3A_346 = arith.index_cast %add3A_334 : i32 to index
        %get3A_347 = arith.constant 48 : index
        %get3A_348 = tpu.vector_load %arg7[%get3A_346, %get3A_347] {strides = array<i32>} : memref<208x128xf32, #tpu.memory_space<vmem>>, vector<16xf32>,
        %pack3A_349 = tpu.pack_subelements %get3A_345, %get3A_348 {pack_format = #tpu.pack_format<interleaved>, positions = array<i32: 0, 1>} : vector<16xf32>, vector<16xf32> -> vector<32xbf16>
        %bitcast3A_350 = vector.bitcast %pack3A_349 : vector<32xbf16> to vector<16xi32>
        %swap3A_351 = arith.index_cast %scan3A_330 : i32 to index
        %swap3A_352 = arith.constant 16 : index
        %swap3A_353 = tpu.vector_load %arg9[%swap3A_351, %swap3A_352] {strides = array<i32>} : memref<8x896xi32, #tpu.memory_space<vmem>>, vector<16xi32>,
        tpu.vector_store %arg9[%swap3A_351, %swap3A_352], %bitcast3A_350 {strides = array<i32>} : memref<8x896xi32, #tpu.memory_space<vmem>>, vector<16xi32>,
        %mul3A_354 = arith.constant 26 : i32
        %mul3A_355 = arith.muli %scan3A_330, %mul3A_354 : i32
        %add3A_356 = arith.constant 1 : i32
        %add3A_357 = arith.addi %mul3A_355, %add3A_356 : i32
        %get3A_358 = arith.index_cast %add3A_357 : i32 to index
        %get3A_359 = arith.constant 0 : index
        %get3A_360 = tpu.vector_load %arg7[%get3A_358, %get3A_359] {strides = array<i32>} : memref<208x128xf32, #tpu.memory_space<vmem>>, vector<16xf32>,
        %get3A_361 = arith.index_cast %add3A_357 : i32 to index
        %get3A_362 = arith.constant 16 : index
        %get3A_363 = tpu.vector_load %arg7[%get3A_361, %get3A_362] {strides = array<i32>} : memref<208x128xf32, #tpu.memory_space<vmem>>, vector<16xf32>,
        %pack3A_364 = tpu.pack_subelements %get3A_360, %get3A_363 {pack_format = #tpu.pack_format<interleaved>, positions = array<i32: 0, 1>} : vector<16xf32>, vector<16xf32> -> vector<32xbf16>
        %bitcast3A_365 = vector.bitcast %pack3A_364 : vector<32xbf16> to vector<16xi32>
        %swap3A_366 = arith.index_cast %scan3A_330 : i32 to index
        %swap3A_367 = arith.constant 32 : index
        %swap3A_368 = tpu.vector_load %arg9[%swap3A_366, %swap3A_367] {strides = array<i32>} : memref<8x896xi32, #tpu.memory_space<vmem>>, vector<16xi32>,
        tpu.vector_store %arg9[%swap3A_366, %swap3A_367], %bitcast3A_365 {strides = array<i32>} : memref<8x896xi32, #tpu.memory_space<vmem>>, vector<16xi32>,
        %get3A_369 = arith.index_cast %add3A_357 : i32 to index
        %get3A_370 = arith.constant 32 : index
        %get3A_371 = tpu.vector_load %arg7[%get3A_369, %get3A_370] {strides = array<i32>} : memref<208x128xf32, #tpu.memory_space<vmem>>, vector<16xf32>,
        %get3A_372 = arith.index_cast %add3A_357 : i32 to index
        %get3A_373 = arith.constant 48 : index
        %get3A_374 = tpu.vector_load %arg7[%get3A_372, %get3A_373] {strides = array<i32>} : memref<208x128xf32, #tpu.memory_space<vmem>>, vector<16xf32>,
        %pack3A_375 = tpu.pack_subelements %get3A_371, %get3A_374 {pack_format = #tpu.pack_format<interleaved>, positions = array<i32: 0, 1>} : vector<16xf32>, vector<16xf32> -> vector<32xbf16>
        %bitcast3A_376 = vector.bitcast %pack3A_375 : vector<32xbf16> to vector<16xi32>
        %swap3A_377 = arith.index_cast %scan3A_330 : i32 to index
        %swap3A_378 = arith.constant 48 : index
        %swap3A_379 = tpu.vector_load %arg9[%swap3A_377, %swap3A_378] {strides = array<i32>} : memref<8x896xi32, #tpu.memory_space<vmem>>, vector<16xi32>,
        tpu.vector_store %arg9[%swap3A_377, %swap3A_378], %bitcast3A_376 {strides = array<i32>} : memref<8x896xi32, #tpu.memory_space<vmem>>, vector<16xi32>,
        %mul3A_380 = arith.constant 26 : i32
        %mul3A_381 = arith.muli %scan3A_330, %mul3A_380 : i32
        %add3A_382 = arith.constant 2 : i32
        %add3A_383 = arith.addi %mul3A_381, %add3A_382 : i32
        %get3A_384 = arith.index_cast %add3A_383 : i32 to index
        %get3A_385 = arith.constant 0 : index
        %get3A_386 = tpu.vector_load %arg7[%get3A_384, %get3A_385] {strides = array<i32>} : memref<208x128xf32, #tpu.memory_space<vmem>>, vector<16xf32>,
        %get3A_387 = arith.index_cast %add3A_383 : i32 to index
        %get3A_388 = arith.constant 16 : index
        %get3A_389 = tpu.vector_load %arg7[%get3A_387, %get3A_388] {strides = array<i32>} : memref<208x128xf32, #tpu.memory_space<vmem>>, vector<16xf32>,
        %pack3A_390 = tpu.pack_subelements %get3A_386, %get3A_389 {pack_format = #tpu.pack_format<interleaved>, positions = array<i32: 0, 1>} : vector<16xf32>, vector<16xf32> -> vector<32xbf16>
        %bitcast3A_391 = vector.bitcast %pack3A_390 : vector<32xbf16> to vector<16xi32>
        %swap3A_392 = arith.index_cast %scan3A_330 : i32 to index
        %swap3A_393 = arith.constant 64 : index
        %swap3A_394 = tpu.vector_load %arg9[%swap3A_392, %swap3A_393] {strides = array<i32>} : memref<8x896xi32, #tpu.memory_space<vmem>>, vector<16xi32>,
        tpu.vector_store %arg9[%swap3A_392, %swap3A_393], %bitcast3A_391 {strides = array<i32>} : memref<8x896xi32, #tpu.memory_space<vmem>>, vector<16xi32>,
        %get3A_395 = arith.index_cast %add3A_383 : i32 to index
        %get3A_396 = arith.constant 32 : index
        %get3A_397 = tpu.vector_load %arg7[%get3A_395, %get3A_396] {strides = array<i32>} : memref<208x128xf32, #tpu.memory_space<vmem>>, vector<16xf32>,
        %get3A_398 = arith.index_cast %add3A_383 : i32 to index
        %get3A_399 = arith.constant 48 : index
        %get3A_400 = tpu.vector_load %arg7[%get3A_398, %get3A_399] {strides = array<i32>} : memref<208x128xf32, #tpu.memory_space<vmem>>, vector<16xf32>,
        %pack3A_401 = tpu.pack_subelements %get3A_397, %get3A_400 {pack_format = #tpu.pack_format<interleaved>, positions = array<i32: 0, 1>} : vector<16xf32>, vector<16xf32> -> vector<32xbf16>
        %bitcast3A_402 = vector.bitcast %pack3A_401 : vector<32xbf16> to vector<16xi32>
        %swap3A_403 = arith.index_cast %scan3A_330 : i32 to index
        %swap3A_404 = arith.constant 80 : index
        %swap3A_405 = tpu.vector_load %arg9[%swap3A_403, %swap3A_404] {strides = array<i32>} : memref<8x896xi32, #tpu.memory_space<vmem>>, vector<16xi32>,
        tpu.vector_store %arg9[%swap3A_403, %swap3A_404], %bitcast3A_402 {strides = array<i32>} : memref<8x896xi32, #tpu.memory_space<vmem>>, vector<16xi32>,
        %mul3A_406 = arith.constant 26 : i32
        %mul3A_407 = arith.muli %scan3A_330, %mul3A_406 : i32
        %add3A_408 = arith.constant 3 : i32
        %add3A_409 = arith.addi %mul3A_407, %add3A_408 : i32
        %get3A_410 = arith.index_cast %add3A_409 : i32 to index
        %get3A_411 = arith.constant 0 : index
        %get3A_412 = tpu.vector_load %arg7[%get3A_410, %get3A_411] {strides = array<i32>} : memref<208x128xf32, #tpu.memory_space<vmem>>, vector<16xf32>,
        %get3A_413 = arith.index_cast %add3A_409 : i32 to index
        %get3A_414 = arith.constant 16 : index
        %get3A_415 = tpu.vector_load %arg7[%get3A_413, %get3A_414] {strides = array<i32>} : memref<208x128xf32, #tpu.memory_space<vmem>>, vector<16xf32>,
        %pack3A_416 = tpu.pack_subelements %get3A_412, %get3A_415 {pack_format = #tpu.pack_format<interleaved>, positions = array<i32: 0, 1>} : vector<16xf32>, vector<16xf32> -> vector<32xbf16>
        %bitcast3A_417 = vector.bitcast %pack3A_416 : vector<32xbf16> to vector<16xi32>
        %swap3A_418 = arith.index_cast %scan3A_330 : i32 to index
        %swap3A_419 = arith.constant 96 : index
        %swap3A_420 = tpu.vector_load %arg9[%swap3A_418, %swap3A_419] {strides = array<i32>} : memref<8x896xi32, #tpu.memory_space<vmem>>, vector<16xi32>,
        tpu.vector_store %arg9[%swap3A_418, %swap3A_419], %bitcast3A_417 {strides = array<i32>} : memref<8x896xi32, #tpu.memory_space<vmem>>, vector<16xi32>,
        %get3A_421 = arith.index_cast %add3A_409 : i32 to index
        %get3A_422 = arith.constant 32 : index
        %get3A_423 = tpu.vector_load %arg7[%get3A_421, %get3A_422] {strides = array<i32>} : memref<208x128xf32, #tpu.memory_space<vmem>>, vector<16xf32>,
        %get3A_424 = arith.index_cast %add3A_409 : i32 to index
        %get3A_425 = arith.constant 48 : index
        %get3A_426 = tpu.vector_load %arg7[%get3A_424, %get3A_425] {strides = array<i32>} : memref<208x128xf32, #tpu.memory_space<vmem>>, vector<16xf32>,
        %pack3A_427 = tpu.pack_subelements %get3A_423, %get3A_426 {pack_format = #tpu.pack_format<interleaved>, positions = array<i32: 0, 1>} : vector<16xf32>, vector<16xf32> -> vector<32xbf16>
        %bitcast3A_428 = vector.bitcast %pack3A_427 : vector<32xbf16> to vector<16xi32>
        %swap3A_429 = arith.index_cast %scan3A_330 : i32 to index
        %swap3A_430 = arith.constant 112 : index
        %swap3A_431 = tpu.vector_load %arg9[%swap3A_429, %swap3A_430] {strides = array<i32>} : memref<8x896xi32, #tpu.memory_space<vmem>>, vector<16xi32>,
        tpu.vector_store %arg9[%swap3A_429, %swap3A_430], %bitcast3A_428 {strides = array<i32>} : memref<8x896xi32, #tpu.memory_space<vmem>>, vector<16xi32>,
        %mul3A_432 = arith.constant 26 : i32
        %mul3A_433 = arith.muli %scan3A_330, %mul3A_432 : i32
        %add3A_434 = arith.constant 4 : i32
        %add3A_435 = arith.addi %mul3A_433, %add3A_434 : i32
        %get3A_436 = arith.index_cast %add3A_435 : i32 to index
        %get3A_437 = arith.constant 0 : index
        %get3A_438 = tpu.vector_load %arg7[%get3A_436, %get3A_437] {strides = array<i32>} : memref<208x128xf32, #tpu.memory_space<vmem>>, vector<16xf32>,
        %get3A_439 = arith.index_cast %add3A_435 : i32 to index
        %get3A_440 = arith.constant 16 : index
        %get3A_441 = tpu.vector_load %arg7[%get3A_439, %get3A_440] {strides = array<i32>} : memref<208x128xf32, #tpu.memory_space<vmem>>, vector<16xf32>,
        %pack3A_442 = tpu.pack_subelements %get3A_438, %get3A_441 {pack_format = #tpu.pack_format<interleaved>, positions = array<i32: 0, 1>} : vector<16xf32>, vector<16xf32> -> vector<32xbf16>
        %bitcast3A_443 = vector.bitcast %pack3A_442 : vector<32xbf16> to vector<16xi32>
        %swap3A_444 = arith.index_cast %scan3A_330 : i32 to index
        %swap3A_445 = arith.constant 128 : index
        %swap3A_446 = tpu.vector_load %arg9[%swap3A_444, %swap3A_445] {strides = array<i32>} : memref<8x896xi32, #tpu.memory_space<vmem>>, vector<16xi32>,
        tpu.vector_store %arg9[%swap3A_444, %swap3A_445], %bitcast3A_443 {strides = array<i32>} : memref<8x896xi32, #tpu.memory_space<vmem>>, vector<16xi32>,
        %get3A_447 = arith.index_cast %add3A_435 : i32 to index
        %get3A_448 = arith.constant 32 : index
        %get3A_449 = tpu.vector_load %arg7[%get3A_447, %get3A_448] {strides = array<i32>} : memref<208x128xf32, #tpu.memory_space<vmem>>, vector<16xf32>,
        %get3A_450 = arith.index_cast %add3A_435 : i32 to index
        %get3A_451 = arith.constant 48 : index
        %get3A_452 = tpu.vector_load %arg7[%get3A_450, %get3A_451] {strides = array<i32>} : memref<208x128xf32, #tpu.memory_space<vmem>>, vector<16xf32>,
        %pack3A_453 = tpu.pack_subelements %get3A_449, %get3A_452 {pack_format = #tpu.pack_format<interleaved>, positions = array<i32: 0, 1>} : vector<16xf32>, vector<16xf32> -> vector<32xbf16>
        %bitcast3A_454 = vector.bitcast %pack3A_453 : vector<32xbf16> to vector<16xi32>
        %swap3A_455 = arith.index_cast %scan3A_330 : i32 to index
        %swap3A_456 = arith.constant 144 : index
        %swap3A_457 = tpu.vector_load %arg9[%swap3A_455, %swap3A_456] {strides = array<i32>} : memref<8x896xi32, #tpu.memory_space<vmem>>, vector<16xi32>,
        tpu.vector_store %arg9[%swap3A_455, %swap3A_456], %bitcast3A_454 {strides = array<i32>} : memref<8x896xi32, #tpu.memory_space<vmem>>, vector<16xi32>,
        %mul3A_458 = arith.constant 26 : i32
        %mul3A_459 = arith.muli %scan3A_330, %mul3A_458 : i32
        %add3A_460 = arith.constant 5 : i32
        %add3A_461 = arith.addi %mul3A_459, %add3A_460 : i32
        %get3A_462 = arith.index_cast %add3A_461 : i32 to index
        %get3A_463 = arith.constant 0 : index
        %get3A_464 = tpu.vector_load %arg7[%get3A_462, %get3A_463] {strides = array<i32>} : memref<208x128xf32, #tpu.memory_space<vmem>>, vector<16xf32>,
        %get3A_465 = arith.index_cast %add3A_461 : i32 to index
        %get3A_466 = arith.constant 16 : index
        %get3A_467 = tpu.vector_load %arg7[%get3A_465, %get3A_466] {strides = array<i32>} : memref<208x128xf32, #tpu.memory_space<vmem>>, vector<16xf32>,
        %pack3A_468 = tpu.pack_subelements %get3A_464, %get3A_467 {pack_format = #tpu.pack_format<interleaved>, positions = array<i32: 0, 1>} : vector<16xf32>, vector<16xf32> -> vector<32xbf16>
        %bitcast3A_469 = vector.bitcast %pack3A_468 : vector<32xbf16> to vector<16xi32>
        %swap3A_470 = arith.index_cast %scan3A_330 : i32 to index
        %swap3A_471 = arith.constant 160 : index
        %swap3A_472 = tpu.vector_load %arg9[%swap3A_470, %swap3A_471] {strides = array<i32>} : memref<8x896xi32, #tpu.memory_space<vmem>>, vector<16xi32>,
        tpu.vector_store %arg9[%swap3A_470, %swap3A_471], %bitcast3A_469 {strides = array<i32>} : memref<8x896xi32, #tpu.memory_space<vmem>>, vector<16xi32>,
        %get3A_473 = arith.index_cast %add3A_461 : i32 to index
        %get3A_474 = arith.constant 32 : index
        %get3A_475 = tpu.vector_load %arg7[%get3A_473, %get3A_474] {strides = array<i32>} : memref<208x128xf32, #tpu.memory_space<vmem>>, vector<16xf32>,
        %get3A_476 = arith.index_cast %add3A_461 : i32 to index
        %get3A_477 = arith.constant 48 : index
        %get3A_478 = tpu.vector_load %arg7[%get3A_476, %get3A_477] {strides = array<i32>} : memref<208x128xf32, #tpu.memory_space<vmem>>, vector<16xf32>,
        %pack3A_479 = tpu.pack_subelements %get3A_475, %get3A_478 {pack_format = #tpu.pack_format<interleaved>, positions = array<i32: 0, 1>} : vector<16xf32>, vector<16xf32> -> vector<32xbf16>
        %bitcast3A_480 = vector.bitcast %pack3A_479 : vector<32xbf16> to vector<16xi32>
        %swap3A_481 = arith.index_cast %scan3A_330 : i32 to index
        %swap3A_482 = arith.constant 176 : index
        %swap3A_483 = tpu.vector_load %arg9[%swap3A_481, %swap3A_482] {strides = array<i32>} : memref<8x896xi32, #tpu.memory_space<vmem>>, vector<16xi32>,
        tpu.vector_store %arg9[%swap3A_481, %swap3A_482], %bitcast3A_480 {strides = array<i32>} : memref<8x896xi32, #tpu.memory_space<vmem>>, vector<16xi32>,
        %mul3A_484 = arith.constant 26 : i32
        %mul3A_485 = arith.muli %scan3A_330, %mul3A_484 : i32
        %add3A_486 = arith.constant 6 : i32
        %add3A_487 = arith.addi %mul3A_485, %add3A_486 : i32
        %get3A_488 = arith.index_cast %add3A_487 : i32 to index
        %get3A_489 = arith.constant 0 : index
        %get3A_490 = tpu.vector_load %arg7[%get3A_488, %get3A_489] {strides = array<i32>} : memref<208x128xf32, #tpu.memory_space<vmem>>, vector<16xf32>,
        %get3A_491 = arith.index_cast %add3A_487 : i32 to index
        %get3A_492 = arith.constant 16 : index
        %get3A_493 = tpu.vector_load %arg7[%get3A_491, %get3A_492] {strides = array<i32>} : memref<208x128xf32, #tpu.memory_space<vmem>>, vector<16xf32>,
        %pack3A_494 = tpu.pack_subelements %get3A_490, %get3A_493 {pack_format = #tpu.pack_format<interleaved>, positions = array<i32: 0, 1>} : vector<16xf32>, vector<16xf32> -> vector<32xbf16>
        %bitcast3A_495 = vector.bitcast %pack3A_494 : vector<32xbf16> to vector<16xi32>
        %swap3A_496 = arith.index_cast %scan3A_330 : i32 to index
        %swap3A_497 = arith.constant 192 : index
        %swap3A_498 = tpu.vector_load %arg9[%swap3A_496, %swap3A_497] {strides = array<i32>} : memref<8x896xi32, #tpu.memory_space<vmem>>, vector<16xi32>,
        tpu.vector_store %arg9[%swap3A_496, %swap3A_497], %bitcast3A_495 {strides = array<i32>} : memref<8x896xi32, #tpu.memory_space<vmem>>, vector<16xi32>,
        %get3A_499 = arith.index_cast %add3A_487 : i32 to index
        %get3A_500 = arith.constant 32 : index
        %get3A_501 = tpu.vector_load %arg7[%get3A_499, %get3A_500] {strides = array<i32>} : memref<208x128xf32, #tpu.memory_space<vmem>>, vector<16xf32>,
        %get3A_502 = arith.index_cast %add3A_487 : i32 to index
        %get3A_503 = arith.constant 48 : index
        %get3A_504 = tpu.vector_load %arg7[%get3A_502, %get3A_503] {strides = array<i32>} : memref<208x128xf32, #tpu.memory_space<vmem>>, vector<16xf32>,
        %pack3A_505 = tpu.pack_subelements %get3A_501, %get3A_504 {pack_format = #tpu.pack_format<interleaved>, positions = array<i32: 0, 1>} : vector<16xf32>, vector<16xf32> -> vector<32xbf16>
        %bitcast3A_506 = vector.bitcast %pack3A_505 : vector<32xbf16> to vector<16xi32>
        %swap3A_507 = arith.index_cast %scan3A_330 : i32 to index
        %swap3A_508 = arith.constant 208 : index
        %swap3A_509 = tpu.vector_load %arg9[%swap3A_507, %swap3A_508] {strides = array<i32>} : memref<8x896xi32, #tpu.memory_space<vmem>>, vector<16xi32>,
        tpu.vector_store %arg9[%swap3A_507, %swap3A_508], %bitcast3A_506 {strides = array<i32>} : memref<8x896xi32, #tpu.memory_space<vmem>>, vector<16xi32>,
        %mul3A_510 = arith.constant 26 : i32
        %mul3A_511 = arith.muli %scan3A_330, %mul3A_510 : i32
        %add3A_512 = arith.constant 7 : i32
        %add3A_513 = arith.addi %mul3A_511, %add3A_512 : i32
        %get3A_514 = arith.index_cast %add3A_513 : i32 to index
        %get3A_515 = arith.constant 0 : index
        %get3A_516 = tpu.vector_load %arg7[%get3A_514, %get3A_515] {strides = array<i32>} : memref<208x128xf32, #tpu.memory_space<vmem>>, vector<16xf32>,
        %get3A_517 = arith.index_cast %add3A_513 : i32 to index
        %get3A_518 = arith.constant 16 : index
        %get3A_519 = tpu.vector_load %arg7[%get3A_517, %get3A_518] {strides = array<i32>} : memref<208x128xf32, #tpu.memory_space<vmem>>, vector<16xf32>,
        %pack3A_520 = tpu.pack_subelements %get3A_516, %get3A_519 {pack_format = #tpu.pack_format<interleaved>, positions = array<i32: 0, 1>} : vector<16xf32>, vector<16xf32> -> vector<32xbf16>
        %bitcast3A_521 = vector.bitcast %pack3A_520 : vector<32xbf16> to vector<16xi32>
        %swap3A_522 = arith.index_cast %scan3A_330 : i32 to index
        %swap3A_523 = arith.constant 224 : index
        %swap3A_524 = tpu.vector_load %arg9[%swap3A_522, %swap3A_523] {strides = array<i32>} : memref<8x896xi32, #tpu.memory_space<vmem>>, vector<16xi32>,
        tpu.vector_store %arg9[%swap3A_522, %swap3A_523], %bitcast3A_521 {strides = array<i32>} : memref<8x896xi32, #tpu.memory_space<vmem>>, vector<16xi32>,
        %get3A_525 = arith.index_cast %add3A_513 : i32 to index
        %get3A_526 = arith.constant 32 : index
        %get3A_527 = tpu.vector_load %arg7[%get3A_525, %get3A_526] {strides = array<i32>} : memref<208x128xf32, #tpu.memory_space<vmem>>, vector<16xf32>,
        %get3A_528 = arith.index_cast %add3A_513 : i32 to index
        %get3A_529 = arith.constant 48 : index
        %get3A_530 = tpu.vector_load %arg7[%get3A_528, %get3A_529] {strides = array<i32>} : memref<208x128xf32, #tpu.memory_space<vmem>>, vector<16xf32>,
        %pack3A_531 = tpu.pack_subelements %get3A_527, %get3A_530 {pack_format = #tpu.pack_format<interleaved>, positions = array<i32: 0, 1>} : vector<16xf32>, vector<16xf32> -> vector<32xbf16>
        %bitcast3A_532 = vector.bitcast %pack3A_531 : vector<32xbf16> to vector<16xi32>
        %swap3A_533 = arith.index_cast %scan3A_330 : i32 to index
        %swap3A_534 = arith.constant 240 : index
        %swap3A_535 = tpu.vector_load %arg9[%swap3A_533, %swap3A_534] {strides = array<i32>} : memref<8x896xi32, #tpu.memory_space<vmem>>, vector<16xi32>,
        tpu.vector_store %arg9[%swap3A_533, %swap3A_534], %bitcast3A_532 {strides = array<i32>} : memref<8x896xi32, #tpu.memory_space<vmem>>, vector<16xi32>,
        %mul3A_536 = arith.constant 26 : i32
        %mul3A_537 = arith.muli %scan3A_330, %mul3A_536 : i32
        %add3A_538 = arith.constant 8 : i32
        %add3A_539 = arith.addi %mul3A_537, %add3A_538 : i32
        %get3A_540 = arith.index_cast %add3A_539 : i32 to index
        %get3A_541 = arith.constant 0 : index
        %get3A_542 = tpu.vector_load %arg7[%get3A_540, %get3A_541] {strides = array<i32>} : memref<208x128xf32, #tpu.memory_space<vmem>>, vector<16xf32>,
        %get3A_543 = arith.index_cast %add3A_539 : i32 to index
        %get3A_544 = arith.constant 16 : index
        %get3A_545 = tpu.vector_load %arg7[%get3A_543, %get3A_544] {strides = array<i32>} : memref<208x128xf32, #tpu.memory_space<vmem>>, vector<16xf32>,
        %pack3A_546 = tpu.pack_subelements %get3A_542, %get3A_545 {pack_format = #tpu.pack_format<interleaved>, positions = array<i32: 0, 1>} : vector<16xf32>, vector<16xf32> -> vector<32xbf16>
        %bitcast3A_547 = vector.bitcast %pack3A_546 : vector<32xbf16> to vector<16xi32>
        %swap3A_548 = arith.index_cast %scan3A_330 : i32 to index
        %swap3A_549 = arith.constant 256 : index
        %swap3A_550 = tpu.vector_load %arg9[%swap3A_548, %swap3A_549] {strides = array<i32>} : memref<8x896xi32, #tpu.memory_space<vmem>>, vector<16xi32>,
        tpu.vector_store %arg9[%swap3A_548, %swap3A_549], %bitcast3A_547 {strides = array<i32>} : memref<8x896xi32, #tpu.memory_space<vmem>>, vector<16xi32>,
        %get3A_551 = arith.index_cast %add3A_539 : i32 to index
        %get3A_552 = arith.constant 32 : index
        %get3A_553 = tpu.vector_load %arg7[%get3A_551, %get3A_552] {strides = array<i32>} : memref<208x128xf32, #tpu.memory_space<vmem>>, vector<16xf32>,
        %get3A_554 = arith.index_cast %add3A_539 : i32 to index
        %get3A_555 = arith.constant 48 : index
        %get3A_556 = tpu.vector_load %arg7[%get3A_554, %get3A_555] {strides = array<i32>} : memref<208x128xf32, #tpu.memory_space<vmem>>, vector<16xf32>,
        %pack3A_557 = tpu.pack_subelements %get3A_553, %get3A_556 {pack_format = #tpu.pack_format<interleaved>, positions = array<i32: 0, 1>} : vector<16xf32>, vector<16xf32> -> vector<32xbf16>
        %bitcast3A_558 = vector.bitcast %pack3A_557 : vector<32xbf16> to vector<16xi32>
        %swap3A_559 = arith.index_cast %scan3A_330 : i32 to index
        %swap3A_560 = arith.constant 272 : index
        %swap3A_561 = tpu.vector_load %arg9[%swap3A_559, %swap3A_560] {strides = array<i32>} : memref<8x896xi32, #tpu.memory_space<vmem>>, vector<16xi32>,
        tpu.vector_store %arg9[%swap3A_559, %swap3A_560], %bitcast3A_558 {strides = array<i32>} : memref<8x896xi32, #tpu.memory_space<vmem>>, vector<16xi32>,
        %mul3A_562 = arith.constant 26 : i32
        %mul3A_563 = arith.muli %scan3A_330, %mul3A_562 : i32
        %add3A_564 = arith.constant 9 : i32
        %add3A_565 = arith.addi %mul3A_563, %add3A_564 : i32
        %get3A_566 = arith.index_cast %add3A_565 : i32 to index
        %get3A_567 = arith.constant 0 : index
        %get3A_568 = tpu.vector_load %arg7[%get3A_566, %get3A_567] {strides = array<i32>} : memref<208x128xf32, #tpu.memory_space<vmem>>, vector<16xf32>,
        %get3A_569 = arith.index_cast %add3A_565 : i32 to index
        %get3A_570 = arith.constant 16 : index
        %get3A_571 = tpu.vector_load %arg7[%get3A_569, %get3A_570] {strides = array<i32>} : memref<208x128xf32, #tpu.memory_space<vmem>>, vector<16xf32>,
        %pack3A_572 = tpu.pack_subelements %get3A_568, %get3A_571 {pack_format = #tpu.pack_format<interleaved>, positions = array<i32: 0, 1>} : vector<16xf32>, vector<16xf32> -> vector<32xbf16>
        %bitcast3A_573 = vector.bitcast %pack3A_572 : vector<32xbf16> to vector<16xi32>
        %swap3A_574 = arith.index_cast %scan3A_330 : i32 to index
        %swap3A_575 = arith.constant 288 : index
        %swap3A_576 = tpu.vector_load %arg9[%swap3A_574, %swap3A_575] {strides = array<i32>} : memref<8x896xi32, #tpu.memory_space<vmem>>, vector<16xi32>,
        tpu.vector_store %arg9[%swap3A_574, %swap3A_575], %bitcast3A_573 {strides = array<i32>} : memref<8x896xi32, #tpu.memory_space<vmem>>, vector<16xi32>,
        %get3A_577 = arith.index_cast %add3A_565 : i32 to index
        %get3A_578 = arith.constant 32 : index
        %get3A_579 = tpu.vector_load %arg7[%get3A_577, %get3A_578] {strides = array<i32>} : memref<208x128xf32, #tpu.memory_space<vmem>>, vector<16xf32>,
        %get3A_580 = arith.index_cast %add3A_565 : i32 to index
        %get3A_581 = arith.constant 48 : index
        %get3A_582 = tpu.vector_load %arg7[%get3A_580, %get3A_581] {strides = array<i32>} : memref<208x128xf32, #tpu.memory_space<vmem>>, vector<16xf32>,
        %pack3A_583 = tpu.pack_subelements %get3A_579, %get3A_582 {pack_format = #tpu.pack_format<interleaved>, positions = array<i32: 0, 1>} : vector<16xf32>, vector<16xf32> -> vector<32xbf16>
        %bitcast3A_584 = vector.bitcast %pack3A_583 : vector<32xbf16> to vector<16xi32>
        %swap3A_585 = arith.index_cast %scan3A_330 : i32 to index
        %swap3A_586 = arith.constant 304 : index
        %swap3A_587 = tpu.vector_load %arg9[%swap3A_585, %swap3A_586] {strides = array<i32>} : memref<8x896xi32, #tpu.memory_space<vmem>>, vector<16xi32>,
        tpu.vector_store %arg9[%swap3A_585, %swap3A_586], %bitcast3A_584 {strides = array<i32>} : memref<8x896xi32, #tpu.memory_space<vmem>>, vector<16xi32>,
        %mul3A_588 = arith.constant 26 : i32
        %mul3A_589 = arith.muli %scan3A_330, %mul3A_588 : i32
        %add3A_590 = arith.constant 10 : i32
        %add3A_591 = arith.addi %mul3A_589, %add3A_590 : i32
        %get3A_592 = arith.index_cast %add3A_591 : i32 to index
        %get3A_593 = arith.constant 0 : index
        %get3A_594 = tpu.vector_load %arg7[%get3A_592, %get3A_593] {strides = array<i32>} : memref<208x128xf32, #tpu.memory_space<vmem>>, vector<16xf32>,
        %get3A_595 = arith.index_cast %add3A_591 : i32 to index
        %get3A_596 = arith.constant 16 : index
        %get3A_597 = tpu.vector_load %arg7[%get3A_595, %get3A_596] {strides = array<i32>} : memref<208x128xf32, #tpu.memory_space<vmem>>, vector<16xf32>,
        %pack3A_598 = tpu.pack_subelements %get3A_594, %get3A_597 {pack_format = #tpu.pack_format<interleaved>, positions = array<i32: 0, 1>} : vector<16xf32>, vector<16xf32> -> vector<32xbf16>
        %bitcast3A_599 = vector.bitcast %pack3A_598 : vector<32xbf16> to vector<16xi32>
        %swap3A_600 = arith.index_cast %scan3A_330 : i32 to index
        %swap3A_601 = arith.constant 320 : index
        %swap3A_602 = tpu.vector_load %arg9[%swap3A_600, %swap3A_601] {strides = array<i32>} : memref<8x896xi32, #tpu.memory_space<vmem>>, vector<16xi32>,
        tpu.vector_store %arg9[%swap3A_600, %swap3A_601], %bitcast3A_599 {strides = array<i32>} : memref<8x896xi32, #tpu.memory_space<vmem>>, vector<16xi32>,
        %get3A_603 = arith.index_cast %add3A_591 : i32 to index
        %get3A_604 = arith.constant 32 : index
        %get3A_605 = tpu.vector_load %arg7[%get3A_603, %get3A_604] {strides = array<i32>} : memref<208x128xf32, #tpu.memory_space<vmem>>, vector<16xf32>,
        %get3A_606 = arith.index_cast %add3A_591 : i32 to index
        %get3A_607 = arith.constant 48 : index
        %get3A_608 = tpu.vector_load %arg7[%get3A_606, %get3A_607] {strides = array<i32>} : memref<208x128xf32, #tpu.memory_space<vmem>>, vector<16xf32>,
        %pack3A_609 = tpu.pack_subelements %get3A_605, %get3A_608 {pack_format = #tpu.pack_format<interleaved>, positions = array<i32: 0, 1>} : vector<16xf32>, vector<16xf32> -> vector<32xbf16>
        %bitcast3A_610 = vector.bitcast %pack3A_609 : vector<32xbf16> to vector<16xi32>
        %swap3A_611 = arith.index_cast %scan3A_330 : i32 to index
        %swap3A_612 = arith.constant 336 : index
        %swap3A_613 = tpu.vector_load %arg9[%swap3A_611, %swap3A_612] {strides = array<i32>} : memref<8x896xi32, #tpu.memory_space<vmem>>, vector<16xi32>,
        tpu.vector_store %arg9[%swap3A_611, %swap3A_612], %bitcast3A_610 {strides = array<i32>} : memref<8x896xi32, #tpu.memory_space<vmem>>, vector<16xi32>,
        %mul3A_614 = arith.constant 26 : i32
        %mul3A_615 = arith.muli %scan3A_330, %mul3A_614 : i32
        %add3A_616 = arith.constant 11 : i32
        %add3A_617 = arith.addi %mul3A_615, %add3A_616 : i32
        %get3A_618 = arith.index_cast %add3A_617 : i32 to index
        %get3A_619 = arith.constant 0 : index
        %get3A_620 = tpu.vector_load %arg7[%get3A_618, %get3A_619] {strides = array<i32>} : memref<208x128xf32, #tpu.memory_space<vmem>>, vector<16xf32>,
        %get3A_621 = arith.index_cast %add3A_617 : i32 to index
        %get3A_622 = arith.constant 16 : index
        %get3A_623 = tpu.vector_load %arg7[%get3A_621, %get3A_622] {strides = array<i32>} : memref<208x128xf32, #tpu.memory_space<vmem>>, vector<16xf32>,
        %pack3A_624 = tpu.pack_subelements %get3A_620, %get3A_623 {pack_format = #tpu.pack_format<interleaved>, positions = array<i32: 0, 1>} : vector<16xf32>, vector<16xf32> -> vector<32xbf16>
        %bitcast3A_625 = vector.bitcast %pack3A_624 : vector<32xbf16> to vector<16xi32>
        %swap3A_626 = arith.index_cast %scan3A_330 : i32 to index
        %swap3A_627 = arith.constant 352 : index
        %swap3A_628 = tpu.vector_load %arg9[%swap3A_626, %swap3A_627] {strides = array<i32>} : memref<8x896xi32, #tpu.memory_space<vmem>>, vector<16xi32>,
        tpu.vector_store %arg9[%swap3A_626, %swap3A_627], %bitcast3A_625 {strides = array<i32>} : memref<8x896xi32, #tpu.memory_space<vmem>>, vector<16xi32>,
        %get3A_629 = arith.index_cast %add3A_617 : i32 to index
        %get3A_630 = arith.constant 32 : index
        %get3A_631 = tpu.vector_load %arg7[%get3A_629, %get3A_630] {strides = array<i32>} : memref<208x128xf32, #tpu.memory_space<vmem>>, vector<16xf32>,
        %get3A_632 = arith.index_cast %add3A_617 : i32 to index
        %get3A_633 = arith.constant 48 : index
        %get3A_634 = tpu.vector_load %arg7[%get3A_632, %get3A_633] {strides = array<i32>} : memref<208x128xf32, #tpu.memory_space<vmem>>, vector<16xf32>,
        %pack3A_635 = tpu.pack_subelements %get3A_631, %get3A_634 {pack_format = #tpu.pack_format<interleaved>, positions = array<i32: 0, 1>} : vector<16xf32>, vector<16xf32> -> vector<32xbf16>
        %bitcast3A_636 = vector.bitcast %pack3A_635 : vector<32xbf16> to vector<16xi32>
        %swap3A_637 = arith.index_cast %scan3A_330 : i32 to index
        %swap3A_638 = arith.constant 368 : index
        %swap3A_639 = tpu.vector_load %arg9[%swap3A_637, %swap3A_638] {strides = array<i32>} : memref<8x896xi32, #tpu.memory_space<vmem>>, vector<16xi32>,
        tpu.vector_store %arg9[%swap3A_637, %swap3A_638], %bitcast3A_636 {strides = array<i32>} : memref<8x896xi32, #tpu.memory_space<vmem>>, vector<16xi32>,
        %mul3A_640 = arith.constant 26 : i32
        %mul3A_641 = arith.muli %scan3A_330, %mul3A_640 : i32
        %add3A_642 = arith.constant 12 : i32
        %add3A_643 = arith.addi %mul3A_641, %add3A_642 : i32
        %get3A_644 = arith.index_cast %add3A_643 : i32 to index
        %get3A_645 = arith.constant 0 : index
        %get3A_646 = tpu.vector_load %arg7[%get3A_644, %get3A_645] {strides = array<i32>} : memref<208x128xf32, #tpu.memory_space<vmem>>, vector<16xf32>,
        %get3A_647 = arith.index_cast %add3A_643 : i32 to index
        %get3A_648 = arith.constant 16 : index
        %get3A_649 = tpu.vector_load %arg7[%get3A_647, %get3A_648] {strides = array<i32>} : memref<208x128xf32, #tpu.memory_space<vmem>>, vector<16xf32>,
        %pack3A_650 = tpu.pack_subelements %get3A_646, %get3A_649 {pack_format = #tpu.pack_format<interleaved>, positions = array<i32: 0, 1>} : vector<16xf32>, vector<16xf32> -> vector<32xbf16>
        %bitcast3A_651 = vector.bitcast %pack3A_650 : vector<32xbf16> to vector<16xi32>
        %swap3A_652 = arith.index_cast %scan3A_330 : i32 to index
        %swap3A_653 = arith.constant 384 : index
        %swap3A_654 = tpu.vector_load %arg9[%swap3A_652, %swap3A_653] {strides = array<i32>} : memref<8x896xi32, #tpu.memory_space<vmem>>, vector<16xi32>,
        tpu.vector_store %arg9[%swap3A_652, %swap3A_653], %bitcast3A_651 {strides = array<i32>} : memref<8x896xi32, #tpu.memory_space<vmem>>, vector<16xi32>,
        %get3A_655 = arith.index_cast %add3A_643 : i32 to index
        %get3A_656 = arith.constant 32 : index
        %get3A_657 = tpu.vector_load %arg7[%get3A_655, %get3A_656] {strides = array<i32>} : memref<208x128xf32, #tpu.memory_space<vmem>>, vector<16xf32>,
        %get3A_658 = arith.index_cast %add3A_643 : i32 to index
        %get3A_659 = arith.constant 48 : index
        %get3A_660 = tpu.vector_load %arg7[%get3A_658, %get3A_659] {strides = array<i32>} : memref<208x128xf32, #tpu.memory_space<vmem>>, vector<16xf32>,
        %pack3A_661 = tpu.pack_subelements %get3A_657, %get3A_660 {pack_format = #tpu.pack_format<interleaved>, positions = array<i32: 0, 1>} : vector<16xf32>, vector<16xf32> -> vector<32xbf16>
        %bitcast3A_662 = vector.bitcast %pack3A_661 : vector<32xbf16> to vector<16xi32>
        %swap3A_663 = arith.index_cast %scan3A_330 : i32 to index
        %swap3A_664 = arith.constant 400 : index
        %swap3A_665 = tpu.vector_load %arg9[%swap3A_663, %swap3A_664] {strides = array<i32>} : memref<8x896xi32, #tpu.memory_space<vmem>>, vector<16xi32>,
        tpu.vector_store %arg9[%swap3A_663, %swap3A_664], %bitcast3A_662 {strides = array<i32>} : memref<8x896xi32, #tpu.memory_space<vmem>>, vector<16xi32>,
        %mul3A_666 = arith.constant 26 : i32
        %mul3A_667 = arith.muli %scan3A_330, %mul3A_666 : i32
        %add3A_668 = arith.constant 13 : i32
        %add3A_669 = arith.addi %mul3A_667, %add3A_668 : i32
        %get3A_670 = arith.index_cast %add3A_669 : i32 to index
        %get3A_671 = arith.constant 0 : index
        %get3A_672 = tpu.vector_load %arg7[%get3A_670, %get3A_671] {strides = array<i32>} : memref<208x128xf32, #tpu.memory_space<vmem>>, vector<16xf32>,
        %get3A_673 = arith.index_cast %add3A_669 : i32 to index
        %get3A_674 = arith.constant 16 : index
        %get3A_675 = tpu.vector_load %arg7[%get3A_673, %get3A_674] {strides = array<i32>} : memref<208x128xf32, #tpu.memory_space<vmem>>, vector<16xf32>,
        %pack3A_676 = tpu.pack_subelements %get3A_672, %get3A_675 {pack_format = #tpu.pack_format<interleaved>, positions = array<i32: 0, 1>} : vector<16xf32>, vector<16xf32> -> vector<32xbf16>
        %bitcast3A_677 = vector.bitcast %pack3A_676 : vector<32xbf16> to vector<16xi32>
        %swap3A_678 = arith.index_cast %scan3A_330 : i32 to index
        %swap3A_679 = arith.constant 416 : index
        %swap3A_680 = tpu.vector_load %arg9[%swap3A_678, %swap3A_679] {strides = array<i32>} : memref<8x896xi32, #tpu.memory_space<vmem>>, vector<16xi32>,
        tpu.vector_store %arg9[%swap3A_678, %swap3A_679], %bitcast3A_677 {strides = array<i32>} : memref<8x896xi32, #tpu.memory_space<vmem>>, vector<16xi32>,
        %get3A_681 = arith.index_cast %add3A_669 : i32 to index
        %get3A_682 = arith.constant 32 : index
        %get3A_683 = tpu.vector_load %arg7[%get3A_681, %get3A_682] {strides = array<i32>} : memref<208x128xf32, #tpu.memory_space<vmem>>, vector<16xf32>,
        %get3A_684 = arith.index_cast %add3A_669 : i32 to index
        %get3A_685 = arith.constant 48 : index
        %get3A_686 = tpu.vector_load %arg7[%get3A_684, %get3A_685] {strides = array<i32>} : memref<208x128xf32, #tpu.memory_space<vmem>>, vector<16xf32>,
        %pack3A_687 = tpu.pack_subelements %get3A_683, %get3A_686 {pack_format = #tpu.pack_format<interleaved>, positions = array<i32: 0, 1>} : vector<16xf32>, vector<16xf32> -> vector<32xbf16>
        %bitcast3A_688 = vector.bitcast %pack3A_687 : vector<32xbf16> to vector<16xi32>
        %swap3A_689 = arith.index_cast %scan3A_330 : i32 to index
        %swap3A_690 = arith.constant 432 : index
        %swap3A_691 = tpu.vector_load %arg9[%swap3A_689, %swap3A_690] {strides = array<i32>} : memref<8x896xi32, #tpu.memory_space<vmem>>, vector<16xi32>,
        tpu.vector_store %arg9[%swap3A_689, %swap3A_690], %bitcast3A_688 {strides = array<i32>} : memref<8x896xi32, #tpu.memory_space<vmem>>, vector<16xi32>,
        %mul3A_692 = arith.constant 26 : i32
        %mul3A_693 = arith.muli %scan3A_330, %mul3A_692 : i32
        %add3A_694 = arith.constant 14 : i32
        %add3A_695 = arith.addi %mul3A_693, %add3A_694 : i32
        %get3A_696 = arith.index_cast %add3A_695 : i32 to index
        %get3A_697 = arith.constant 0 : index
        %get3A_698 = tpu.vector_load %arg7[%get3A_696, %get3A_697] {strides = array<i32>} : memref<208x128xf32, #tpu.memory_space<vmem>>, vector<16xf32>,
        %get3A_699 = arith.index_cast %add3A_695 : i32 to index
        %get3A_700 = arith.constant 16 : index
        %get3A_701 = tpu.vector_load %arg7[%get3A_699, %get3A_700] {strides = array<i32>} : memref<208x128xf32, #tpu.memory_space<vmem>>, vector<16xf32>,
        %pack3A_702 = tpu.pack_subelements %get3A_698, %get3A_701 {pack_format = #tpu.pack_format<interleaved>, positions = array<i32: 0, 1>} : vector<16xf32>, vector<16xf32> -> vector<32xbf16>
        %bitcast3A_703 = vector.bitcast %pack3A_702 : vector<32xbf16> to vector<16xi32>
        %swap3A_704 = arith.index_cast %scan3A_330 : i32 to index
        %swap3A_705 = arith.constant 448 : index
        %swap3A_706 = tpu.vector_load %arg9[%swap3A_704, %swap3A_705] {strides = array<i32>} : memref<8x896xi32, #tpu.memory_space<vmem>>, vector<16xi32>,
        tpu.vector_store %arg9[%swap3A_704, %swap3A_705], %bitcast3A_703 {strides = array<i32>} : memref<8x896xi32, #tpu.memory_space<vmem>>, vector<16xi32>,
        %get3A_707 = arith.index_cast %add3A_695 : i32 to index
        %get3A_708 = arith.constant 32 : index
        %get3A_709 = tpu.vector_load %arg7[%get3A_707, %get3A_708] {strides = array<i32>} : memref<208x128xf32, #tpu.memory_space<vmem>>, vector<16xf32>,
        %get3A_710 = arith.index_cast %add3A_695 : i32 to index
        %get3A_711 = arith.constant 48 : index
        %get3A_712 = tpu.vector_load %arg7[%get3A_710, %get3A_711] {strides = array<i32>} : memref<208x128xf32, #tpu.memory_space<vmem>>, vector<16xf32>,
        %pack3A_713 = tpu.pack_subelements %get3A_709, %get3A_712 {pack_format = #tpu.pack_format<interleaved>, positions = array<i32: 0, 1>} : vector<16xf32>, vector<16xf32> -> vector<32xbf16>
        %bitcast3A_714 = vector.bitcast %pack3A_713 : vector<32xbf16> to vector<16xi32>
        %swap3A_715 = arith.index_cast %scan3A_330 : i32 to index
        %swap3A_716 = arith.constant 464 : index
        %swap3A_717 = tpu.vector_load %arg9[%swap3A_715, %swap3A_716] {strides = array<i32>} : memref<8x896xi32, #tpu.memory_space<vmem>>, vector<16xi32>,
        tpu.vector_store %arg9[%swap3A_715, %swap3A_716], %bitcast3A_714 {strides = array<i32>} : memref<8x896xi32, #tpu.memory_space<vmem>>, vector<16xi32>,
        %mul3A_718 = arith.constant 26 : i32
        %mul3A_719 = arith.muli %scan3A_330, %mul3A_718 : i32
        %add3A_720 = arith.constant 15 : i32
        %add3A_721 = arith.addi %mul3A_719, %add3A_720 : i32
        %get3A_722 = arith.index_cast %add3A_721 : i32 to index
        %get3A_723 = arith.constant 0 : index
        %get3A_724 = tpu.vector_load %arg7[%get3A_722, %get3A_723] {strides = array<i32>} : memref<208x128xf32, #tpu.memory_space<vmem>>, vector<16xf32>,
        %get3A_725 = arith.index_cast %add3A_721 : i32 to index
        %get3A_726 = arith.constant 16 : index
        %get3A_727 = tpu.vector_load %arg7[%get3A_725, %get3A_726] {strides = array<i32>} : memref<208x128xf32, #tpu.memory_space<vmem>>, vector<16xf32>,
        %pack3A_728 = tpu.pack_subelements %get3A_724, %get3A_727 {pack_format = #tpu.pack_format<interleaved>, positions = array<i32: 0, 1>} : vector<16xf32>, vector<16xf32> -> vector<32xbf16>
        %bitcast3A_729 = vector.bitcast %pack3A_728 : vector<32xbf16> to vector<16xi32>
        %swap3A_730 = arith.index_cast %scan3A_330 : i32 to index
        %swap3A_731 = arith.constant 480 : index
        %swap3A_732 = tpu.vector_load %arg9[%swap3A_730, %swap3A_731] {strides = array<i32>} : memref<8x896xi32, #tpu.memory_space<vmem>>, vector<16xi32>,
        tpu.vector_store %arg9[%swap3A_730, %swap3A_731], %bitcast3A_729 {strides = array<i32>} : memref<8x896xi32, #tpu.memory_space<vmem>>, vector<16xi32>,
        %get3A_733 = arith.index_cast %add3A_721 : i32 to index
        %get3A_734 = arith.constant 32 : index
        %get3A_735 = tpu.vector_load %arg7[%get3A_733, %get3A_734] {strides = array<i32>} : memref<208x128xf32, #tpu.memory_space<vmem>>, vector<16xf32>,
        %get3A_736 = arith.index_cast %add3A_721 : i32 to index
        %get3A_737 = arith.constant 48 : index
        %get3A_738 = tpu.vector_load %arg7[%get3A_736, %get3A_737] {strides = array<i32>} : memref<208x128xf32, #tpu.memory_space<vmem>>, vector<16xf32>,
        %pack3A_739 = tpu.pack_subelements %get3A_735, %get3A_738 {pack_format = #tpu.pack_format<interleaved>, positions = array<i32: 0, 1>} : vector<16xf32>, vector<16xf32> -> vector<32xbf16>
        %bitcast3A_740 = vector.bitcast %pack3A_739 : vector<32xbf16> to vector<16xi32>
        %swap3A_741 = arith.index_cast %scan3A_330 : i32 to index
        %swap3A_742 = arith.constant 496 : index
        %swap3A_743 = tpu.vector_load %arg9[%swap3A_741, %swap3A_742] {strides = array<i32>} : memref<8x896xi32, #tpu.memory_space<vmem>>, vector<16xi32>,
        tpu.vector_store %arg9[%swap3A_741, %swap3A_742], %bitcast3A_740 {strides = array<i32>} : memref<8x896xi32, #tpu.memory_space<vmem>>, vector<16xi32>,
        %mul3A_744 = arith.constant 26 : i32
        %mul3A_745 = arith.muli %scan3A_330, %mul3A_744 : i32
        %add3A_746 = arith.constant 16 : i32
        %add3A_747 = arith.addi %mul3A_745, %add3A_746 : i32
        %get3A_748 = arith.index_cast %add3A_747 : i32 to index
        %get3A_749 = arith.constant 0 : index
        %get3A_750 = tpu.vector_load %arg7[%get3A_748, %get3A_749] {strides = array<i32>} : memref<208x128xf32, #tpu.memory_space<vmem>>, vector<16xf32>,
        %get3A_751 = arith.index_cast %add3A_747 : i32 to index
        %get3A_752 = arith.constant 16 : index
        %get3A_753 = tpu.vector_load %arg7[%get3A_751, %get3A_752] {strides = array<i32>} : memref<208x128xf32, #tpu.memory_space<vmem>>, vector<16xf32>,
        %pack3A_754 = tpu.pack_subelements %get3A_750, %get3A_753 {pack_format = #tpu.pack_format<interleaved>, positions = array<i32: 0, 1>} : vector<16xf32>, vector<16xf32> -> vector<32xbf16>
        %bitcast3A_755 = vector.bitcast %pack3A_754 : vector<32xbf16> to vector<16xi32>
        %swap3A_756 = arith.index_cast %scan3A_330 : i32 to index
        %swap3A_757 = arith.constant 512 : index
        %swap3A_758 = tpu.vector_load %arg9[%swap3A_756, %swap3A_757] {strides = array<i32>} : memref<8x896xi32, #tpu.memory_space<vmem>>, vector<16xi32>,
        tpu.vector_store %arg9[%swap3A_756, %swap3A_757], %bitcast3A_755 {strides = array<i32>} : memref<8x896xi32, #tpu.memory_space<vmem>>, vector<16xi32>,
        %get3A_759 = arith.index_cast %add3A_747 : i32 to index
        %get3A_760 = arith.constant 32 : index
        %get3A_761 = tpu.vector_load %arg7[%get3A_759, %get3A_760] {strides = array<i32>} : memref<208x128xf32, #tpu.memory_space<vmem>>, vector<16xf32>,
        %get3A_762 = arith.index_cast %add3A_747 : i32 to index
        %get3A_763 = arith.constant 48 : index
        %get3A_764 = tpu.vector_load %arg7[%get3A_762, %get3A_763] {strides = array<i32>} : memref<208x128xf32, #tpu.memory_space<vmem>>, vector<16xf32>,
        %pack3A_765 = tpu.pack_subelements %get3A_761, %get3A_764 {pack_format = #tpu.pack_format<interleaved>, positions = array<i32: 0, 1>} : vector<16xf32>, vector<16xf32> -> vector<32xbf16>
        %bitcast3A_766 = vector.bitcast %pack3A_765 : vector<32xbf16> to vector<16xi32>
        %swap3A_767 = arith.index_cast %scan3A_330 : i32 to index
        %swap3A_768 = arith.constant 528 : index
        %swap3A_769 = tpu.vector_load %arg9[%swap3A_767, %swap3A_768] {strides = array<i32>} : memref<8x896xi32, #tpu.memory_space<vmem>>, vector<16xi32>,
        tpu.vector_store %arg9[%swap3A_767, %swap3A_768], %bitcast3A_766 {strides = array<i32>} : memref<8x896xi32, #tpu.memory_space<vmem>>, vector<16xi32>,
        %mul3A_770 = arith.constant 26 : i32
        %mul3A_771 = arith.muli %scan3A_330, %mul3A_770 : i32
        %add3A_772 = arith.constant 17 : i32
        %add3A_773 = arith.addi %mul3A_771, %add3A_772 : i32
        %get3A_774 = arith.index_cast %add3A_773 : i32 to index
        %get3A_775 = arith.constant 0 : index
        %get3A_776 = tpu.vector_load %arg7[%get3A_774, %get3A_775] {strides = array<i32>} : memref<208x128xf32, #tpu.memory_space<vmem>>, vector<16xf32>,
        %get3A_777 = arith.index_cast %add3A_773 : i32 to index
        %get3A_778 = arith.constant 16 : index
        %get3A_779 = tpu.vector_load %arg7[%get3A_777, %get3A_778] {strides = array<i32>} : memref<208x128xf32, #tpu.memory_space<vmem>>, vector<16xf32>,
        %pack3A_780 = tpu.pack_subelements %get3A_776, %get3A_779 {pack_format = #tpu.pack_format<interleaved>, positions = array<i32: 0, 1>} : vector<16xf32>, vector<16xf32> -> vector<32xbf16>
        %bitcast3A_781 = vector.bitcast %pack3A_780 : vector<32xbf16> to vector<16xi32>
        %swap3A_782 = arith.index_cast %scan3A_330 : i32 to index
        %swap3A_783 = arith.constant 544 : index
        %swap3A_784 = tpu.vector_load %arg9[%swap3A_782, %swap3A_783] {strides = array<i32>} : memref<8x896xi32, #tpu.memory_space<vmem>>, vector<16xi32>,
        tpu.vector_store %arg9[%swap3A_782, %swap3A_783], %bitcast3A_781 {strides = array<i32>} : memref<8x896xi32, #tpu.memory_space<vmem>>, vector<16xi32>,
        %get3A_785 = arith.index_cast %add3A_773 : i32 to index
        %get3A_786 = arith.constant 32 : index
        %get3A_787 = tpu.vector_load %arg7[%get3A_785, %get3A_786] {strides = array<i32>} : memref<208x128xf32, #tpu.memory_space<vmem>>, vector<16xf32>,
        %get3A_788 = arith.index_cast %add3A_773 : i32 to index
        %get3A_789 = arith.constant 48 : index
        %get3A_790 = tpu.vector_load %arg7[%get3A_788, %get3A_789] {strides = array<i32>} : memref<208x128xf32, #tpu.memory_space<vmem>>, vector<16xf32>,
        %pack3A_791 = tpu.pack_subelements %get3A_787, %get3A_790 {pack_format = #tpu.pack_format<interleaved>, positions = array<i32: 0, 1>} : vector<16xf32>, vector<16xf32> -> vector<32xbf16>
        %bitcast3A_792 = vector.bitcast %pack3A_791 : vector<32xbf16> to vector<16xi32>
        %swap3A_793 = arith.index_cast %scan3A_330 : i32 to index
        %swap3A_794 = arith.constant 560 : index
        %swap3A_795 = tpu.vector_load %arg9[%swap3A_793, %swap3A_794] {strides = array<i32>} : memref<8x896xi32, #tpu.memory_space<vmem>>, vector<16xi32>,
        tpu.vector_store %arg9[%swap3A_793, %swap3A_794], %bitcast3A_792 {strides = array<i32>} : memref<8x896xi32, #tpu.memory_space<vmem>>, vector<16xi32>,
        %mul3A_796 = arith.constant 26 : i32
        %mul3A_797 = arith.muli %scan3A_330, %mul3A_796 : i32
        %add3A_798 = arith.constant 18 : i32
        %add3A_799 = arith.addi %mul3A_797, %add3A_798 : i32
        %get3A_800 = arith.index_cast %add3A_799 : i32 to index
        %get3A_801 = arith.constant 0 : index
        %get3A_802 = tpu.vector_load %arg7[%get3A_800, %get3A_801] {strides = array<i32>} : memref<208x128xf32, #tpu.memory_space<vmem>>, vector<16xf32>,
        %get3A_803 = arith.index_cast %add3A_799 : i32 to index
        %get3A_804 = arith.constant 16 : index
        %get3A_805 = tpu.vector_load %arg7[%get3A_803, %get3A_804] {strides = array<i32>} : memref<208x128xf32, #tpu.memory_space<vmem>>, vector<16xf32>,
        %pack3A_806 = tpu.pack_subelements %get3A_802, %get3A_805 {pack_format = #tpu.pack_format<interleaved>, positions = array<i32: 0, 1>} : vector<16xf32>, vector<16xf32> -> vector<32xbf16>
        %bitcast3A_807 = vector.bitcast %pack3A_806 : vector<32xbf16> to vector<16xi32>
        %swap3A_808 = arith.index_cast %scan3A_330 : i32 to index
        %swap3A_809 = arith.constant 576 : index
        %swap3A_810 = tpu.vector_load %arg9[%swap3A_808, %swap3A_809] {strides = array<i32>} : memref<8x896xi32, #tpu.memory_space<vmem>>, vector<16xi32>,
        tpu.vector_store %arg9[%swap3A_808, %swap3A_809], %bitcast3A_807 {strides = array<i32>} : memref<8x896xi32, #tpu.memory_space<vmem>>, vector<16xi32>,
        %get3A_811 = arith.index_cast %add3A_799 : i32 to index
        %get3A_812 = arith.constant 32 : index
        %get3A_813 = tpu.vector_load %arg7[%get3A_811, %get3A_812] {strides = array<i32>} : memref<208x128xf32, #tpu.memory_space<vmem>>, vector<16xf32>,
        %get3A_814 = arith.index_cast %add3A_799 : i32 to index
        %get3A_815 = arith.constant 48 : index
        %get3A_816 = tpu.vector_load %arg7[%get3A_814, %get3A_815] {strides = array<i32>} : memref<208x128xf32, #tpu.memory_space<vmem>>, vector<16xf32>,
        %pack3A_817 = tpu.pack_subelements %get3A_813, %get3A_816 {pack_format = #tpu.pack_format<interleaved>, positions = array<i32: 0, 1>} : vector<16xf32>, vector<16xf32> -> vector<32xbf16>
        %bitcast3A_818 = vector.bitcast %pack3A_817 : vector<32xbf16> to vector<16xi32>
        %swap3A_819 = arith.index_cast %scan3A_330 : i32 to index
        %swap3A_820 = arith.constant 592 : index
        %swap3A_821 = tpu.vector_load %arg9[%swap3A_819, %swap3A_820] {strides = array<i32>} : memref<8x896xi32, #tpu.memory_space<vmem>>, vector<16xi32>,
        tpu.vector_store %arg9[%swap3A_819, %swap3A_820], %bitcast3A_818 {strides = array<i32>} : memref<8x896xi32, #tpu.memory_space<vmem>>, vector<16xi32>,
        %mul3A_822 = arith.constant 26 : i32
        %mul3A_823 = arith.muli %scan3A_330, %mul3A_822 : i32
        %add3A_824 = arith.constant 19 : i32
        %add3A_825 = arith.addi %mul3A_823, %add3A_824 : i32
        %get3A_826 = arith.index_cast %add3A_825 : i32 to index
        %get3A_827 = arith.constant 0 : index
        %get3A_828 = tpu.vector_load %arg7[%get3A_826, %get3A_827] {strides = array<i32>} : memref<208x128xf32, #tpu.memory_space<vmem>>, vector<16xf32>,
        %get3A_829 = arith.index_cast %add3A_825 : i32 to index
        %get3A_830 = arith.constant 16 : index
        %get3A_831 = tpu.vector_load %arg7[%get3A_829, %get3A_830] {strides = array<i32>} : memref<208x128xf32, #tpu.memory_space<vmem>>, vector<16xf32>,
        %pack3A_832 = tpu.pack_subelements %get3A_828, %get3A_831 {pack_format = #tpu.pack_format<interleaved>, positions = array<i32: 0, 1>} : vector<16xf32>, vector<16xf32> -> vector<32xbf16>
        %bitcast3A_833 = vector.bitcast %pack3A_832 : vector<32xbf16> to vector<16xi32>
        %swap3A_834 = arith.index_cast %scan3A_330 : i32 to index
        %swap3A_835 = arith.constant 608 : index
        %swap3A_836 = tpu.vector_load %arg9[%swap3A_834, %swap3A_835] {strides = array<i32>} : memref<8x896xi32, #tpu.memory_space<vmem>>, vector<16xi32>,
        tpu.vector_store %arg9[%swap3A_834, %swap3A_835], %bitcast3A_833 {strides = array<i32>} : memref<8x896xi32, #tpu.memory_space<vmem>>, vector<16xi32>,
        %get3A_837 = arith.index_cast %add3A_825 : i32 to index
        %get3A_838 = arith.constant 32 : index
        %get3A_839 = tpu.vector_load %arg7[%get3A_837, %get3A_838] {strides = array<i32>} : memref<208x128xf32, #tpu.memory_space<vmem>>, vector<16xf32>,
        %get3A_840 = arith.index_cast %add3A_825 : i32 to index
        %get3A_841 = arith.constant 48 : index
        %get3A_842 = tpu.vector_load %arg7[%get3A_840, %get3A_841] {strides = array<i32>} : memref<208x128xf32, #tpu.memory_space<vmem>>, vector<16xf32>,
        %pack3A_843 = tpu.pack_subelements %get3A_839, %get3A_842 {pack_format = #tpu.pack_format<interleaved>, positions = array<i32: 0, 1>} : vector<16xf32>, vector<16xf32> -> vector<32xbf16>
        %bitcast3A_844 = vector.bitcast %pack3A_843 : vector<32xbf16> to vector<16xi32>
        %swap3A_845 = arith.index_cast %scan3A_330 : i32 to index
        %swap3A_846 = arith.constant 624 : index
        %swap3A_847 = tpu.vector_load %arg9[%swap3A_845, %swap3A_846] {strides = array<i32>} : memref<8x896xi32, #tpu.memory_space<vmem>>, vector<16xi32>,
        tpu.vector_store %arg9[%swap3A_845, %swap3A_846], %bitcast3A_844 {strides = array<i32>} : memref<8x896xi32, #tpu.memory_space<vmem>>, vector<16xi32>,
        %mul3A_848 = arith.constant 26 : i32
        %mul3A_849 = arith.muli %scan3A_330, %mul3A_848 : i32
        %add3A_850 = arith.constant 20 : i32
        %add3A_851 = arith.addi %mul3A_849, %add3A_850 : i32
        %get3A_852 = arith.index_cast %add3A_851 : i32 to index
        %get3A_853 = arith.constant 0 : index
        %get3A_854 = tpu.vector_load %arg7[%get3A_852, %get3A_853] {strides = array<i32>} : memref<208x128xf32, #tpu.memory_space<vmem>>, vector<16xf32>,
        %get3A_855 = arith.index_cast %add3A_851 : i32 to index
        %get3A_856 = arith.constant 16 : index
        %get3A_857 = tpu.vector_load %arg7[%get3A_855, %get3A_856] {strides = array<i32>} : memref<208x128xf32, #tpu.memory_space<vmem>>, vector<16xf32>,
        %pack3A_858 = tpu.pack_subelements %get3A_854, %get3A_857 {pack_format = #tpu.pack_format<interleaved>, positions = array<i32: 0, 1>} : vector<16xf32>, vector<16xf32> -> vector<32xbf16>
        %bitcast3A_859 = vector.bitcast %pack3A_858 : vector<32xbf16> to vector<16xi32>
        %swap3A_860 = arith.index_cast %scan3A_330 : i32 to index
        %swap3A_861 = arith.constant 640 : index
        %swap3A_862 = tpu.vector_load %arg9[%swap3A_860, %swap3A_861] {strides = array<i32>} : memref<8x896xi32, #tpu.memory_space<vmem>>, vector<16xi32>,
        tpu.vector_store %arg9[%swap3A_860, %swap3A_861], %bitcast3A_859 {strides = array<i32>} : memref<8x896xi32, #tpu.memory_space<vmem>>, vector<16xi32>,
        %get3A_863 = arith.index_cast %add3A_851 : i32 to index
        %get3A_864 = arith.constant 32 : index
        %get3A_865 = tpu.vector_load %arg7[%get3A_863, %get3A_864] {strides = array<i32>} : memref<208x128xf32, #tpu.memory_space<vmem>>, vector<16xf32>,
        %get3A_866 = arith.index_cast %add3A_851 : i32 to index
        %get3A_867 = arith.constant 48 : index
        %get3A_868 = tpu.vector_load %arg7[%get3A_866, %get3A_867] {strides = array<i32>} : memref<208x128xf32, #tpu.memory_space<vmem>>, vector<16xf32>,
        %pack3A_869 = tpu.pack_subelements %get3A_865, %get3A_868 {pack_format = #tpu.pack_format<interleaved>, positions = array<i32: 0, 1>} : vector<16xf32>, vector<16xf32> -> vector<32xbf16>
        %bitcast3A_870 = vector.bitcast %pack3A_869 : vector<32xbf16> to vector<16xi32>
        %swap3A_871 = arith.index_cast %scan3A_330 : i32 to index
        %swap3A_872 = arith.constant 656 : index
        %swap3A_873 = tpu.vector_load %arg9[%swap3A_871, %swap3A_872] {strides = array<i32>} : memref<8x896xi32, #tpu.memory_space<vmem>>, vector<16xi32>,
        tpu.vector_store %arg9[%swap3A_871, %swap3A_872], %bitcast3A_870 {strides = array<i32>} : memref<8x896xi32, #tpu.memory_space<vmem>>, vector<16xi32>,
        %mul3A_874 = arith.constant 26 : i32
        %mul3A_875 = arith.muli %scan3A_330, %mul3A_874 : i32
        %add3A_876 = arith.constant 21 : i32
        %add3A_877 = arith.addi %mul3A_875, %add3A_876 : i32
        %get3A_878 = arith.index_cast %add3A_877 : i32 to index
        %get3A_879 = arith.constant 0 : index
        %get3A_880 = tpu.vector_load %arg7[%get3A_878, %get3A_879] {strides = array<i32>} : memref<208x128xf32, #tpu.memory_space<vmem>>, vector<16xf32>,
        %get3A_881 = arith.index_cast %add3A_877 : i32 to index
        %get3A_882 = arith.constant 16 : index
        %get3A_883 = tpu.vector_load %arg7[%get3A_881, %get3A_882] {strides = array<i32>} : memref<208x128xf32, #tpu.memory_space<vmem>>, vector<16xf32>,
        %pack3A_884 = tpu.pack_subelements %get3A_880, %get3A_883 {pack_format = #tpu.pack_format<interleaved>, positions = array<i32: 0, 1>} : vector<16xf32>, vector<16xf32> -> vector<32xbf16>
        %bitcast3A_885 = vector.bitcast %pack3A_884 : vector<32xbf16> to vector<16xi32>
        %swap3A_886 = arith.index_cast %scan3A_330 : i32 to index
        %swap3A_887 = arith.constant 672 : index
        %swap3A_888 = tpu.vector_load %arg9[%swap3A_886, %swap3A_887] {strides = array<i32>} : memref<8x896xi32, #tpu.memory_space<vmem>>, vector<16xi32>,
        tpu.vector_store %arg9[%swap3A_886, %swap3A_887], %bitcast3A_885 {strides = array<i32>} : memref<8x896xi32, #tpu.memory_space<vmem>>, vector<16xi32>,
        %get3A_889 = arith.index_cast %add3A_877 : i32 to index
        %get3A_890 = arith.constant 32 : index
        %get3A_891 = tpu.vector_load %arg7[%get3A_889, %get3A_890] {strides = array<i32>} : memref<208x128xf32, #tpu.memory_space<vmem>>, vector<16xf32>,
        %get3A_892 = arith.index_cast %add3A_877 : i32 to index
        %get3A_893 = arith.constant 48 : index
        %get3A_894 = tpu.vector_load %arg7[%get3A_892, %get3A_893] {strides = array<i32>} : memref<208x128xf32, #tpu.memory_space<vmem>>, vector<16xf32>,
        %pack3A_895 = tpu.pack_subelements %get3A_891, %get3A_894 {pack_format = #tpu.pack_format<interleaved>, positions = array<i32: 0, 1>} : vector<16xf32>, vector<16xf32> -> vector<32xbf16>
        %bitcast3A_896 = vector.bitcast %pack3A_895 : vector<32xbf16> to vector<16xi32>
        %swap3A_897 = arith.index_cast %scan3A_330 : i32 to index
        %swap3A_898 = arith.constant 688 : index
        %swap3A_899 = tpu.vector_load %arg9[%swap3A_897, %swap3A_898] {strides = array<i32>} : memref<8x896xi32, #tpu.memory_space<vmem>>, vector<16xi32>,
        tpu.vector_store %arg9[%swap3A_897, %swap3A_898], %bitcast3A_896 {strides = array<i32>} : memref<8x896xi32, #tpu.memory_space<vmem>>, vector<16xi32>,
        %mul3A_900 = arith.constant 26 : i32
        %mul3A_901 = arith.muli %scan3A_330, %mul3A_900 : i32
        %add3A_902 = arith.constant 22 : i32
        %add3A_903 = arith.addi %mul3A_901, %add3A_902 : i32
        %get3A_904 = arith.index_cast %add3A_903 : i32 to index
        %get3A_905 = arith.constant 0 : index
        %get3A_906 = tpu.vector_load %arg7[%get3A_904, %get3A_905] {strides = array<i32>} : memref<208x128xf32, #tpu.memory_space<vmem>>, vector<16xf32>,
        %get3A_907 = arith.index_cast %add3A_903 : i32 to index
        %get3A_908 = arith.constant 16 : index
        %get3A_909 = tpu.vector_load %arg7[%get3A_907, %get3A_908] {strides = array<i32>} : memref<208x128xf32, #tpu.memory_space<vmem>>, vector<16xf32>,
        %pack3A_910 = tpu.pack_subelements %get3A_906, %get3A_909 {pack_format = #tpu.pack_format<interleaved>, positions = array<i32: 0, 1>} : vector<16xf32>, vector<16xf32> -> vector<32xbf16>
        %bitcast3A_911 = vector.bitcast %pack3A_910 : vector<32xbf16> to vector<16xi32>
        %swap3A_912 = arith.index_cast %scan3A_330 : i32 to index
        %swap3A_913 = arith.constant 704 : index
        %swap3A_914 = tpu.vector_load %arg9[%swap3A_912, %swap3A_913] {strides = array<i32>} : memref<8x896xi32, #tpu.memory_space<vmem>>, vector<16xi32>,
        tpu.vector_store %arg9[%swap3A_912, %swap3A_913], %bitcast3A_911 {strides = array<i32>} : memref<8x896xi32, #tpu.memory_space<vmem>>, vector<16xi32>,
        %get3A_915 = arith.index_cast %add3A_903 : i32 to index
        %get3A_916 = arith.constant 32 : index
        %get3A_917 = tpu.vector_load %arg7[%get3A_915, %get3A_916] {strides = array<i32>} : memref<208x128xf32, #tpu.memory_space<vmem>>, vector<16xf32>,
        %get3A_918 = arith.index_cast %add3A_903 : i32 to index
        %get3A_919 = arith.constant 48 : index
        %get3A_920 = tpu.vector_load %arg7[%get3A_918, %get3A_919] {strides = array<i32>} : memref<208x128xf32, #tpu.memory_space<vmem>>, vector<16xf32>,
        %pack3A_921 = tpu.pack_subelements %get3A_917, %get3A_920 {pack_format = #tpu.pack_format<interleaved>, positions = array<i32: 0, 1>} : vector<16xf32>, vector<16xf32> -> vector<32xbf16>
        %bitcast3A_922 = vector.bitcast %pack3A_921 : vector<32xbf16> to vector<16xi32>
        %swap3A_923 = arith.index_cast %scan3A_330 : i32 to index
        %swap3A_924 = arith.constant 720 : index
        %swap3A_925 = tpu.vector_load %arg9[%swap3A_923, %swap3A_924] {strides = array<i32>} : memref<8x896xi32, #tpu.memory_space<vmem>>, vector<16xi32>,
        tpu.vector_store %arg9[%swap3A_923, %swap3A_924], %bitcast3A_922 {strides = array<i32>} : memref<8x896xi32, #tpu.memory_space<vmem>>, vector<16xi32>,
        %mul3A_926 = arith.constant 26 : i32
        %mul3A_927 = arith.muli %scan3A_330, %mul3A_926 : i32
        %add3A_928 = arith.constant 23 : i32
        %add3A_929 = arith.addi %mul3A_927, %add3A_928 : i32
        %get3A_930 = arith.index_cast %add3A_929 : i32 to index
        %get3A_931 = arith.constant 0 : index
        %get3A_932 = tpu.vector_load %arg7[%get3A_930, %get3A_931] {strides = array<i32>} : memref<208x128xf32, #tpu.memory_space<vmem>>, vector<16xf32>,
        %get3A_933 = arith.index_cast %add3A_929 : i32 to index
        %get3A_934 = arith.constant 16 : index
        %get3A_935 = tpu.vector_load %arg7[%get3A_933, %get3A_934] {strides = array<i32>} : memref<208x128xf32, #tpu.memory_space<vmem>>, vector<16xf32>,
        %pack3A_936 = tpu.pack_subelements %get3A_932, %get3A_935 {pack_format = #tpu.pack_format<interleaved>, positions = array<i32: 0, 1>} : vector<16xf32>, vector<16xf32> -> vector<32xbf16>
        %bitcast3A_937 = vector.bitcast %pack3A_936 : vector<32xbf16> to vector<16xi32>
        %swap3A_938 = arith.index_cast %scan3A_330 : i32 to index
        %swap3A_939 = arith.constant 736 : index
        %swap3A_940 = tpu.vector_load %arg9[%swap3A_938, %swap3A_939] {strides = array<i32>} : memref<8x896xi32, #tpu.memory_space<vmem>>, vector<16xi32>,
        tpu.vector_store %arg9[%swap3A_938, %swap3A_939], %bitcast3A_937 {strides = array<i32>} : memref<8x896xi32, #tpu.memory_space<vmem>>, vector<16xi32>,
        %get3A_941 = arith.index_cast %add3A_929 : i32 to index
        %get3A_942 = arith.constant 32 : index
        %get3A_943 = tpu.vector_load %arg7[%get3A_941, %get3A_942] {strides = array<i32>} : memref<208x128xf32, #tpu.memory_space<vmem>>, vector<16xf32>,
        %get3A_944 = arith.index_cast %add3A_929 : i32 to index
        %get3A_945 = arith.constant 48 : index
        %get3A_946 = tpu.vector_load %arg7[%get3A_944, %get3A_945] {strides = array<i32>} : memref<208x128xf32, #tpu.memory_space<vmem>>, vector<16xf32>,
        %pack3A_947 = tpu.pack_subelements %get3A_943, %get3A_946 {pack_format = #tpu.pack_format<interleaved>, positions = array<i32: 0, 1>} : vector<16xf32>, vector<16xf32> -> vector<32xbf16>
        %bitcast3A_948 = vector.bitcast %pack3A_947 : vector<32xbf16> to vector<16xi32>
        %swap3A_949 = arith.index_cast %scan3A_330 : i32 to index
        %swap3A_950 = arith.constant 752 : index
        %swap3A_951 = tpu.vector_load %arg9[%swap3A_949, %swap3A_950] {strides = array<i32>} : memref<8x896xi32, #tpu.memory_space<vmem>>, vector<16xi32>,
        tpu.vector_store %arg9[%swap3A_949, %swap3A_950], %bitcast3A_948 {strides = array<i32>} : memref<8x896xi32, #tpu.memory_space<vmem>>, vector<16xi32>,
        %mul3A_952 = arith.constant 26 : i32
        %mul3A_953 = arith.muli %scan3A_330, %mul3A_952 : i32
        %add3A_954 = arith.constant 24 : i32
        %add3A_955 = arith.addi %mul3A_953, %add3A_954 : i32
        %get3A_956 = arith.index_cast %add3A_955 : i32 to index
        %get3A_957 = arith.constant 0 : index
        %get3A_958 = tpu.vector_load %arg7[%get3A_956, %get3A_957] {strides = array<i32>} : memref<208x128xf32, #tpu.memory_space<vmem>>, vector<16xf32>,
        %get3A_959 = arith.index_cast %add3A_955 : i32 to index
        %get3A_960 = arith.constant 16 : index
        %get3A_961 = tpu.vector_load %arg7[%get3A_959, %get3A_960] {strides = array<i32>} : memref<208x128xf32, #tpu.memory_space<vmem>>, vector<16xf32>,
        %pack3A_962 = tpu.pack_subelements %get3A_958, %get3A_961 {pack_format = #tpu.pack_format<interleaved>, positions = array<i32: 0, 1>} : vector<16xf32>, vector<16xf32> -> vector<32xbf16>
        %bitcast3A_963 = vector.bitcast %pack3A_962 : vector<32xbf16> to vector<16xi32>
        %swap3A_964 = arith.index_cast %scan3A_330 : i32 to index
        %swap3A_965 = arith.constant 768 : index
        %swap3A_966 = tpu.vector_load %arg9[%swap3A_964, %swap3A_965] {strides = array<i32>} : memref<8x896xi32, #tpu.memory_space<vmem>>, vector<16xi32>,
        tpu.vector_store %arg9[%swap3A_964, %swap3A_965], %bitcast3A_963 {strides = array<i32>} : memref<8x896xi32, #tpu.memory_space<vmem>>, vector<16xi32>,
        %get3A_967 = arith.index_cast %add3A_955 : i32 to index
        %get3A_968 = arith.constant 32 : index
        %get3A_969 = tpu.vector_load %arg7[%get3A_967, %get3A_968] {strides = array<i32>} : memref<208x128xf32, #tpu.memory_space<vmem>>, vector<16xf32>,
        %get3A_970 = arith.index_cast %add3A_955 : i32 to index
        %get3A_971 = arith.constant 48 : index
        %get3A_972 = tpu.vector_load %arg7[%get3A_970, %get3A_971] {strides = array<i32>} : memref<208x128xf32, #tpu.memory_space<vmem>>, vector<16xf32>,
        %pack3A_973 = tpu.pack_subelements %get3A_969, %get3A_972 {pack_format = #tpu.pack_format<interleaved>, positions = array<i32: 0, 1>} : vector<16xf32>, vector<16xf32> -> vector<32xbf16>
        %bitcast3A_974 = vector.bitcast %pack3A_973 : vector<32xbf16> to vector<16xi32>
        %swap3A_975 = arith.index_cast %scan3A_330 : i32 to index
        %swap3A_976 = arith.constant 784 : index
        %swap3A_977 = tpu.vector_load %arg9[%swap3A_975, %swap3A_976] {strides = array<i32>} : memref<8x896xi32, #tpu.memory_space<vmem>>, vector<16xi32>,
        tpu.vector_store %arg9[%swap3A_975, %swap3A_976], %bitcast3A_974 {strides = array<i32>} : memref<8x896xi32, #tpu.memory_space<vmem>>, vector<16xi32>,
        %mul3A_978 = arith.constant 26 : i32
        %mul3A_979 = arith.muli %scan3A_330, %mul3A_978 : i32
        %add3A_980 = arith.constant 25 : i32
        %add3A_981 = arith.addi %mul3A_979, %add3A_980 : i32
        %get3A_982 = arith.index_cast %add3A_981 : i32 to index
        %get3A_983 = arith.constant 0 : index
        %get3A_984 = tpu.vector_load %arg7[%get3A_982, %get3A_983] {strides = array<i32>} : memref<208x128xf32, #tpu.memory_space<vmem>>, vector<16xf32>,
        %get3A_985 = arith.index_cast %add3A_981 : i32 to index
        %get3A_986 = arith.constant 16 : index
        %get3A_987 = tpu.vector_load %arg7[%get3A_985, %get3A_986] {strides = array<i32>} : memref<208x128xf32, #tpu.memory_space<vmem>>, vector<16xf32>,
        %pack3A_988 = tpu.pack_subelements %get3A_984, %get3A_987 {pack_format = #tpu.pack_format<interleaved>, positions = array<i32: 0, 1>} : vector<16xf32>, vector<16xf32> -> vector<32xbf16>
        %bitcast3A_989 = vector.bitcast %pack3A_988 : vector<32xbf16> to vector<16xi32>
        %swap3A_990 = arith.index_cast %scan3A_330 : i32 to index
        %swap3A_991 = arith.constant 800 : index
        %swap3A_992 = tpu.vector_load %arg9[%swap3A_990, %swap3A_991] {strides = array<i32>} : memref<8x896xi32, #tpu.memory_space<vmem>>, vector<16xi32>,
        tpu.vector_store %arg9[%swap3A_990, %swap3A_991], %bitcast3A_989 {strides = array<i32>} : memref<8x896xi32, #tpu.memory_space<vmem>>, vector<16xi32>,
        %get3A_993 = arith.index_cast %add3A_981 : i32 to index
        %get3A_994 = arith.constant 32 : index
        %get3A_995 = tpu.vector_load %arg7[%get3A_993, %get3A_994] {strides = array<i32>} : memref<208x128xf32, #tpu.memory_space<vmem>>, vector<16xf32>,
        %get3A_996 = arith.index_cast %add3A_981 : i32 to index
        %get3A_997 = arith.constant 48 : index
        %get3A_998 = tpu.vector_load %arg7[%get3A_996, %get3A_997] {strides = array<i32>} : memref<208x128xf32, #tpu.memory_space<vmem>>, vector<16xf32>,
        %pack3A_999 = tpu.pack_subelements %get3A_995, %get3A_998 {pack_format = #tpu.pack_format<interleaved>, positions = array<i32: 0, 1>} : vector<16xf32>, vector<16xf32> -> vector<32xbf16>
        %bitcast3A_1000 = vector.bitcast %pack3A_999 : vector<32xbf16> to vector<16xi32>
        %swap3A_1001 = arith.index_cast %scan3A_330 : i32 to index
        %swap3A_1002 = arith.constant 816 : index
        %swap3A_1003 = tpu.vector_load %arg9[%swap3A_1001, %swap3A_1002] {strides = array<i32>} : memref<8x896xi32, #tpu.memory_space<vmem>>, vector<16xi32>,
        tpu.vector_store %arg9[%swap3A_1001, %swap3A_1002], %bitcast3A_1000 {strides = array<i32>} : memref<8x896xi32, #tpu.memory_space<vmem>>, vector<16xi32>,
      }
      %scan3A_295 = arith.constant 8 : i32
      %mul3A_296 = arith.constant 8 : i32
      %mul3A_297 = arith.muli %mul3A_279, %mul3A_296 : i32
      %add3A_298 = arith.addi %mul3A_2, %mul3A_297 : i32
      %dma_start3A_299 = arith.constant 0 : i32
      %dma_start3A_300 = tpu.memref_slice %arg4[%add3A_298, %dma_start3A_299] : memref<4096x896xi32, #tpu.memory_space<hbm>> -> memref<8x896xi32, #tpu.memory_space<hbm>>
      %dma_start3A_301 = arith.constant 0 : i32
      %dma_start3A_302 = tpu.memref_slice %arg4[%add3A_298, %dma_start3A_301] : memref<4096x896xi32, #tpu.memory_space<hbm>> -> memref<8x896xi32, #tpu.memory_space<hbm>>
      tpu.enqueue_dma source(%arg9 : memref<8x896xi32, #tpu.memory_space<vmem>>) target(%dma_start3A_302 : memref<8x896xi32, #tpu.memory_space<hbm>>) target_semaphore(%arg13 : memref<!tpu.dma_semaphore, #tpu.memory_space<semaphore_mem>>)
      %lt3A = arith.constant 7 : i32
      %lt3A_303 = arith.cmpi slt, %scan3A_277, %lt3A : i32
      %convert_element_type3A_304 = arith.extui %lt3A_303 : i1 to i32
      %cond3A_305 = arith.constant 0 : i32
      %cond3A_306 = arith.cmpi ne, %convert_element_type3A_304, %cond3A_305 : i32
      scf.if %cond3A_306 {
        %add3A_330 = arith.constant 2 : i32
        %add3A_331 = arith.addi %mul3A_279, %add3A_330 : i32
        "tpu.region"() ({
          %run_scoped3A_335 = tpu.sem_alloc : memref<!tpu.dma_semaphore, #tpu.memory_space<semaphore_mem>>
          %dma_start3A_336 = arith.constant 0 : i32
          %dma_start3A_337 = tpu.memref_slice %arg3[%add3A, %add3A_331, %dma_start3A_336] : memref<32x16x208xi32, #tpu.memory_space<hbm>> -> memref<1x1x208xi32, #tpu.memory_space<hbm>>
          %dma_start3A_338 = tpu.memref_squeeze %dma_start3A_337 : memref<1x1x208xi32, #tpu.memory_space<hbm>> -> memref<208xi32, #tpu.memory_space<hbm>>
          %dma_start3A_339 = arith.constant 0 : i32
          %dma_start3A_340 = tpu.memref_slice %arg3[%add3A, %add3A_331, %dma_start3A_339] : memref<32x16x208xi32, #tpu.memory_space<hbm>> -> memref<1x1x208xi32, #tpu.memory_space<hbm>>
          %dma_start3A_341 = tpu.memref_squeeze %dma_start3A_340 : memref<1x1x208xi32, #tpu.memory_space<hbm>> -> memref<208xi32, #tpu.memory_space<hbm>>
          tpu.enqueue_dma source(%dma_start3A_341 : memref<208xi32, #tpu.memory_space<hbm>>) target(%arg5 : memref<208xi32, #tpu.memory_space<vmem>>) target_semaphore(%run_scoped3A_335 : memref<!tpu.dma_semaphore, #tpu.memory_space<semaphore_mem>>)
          %dma_wait3A_342 = arith.constant 0 : i32
          %dma_wait3A_343 = tpu.memref_slice %arg3[%add3A, %add3A_331, %dma_wait3A_342] : memref<32x16x208xi32, #tpu.memory_space<hbm>> -> memref<1x1x208xi32, #tpu.memory_space<hbm>>
          %dma_wait3A_344 = tpu.memref_squeeze %dma_wait3A_343 : memref<1x1x208xi32, #tpu.memory_space<hbm>> -> memref<208xi32, #tpu.memory_space<hbm>>
          %dma_wait3A_345 = arith.constant 0 : i32
          %dma_wait3A_346 = tpu.memref_slice %arg3[%add3A, %add3A_331, %dma_wait3A_345] : memref<32x16x208xi32, #tpu.memory_space<hbm>> -> memref<1x1x208xi32, #tpu.memory_space<hbm>>
          %dma_wait3A_347 = tpu.memref_squeeze %dma_wait3A_346 : memref<1x1x208xi32, #tpu.memory_space<hbm>> -> memref<208xi32, #tpu.memory_space<hbm>>
          tpu.wait_dma2 semaphore(%run_scoped3A_335 : memref<!tpu.dma_semaphore, #tpu.memory_space<semaphore_mem>>) src(%dma_wait3A_347 : memref<208xi32, #tpu.memory_space<hbm>>) dst(%arg5 : memref<208xi32, #tpu.memory_space<vmem>>)
          tpu.yield
        }) : () -> ()
        %dma_start3A_332 = arith.constant 0 : i32
        %dma_start3A_333 = arith.constant 0 : i32
        %dma_start3A_334 = tpu.memref_slice %arg2[%dma_start3A_332, %dma_start3A_333] : memref<26000x128xf32, #tpu.memory_space<hbm>> -> memref<26000x128xf32, #tpu.memory_space<hbm>>
        tpu.enqueue_indirect_dma source(%dma_start3A_334 : memref<26000x128xf32, #tpu.memory_space<hbm>>) target(%arg7 : memref<208x128xf32, #tpu.memory_space<vmem>>) offsets(%arg5 : memref<208xi32, #tpu.memory_space<vmem>>) semaphore(%arg11 : memref<!tpu.dma_semaphore, #tpu.memory_space<semaphore_mem>>)
      } else {
      }
      %dma_wait3A_307 = arith.constant 0 : i32
      %dma_wait3A_308 = arith.constant 0 : i32
      %dma_wait3A_309 = tpu.memref_slice %arg2[%dma_wait3A_307, %dma_wait3A_308] : memref<26000x128xf32, #tpu.memory_space<hbm>> -> memref<26000x128xf32, #tpu.memory_space<hbm>>
      tpu.wait_indirect_dma semaphore(%arg12 : memref<!tpu.dma_semaphore, #tpu.memory_space<semaphore_mem>>) src(%dma_wait3A_309 : memref<26000x128xf32, #tpu.memory_space<hbm>>) dst(%arg8 : memref<208x128xf32, #tpu.memory_space<vmem>>)
      %gt3A_310 = arith.constant 0 : i32
      %gt3A_311 = arith.cmpi sgt, %scan3A_277, %gt3A_310 : i32
      %convert_element_type3A_312 = arith.extui %gt3A_311 : i1 to i32
      %cond3A_313 = arith.constant 0 : i32
      %cond3A_314 = arith.cmpi ne, %convert_element_type3A_312, %cond3A_313 : i32
      scf.if %cond3A_314 {
        %sub3A = arith.constant 1 : i32
        %sub3A_330 = arith.subi %mul3A_279, %sub3A : i32
        %mul3A_331 = arith.constant 8 : i32
        %mul3A_332 = arith.muli %sub3A_330, %mul3A_331 : i32
        %add3A_333 = arith.addi %mul3A_2, %mul3A_332 : i32
        %dma_wait3A_334 = arith.constant 0 : i32
        %dma_wait3A_335 = tpu.memref_slice %arg4[%add3A_333, %dma_wait3A_334] : memref<4096x896xi32, #tpu.memory_space<hbm>> -> memref<8x896xi32, #tpu.memory_space<hbm>>
        %dma_wait3A_336 = arith.constant 0 : i32
        %dma_wait3A_337 = tpu.memref_slice %arg4[%add3A_333, %dma_wait3A_336] : memref<4096x896xi32, #tpu.memory_space<hbm>> -> memref<8x896xi32, #tpu.memory_space<hbm>>
        tpu.wait_dma2 semaphore(%arg14 : memref<!tpu.dma_semaphore, #tpu.memory_space<semaphore_mem>>) src(%arg10 : memref<8x896xi32, #tpu.memory_space<vmem>>) dst(%dma_wait3A_337 : memref<8x896xi32, #tpu.memory_space<hbm>>)
      } else {
      }
      %scan3A_315 = arith.constant 0 : i32
      %scan3A_316 = arith.constant 0 : i32
      %scan3A_317 = arith.constant 8 : i32
      %scan3A_318 = arith.addi %scan3A_316, %scan3A_317 : i32
      %scan3A_319 = arith.constant 1 : i32
      scf.for %scan3A_330 = %scan3A_316 to %scan3A_318 step %scan3A_319  : i32 {
        %mul3A_331 = arith.constant 26 : i32
        %mul3A_332 = arith.muli %scan3A_330, %mul3A_331 : i32
        %add3A_333 = arith.constant 0 : i32
        %add3A_334 = arith.addi %mul3A_332, %add3A_333 : i32
        %get3A = arith.index_cast %add3A_334 : i32 to index
        %get3A_335 = arith.constant 0 : index
        %get3A_336 = tpu.vector_load %arg8[%get3A, %get3A_335] {strides = array<i32>} : memref<208x128xf32, #tpu.memory_space<vmem>>, vector<16xf32>,
        %get3A_337 = arith.index_cast %add3A_334 : i32 to index
        %get3A_338 = arith.constant 16 : index
        %get3A_339 = tpu.vector_load %arg8[%get3A_337, %get3A_338] {strides = array<i32>} : memref<208x128xf32, #tpu.memory_space<vmem>>, vector<16xf32>,
        %pack3A = tpu.pack_subelements %get3A_336, %get3A_339 {pack_format = #tpu.pack_format<interleaved>, positions = array<i32: 0, 1>} : vector<16xf32>, vector<16xf32> -> vector<32xbf16>
        %bitcast3A = vector.bitcast %pack3A : vector<32xbf16> to vector<16xi32>
        %swap3A_340 = arith.index_cast %scan3A_330 : i32 to index
        %swap3A_341 = arith.constant 0 : index
        %swap3A_342 = tpu.vector_load %arg10[%swap3A_340, %swap3A_341] {strides = array<i32>} : memref<8x896xi32, #tpu.memory_space<vmem>>, vector<16xi32>,
        tpu.vector_store %arg10[%swap3A_340, %swap3A_341], %bitcast3A {strides = array<i32>} : memref<8x896xi32, #tpu.memory_space<vmem>>, vector<16xi32>,
        %get3A_343 = arith.index_cast %add3A_334 : i32 to index
        %get3A_344 = arith.constant 32 : index
        %get3A_345 = tpu.vector_load %arg8[%get3A_343, %get3A_344] {strides = array<i32>} : memref<208x128xf32, #tpu.memory_space<vmem>>, vector<16xf32>,
        %get3A_346 = arith.index_cast %add3A_334 : i32 to index
        %get3A_347 = arith.constant 48 : index
        %get3A_348 = tpu.vector_load %arg8[%get3A_346, %get3A_347] {strides = array<i32>} : memref<208x128xf32, #tpu.memory_space<vmem>>, vector<16xf32>,
        %pack3A_349 = tpu.pack_subelements %get3A_345, %get3A_348 {pack_format = #tpu.pack_format<interleaved>, positions = array<i32: 0, 1>} : vector<16xf32>, vector<16xf32> -> vector<32xbf16>
        %bitcast3A_350 = vector.bitcast %pack3A_349 : vector<32xbf16> to vector<16xi32>
        %swap3A_351 = arith.index_cast %scan3A_330 : i32 to index
        %swap3A_352 = arith.constant 16 : index
        %swap3A_353 = tpu.vector_load %arg10[%swap3A_351, %swap3A_352] {strides = array<i32>} : memref<8x896xi32, #tpu.memory_space<vmem>>, vector<16xi32>,
        tpu.vector_store %arg10[%swap3A_351, %swap3A_352], %bitcast3A_350 {strides = array<i32>} : memref<8x896xi32, #tpu.memory_space<vmem>>, vector<16xi32>,
        %mul3A_354 = arith.constant 26 : i32
        %mul3A_355 = arith.muli %scan3A_330, %mul3A_354 : i32
        %add3A_356 = arith.constant 1 : i32
        %add3A_357 = arith.addi %mul3A_355, %add3A_356 : i32
        %get3A_358 = arith.index_cast %add3A_357 : i32 to index
        %get3A_359 = arith.constant 0 : index
        %get3A_360 = tpu.vector_load %arg8[%get3A_358, %get3A_359] {strides = array<i32>} : memref<208x128xf32, #tpu.memory_space<vmem>>, vector<16xf32>,
        %get3A_361 = arith.index_cast %add3A_357 : i32 to index
        %get3A_362 = arith.constant 16 : index
        %get3A_363 = tpu.vector_load %arg8[%get3A_361, %get3A_362] {strides = array<i32>} : memref<208x128xf32, #tpu.memory_space<vmem>>, vector<16xf32>,
        %pack3A_364 = tpu.pack_subelements %get3A_360, %get3A_363 {pack_format = #tpu.pack_format<interleaved>, positions = array<i32: 0, 1>} : vector<16xf32>, vector<16xf32> -> vector<32xbf16>
        %bitcast3A_365 = vector.bitcast %pack3A_364 : vector<32xbf16> to vector<16xi32>
        %swap3A_366 = arith.index_cast %scan3A_330 : i32 to index
        %swap3A_367 = arith.constant 32 : index
        %swap3A_368 = tpu.vector_load %arg10[%swap3A_366, %swap3A_367] {strides = array<i32>} : memref<8x896xi32, #tpu.memory_space<vmem>>, vector<16xi32>,
        tpu.vector_store %arg10[%swap3A_366, %swap3A_367], %bitcast3A_365 {strides = array<i32>} : memref<8x896xi32, #tpu.memory_space<vmem>>, vector<16xi32>,
        %get3A_369 = arith.index_cast %add3A_357 : i32 to index
        %get3A_370 = arith.constant 32 : index
        %get3A_371 = tpu.vector_load %arg8[%get3A_369, %get3A_370] {strides = array<i32>} : memref<208x128xf32, #tpu.memory_space<vmem>>, vector<16xf32>,
        %get3A_372 = arith.index_cast %add3A_357 : i32 to index
        %get3A_373 = arith.constant 48 : index
        %get3A_374 = tpu.vector_load %arg8[%get3A_372, %get3A_373] {strides = array<i32>} : memref<208x128xf32, #tpu.memory_space<vmem>>, vector<16xf32>,
        %pack3A_375 = tpu.pack_subelements %get3A_371, %get3A_374 {pack_format = #tpu.pack_format<interleaved>, positions = array<i32: 0, 1>} : vector<16xf32>, vector<16xf32> -> vector<32xbf16>
        %bitcast3A_376 = vector.bitcast %pack3A_375 : vector<32xbf16> to vector<16xi32>
        %swap3A_377 = arith.index_cast %scan3A_330 : i32 to index
        %swap3A_378 = arith.constant 48 : index
        %swap3A_379 = tpu.vector_load %arg10[%swap3A_377, %swap3A_378] {strides = array<i32>} : memref<8x896xi32, #tpu.memory_space<vmem>>, vector<16xi32>,
        tpu.vector_store %arg10[%swap3A_377, %swap3A_378], %bitcast3A_376 {strides = array<i32>} : memref<8x896xi32, #tpu.memory_space<vmem>>, vector<16xi32>,
        %mul3A_380 = arith.constant 26 : i32
        %mul3A_381 = arith.muli %scan3A_330, %mul3A_380 : i32
        %add3A_382 = arith.constant 2 : i32
        %add3A_383 = arith.addi %mul3A_381, %add3A_382 : i32
        %get3A_384 = arith.index_cast %add3A_383 : i32 to index
        %get3A_385 = arith.constant 0 : index
        %get3A_386 = tpu.vector_load %arg8[%get3A_384, %get3A_385] {strides = array<i32>} : memref<208x128xf32, #tpu.memory_space<vmem>>, vector<16xf32>,
        %get3A_387 = arith.index_cast %add3A_383 : i32 to index
        %get3A_388 = arith.constant 16 : index
        %get3A_389 = tpu.vector_load %arg8[%get3A_387, %get3A_388] {strides = array<i32>} : memref<208x128xf32, #tpu.memory_space<vmem>>, vector<16xf32>,
        %pack3A_390 = tpu.pack_subelements %get3A_386, %get3A_389 {pack_format = #tpu.pack_format<interleaved>, positions = array<i32: 0, 1>} : vector<16xf32>, vector<16xf32> -> vector<32xbf16>
        %bitcast3A_391 = vector.bitcast %pack3A_390 : vector<32xbf16> to vector<16xi32>
        %swap3A_392 = arith.index_cast %scan3A_330 : i32 to index
        %swap3A_393 = arith.constant 64 : index
        %swap3A_394 = tpu.vector_load %arg10[%swap3A_392, %swap3A_393] {strides = array<i32>} : memref<8x896xi32, #tpu.memory_space<vmem>>, vector<16xi32>,
        tpu.vector_store %arg10[%swap3A_392, %swap3A_393], %bitcast3A_391 {strides = array<i32>} : memref<8x896xi32, #tpu.memory_space<vmem>>, vector<16xi32>,
        %get3A_395 = arith.index_cast %add3A_383 : i32 to index
        %get3A_396 = arith.constant 32 : index
        %get3A_397 = tpu.vector_load %arg8[%get3A_395, %get3A_396] {strides = array<i32>} : memref<208x128xf32, #tpu.memory_space<vmem>>, vector<16xf32>,
        %get3A_398 = arith.index_cast %add3A_383 : i32 to index
        %get3A_399 = arith.constant 48 : index
        %get3A_400 = tpu.vector_load %arg8[%get3A_398, %get3A_399] {strides = array<i32>} : memref<208x128xf32, #tpu.memory_space<vmem>>, vector<16xf32>,
        %pack3A_401 = tpu.pack_subelements %get3A_397, %get3A_400 {pack_format = #tpu.pack_format<interleaved>, positions = array<i32: 0, 1>} : vector<16xf32>, vector<16xf32> -> vector<32xbf16>
        %bitcast3A_402 = vector.bitcast %pack3A_401 : vector<32xbf16> to vector<16xi32>
        %swap3A_403 = arith.index_cast %scan3A_330 : i32 to index
        %swap3A_404 = arith.constant 80 : index
        %swap3A_405 = tpu.vector_load %arg10[%swap3A_403, %swap3A_404] {strides = array<i32>} : memref<8x896xi32, #tpu.memory_space<vmem>>, vector<16xi32>,
        tpu.vector_store %arg10[%swap3A_403, %swap3A_404], %bitcast3A_402 {strides = array<i32>} : memref<8x896xi32, #tpu.memory_space<vmem>>, vector<16xi32>,
        %mul3A_406 = arith.constant 26 : i32
        %mul3A_407 = arith.muli %scan3A_330, %mul3A_406 : i32
        %add3A_408 = arith.constant 3 : i32
        %add3A_409 = arith.addi %mul3A_407, %add3A_408 : i32
        %get3A_410 = arith.index_cast %add3A_409 : i32 to index
        %get3A_411 = arith.constant 0 : index
        %get3A_412 = tpu.vector_load %arg8[%get3A_410, %get3A_411] {strides = array<i32>} : memref<208x128xf32, #tpu.memory_space<vmem>>, vector<16xf32>,
        %get3A_413 = arith.index_cast %add3A_409 : i32 to index
        %get3A_414 = arith.constant 16 : index
        %get3A_415 = tpu.vector_load %arg8[%get3A_413, %get3A_414] {strides = array<i32>} : memref<208x128xf32, #tpu.memory_space<vmem>>, vector<16xf32>,
        %pack3A_416 = tpu.pack_subelements %get3A_412, %get3A_415 {pack_format = #tpu.pack_format<interleaved>, positions = array<i32: 0, 1>} : vector<16xf32>, vector<16xf32> -> vector<32xbf16>
        %bitcast3A_417 = vector.bitcast %pack3A_416 : vector<32xbf16> to vector<16xi32>
        %swap3A_418 = arith.index_cast %scan3A_330 : i32 to index
        %swap3A_419 = arith.constant 96 : index
        %swap3A_420 = tpu.vector_load %arg10[%swap3A_418, %swap3A_419] {strides = array<i32>} : memref<8x896xi32, #tpu.memory_space<vmem>>, vector<16xi32>,
        tpu.vector_store %arg10[%swap3A_418, %swap3A_419], %bitcast3A_417 {strides = array<i32>} : memref<8x896xi32, #tpu.memory_space<vmem>>, vector<16xi32>,
        %get3A_421 = arith.index_cast %add3A_409 : i32 to index
        %get3A_422 = arith.constant 32 : index
        %get3A_423 = tpu.vector_load %arg8[%get3A_421, %get3A_422] {strides = array<i32>} : memref<208x128xf32, #tpu.memory_space<vmem>>, vector<16xf32>,
        %get3A_424 = arith.index_cast %add3A_409 : i32 to index
        %get3A_425 = arith.constant 48 : index
        %get3A_426 = tpu.vector_load %arg8[%get3A_424, %get3A_425] {strides = array<i32>} : memref<208x128xf32, #tpu.memory_space<vmem>>, vector<16xf32>,
        %pack3A_427 = tpu.pack_subelements %get3A_423, %get3A_426 {pack_format = #tpu.pack_format<interleaved>, positions = array<i32: 0, 1>} : vector<16xf32>, vector<16xf32> -> vector<32xbf16>
        %bitcast3A_428 = vector.bitcast %pack3A_427 : vector<32xbf16> to vector<16xi32>
        %swap3A_429 = arith.index_cast %scan3A_330 : i32 to index
        %swap3A_430 = arith.constant 112 : index
        %swap3A_431 = tpu.vector_load %arg10[%swap3A_429, %swap3A_430] {strides = array<i32>} : memref<8x896xi32, #tpu.memory_space<vmem>>, vector<16xi32>,
        tpu.vector_store %arg10[%swap3A_429, %swap3A_430], %bitcast3A_428 {strides = array<i32>} : memref<8x896xi32, #tpu.memory_space<vmem>>, vector<16xi32>,
        %mul3A_432 = arith.constant 26 : i32
        %mul3A_433 = arith.muli %scan3A_330, %mul3A_432 : i32
        %add3A_434 = arith.constant 4 : i32
        %add3A_435 = arith.addi %mul3A_433, %add3A_434 : i32
        %get3A_436 = arith.index_cast %add3A_435 : i32 to index
        %get3A_437 = arith.constant 0 : index
        %get3A_438 = tpu.vector_load %arg8[%get3A_436, %get3A_437] {strides = array<i32>} : memref<208x128xf32, #tpu.memory_space<vmem>>, vector<16xf32>,
        %get3A_439 = arith.index_cast %add3A_435 : i32 to index
        %get3A_440 = arith.constant 16 : index
        %get3A_441 = tpu.vector_load %arg8[%get3A_439, %get3A_440] {strides = array<i32>} : memref<208x128xf32, #tpu.memory_space<vmem>>, vector<16xf32>,
        %pack3A_442 = tpu.pack_subelements %get3A_438, %get3A_441 {pack_format = #tpu.pack_format<interleaved>, positions = array<i32: 0, 1>} : vector<16xf32>, vector<16xf32> -> vector<32xbf16>
        %bitcast3A_443 = vector.bitcast %pack3A_442 : vector<32xbf16> to vector<16xi32>
        %swap3A_444 = arith.index_cast %scan3A_330 : i32 to index
        %swap3A_445 = arith.constant 128 : index
        %swap3A_446 = tpu.vector_load %arg10[%swap3A_444, %swap3A_445] {strides = array<i32>} : memref<8x896xi32, #tpu.memory_space<vmem>>, vector<16xi32>,
        tpu.vector_store %arg10[%swap3A_444, %swap3A_445], %bitcast3A_443 {strides = array<i32>} : memref<8x896xi32, #tpu.memory_space<vmem>>, vector<16xi32>,
        %get3A_447 = arith.index_cast %add3A_435 : i32 to index
        %get3A_448 = arith.constant 32 : index
        %get3A_449 = tpu.vector_load %arg8[%get3A_447, %get3A_448] {strides = array<i32>} : memref<208x128xf32, #tpu.memory_space<vmem>>, vector<16xf32>,
        %get3A_450 = arith.index_cast %add3A_435 : i32 to index
        %get3A_451 = arith.constant 48 : index
        %get3A_452 = tpu.vector_load %arg8[%get3A_450, %get3A_451] {strides = array<i32>} : memref<208x128xf32, #tpu.memory_space<vmem>>, vector<16xf32>,
        %pack3A_453 = tpu.pack_subelements %get3A_449, %get3A_452 {pack_format = #tpu.pack_format<interleaved>, positions = array<i32: 0, 1>} : vector<16xf32>, vector<16xf32> -> vector<32xbf16>
        %bitcast3A_454 = vector.bitcast %pack3A_453 : vector<32xbf16> to vector<16xi32>
        %swap3A_455 = arith.index_cast %scan3A_330 : i32 to index
        %swap3A_456 = arith.constant 144 : index
        %swap3A_457 = tpu.vector_load %arg10[%swap3A_455, %swap3A_456] {strides = array<i32>} : memref<8x896xi32, #tpu.memory_space<vmem>>, vector<16xi32>,
        tpu.vector_store %arg10[%swap3A_455, %swap3A_456], %bitcast3A_454 {strides = array<i32>} : memref<8x896xi32, #tpu.memory_space<vmem>>, vector<16xi32>,
        %mul3A_458 = arith.constant 26 : i32
        %mul3A_459 = arith.muli %scan3A_330, %mul3A_458 : i32
        %add3A_460 = arith.constant 5 : i32
        %add3A_461 = arith.addi %mul3A_459, %add3A_460 : i32
        %get3A_462 = arith.index_cast %add3A_461 : i32 to index
        %get3A_463 = arith.constant 0 : index
        %get3A_464 = tpu.vector_load %arg8[%get3A_462, %get3A_463] {strides = array<i32>} : memref<208x128xf32, #tpu.memory_space<vmem>>, vector<16xf32>,
        %get3A_465 = arith.index_cast %add3A_461 : i32 to index
        %get3A_466 = arith.constant 16 : index
        %get3A_467 = tpu.vector_load %arg8[%get3A_465, %get3A_466] {strides = array<i32>} : memref<208x128xf32, #tpu.memory_space<vmem>>, vector<16xf32>,
        %pack3A_468 = tpu.pack_subelements %get3A_464, %get3A_467 {pack_format = #tpu.pack_format<interleaved>, positions = array<i32: 0, 1>} : vector<16xf32>, vector<16xf32> -> vector<32xbf16>
        %bitcast3A_469 = vector.bitcast %pack3A_468 : vector<32xbf16> to vector<16xi32>
        %swap3A_470 = arith.index_cast %scan3A_330 : i32 to index
        %swap3A_471 = arith.constant 160 : index
        %swap3A_472 = tpu.vector_load %arg10[%swap3A_470, %swap3A_471] {strides = array<i32>} : memref<8x896xi32, #tpu.memory_space<vmem>>, vector<16xi32>,
        tpu.vector_store %arg10[%swap3A_470, %swap3A_471], %bitcast3A_469 {strides = array<i32>} : memref<8x896xi32, #tpu.memory_space<vmem>>, vector<16xi32>,
        %get3A_473 = arith.index_cast %add3A_461 : i32 to index
        %get3A_474 = arith.constant 32 : index
        %get3A_475 = tpu.vector_load %arg8[%get3A_473, %get3A_474] {strides = array<i32>} : memref<208x128xf32, #tpu.memory_space<vmem>>, vector<16xf32>,
        %get3A_476 = arith.index_cast %add3A_461 : i32 to index
        %get3A_477 = arith.constant 48 : index
        %get3A_478 = tpu.vector_load %arg8[%get3A_476, %get3A_477] {strides = array<i32>} : memref<208x128xf32, #tpu.memory_space<vmem>>, vector<16xf32>,
        %pack3A_479 = tpu.pack_subelements %get3A_475, %get3A_478 {pack_format = #tpu.pack_format<interleaved>, positions = array<i32: 0, 1>} : vector<16xf32>, vector<16xf32> -> vector<32xbf16>
        %bitcast3A_480 = vector.bitcast %pack3A_479 : vector<32xbf16> to vector<16xi32>
        %swap3A_481 = arith.index_cast %scan3A_330 : i32 to index
        %swap3A_482 = arith.constant 176 : index
        %swap3A_483 = tpu.vector_load %arg10[%swap3A_481, %swap3A_482] {strides = array<i32>} : memref<8x896xi32, #tpu.memory_space<vmem>>, vector<16xi32>,
        tpu.vector_store %arg10[%swap3A_481, %swap3A_482], %bitcast3A_480 {strides = array<i32>} : memref<8x896xi32, #tpu.memory_space<vmem>>, vector<16xi32>,
        %mul3A_484 = arith.constant 26 : i32
        %mul3A_485 = arith.muli %scan3A_330, %mul3A_484 : i32
        %add3A_486 = arith.constant 6 : i32
        %add3A_487 = arith.addi %mul3A_485, %add3A_486 : i32
        %get3A_488 = arith.index_cast %add3A_487 : i32 to index
        %get3A_489 = arith.constant 0 : index
        %get3A_490 = tpu.vector_load %arg8[%get3A_488, %get3A_489] {strides = array<i32>} : memref<208x128xf32, #tpu.memory_space<vmem>>, vector<16xf32>,
        %get3A_491 = arith.index_cast %add3A_487 : i32 to index
        %get3A_492 = arith.constant 16 : index
        %get3A_493 = tpu.vector_load %arg8[%get3A_491, %get3A_492] {strides = array<i32>} : memref<208x128xf32, #tpu.memory_space<vmem>>, vector<16xf32>,
        %pack3A_494 = tpu.pack_subelements %get3A_490, %get3A_493 {pack_format = #tpu.pack_format<interleaved>, positions = array<i32: 0, 1>} : vector<16xf32>, vector<16xf32> -> vector<32xbf16>
        %bitcast3A_495 = vector.bitcast %pack3A_494 : vector<32xbf16> to vector<16xi32>
        %swap3A_496 = arith.index_cast %scan3A_330 : i32 to index
        %swap3A_497 = arith.constant 192 : index
        %swap3A_498 = tpu.vector_load %arg10[%swap3A_496, %swap3A_497] {strides = array<i32>} : memref<8x896xi32, #tpu.memory_space<vmem>>, vector<16xi32>,
        tpu.vector_store %arg10[%swap3A_496, %swap3A_497], %bitcast3A_495 {strides = array<i32>} : memref<8x896xi32, #tpu.memory_space<vmem>>, vector<16xi32>,
        %get3A_499 = arith.index_cast %add3A_487 : i32 to index
        %get3A_500 = arith.constant 32 : index
        %get3A_501 = tpu.vector_load %arg8[%get3A_499, %get3A_500] {strides = array<i32>} : memref<208x128xf32, #tpu.memory_space<vmem>>, vector<16xf32>,
        %get3A_502 = arith.index_cast %add3A_487 : i32 to index
        %get3A_503 = arith.constant 48 : index
        %get3A_504 = tpu.vector_load %arg8[%get3A_502, %get3A_503] {strides = array<i32>} : memref<208x128xf32, #tpu.memory_space<vmem>>, vector<16xf32>,
        %pack3A_505 = tpu.pack_subelements %get3A_501, %get3A_504 {pack_format = #tpu.pack_format<interleaved>, positions = array<i32: 0, 1>} : vector<16xf32>, vector<16xf32> -> vector<32xbf16>
        %bitcast3A_506 = vector.bitcast %pack3A_505 : vector<32xbf16> to vector<16xi32>
        %swap3A_507 = arith.index_cast %scan3A_330 : i32 to index
        %swap3A_508 = arith.constant 208 : index
        %swap3A_509 = tpu.vector_load %arg10[%swap3A_507, %swap3A_508] {strides = array<i32>} : memref<8x896xi32, #tpu.memory_space<vmem>>, vector<16xi32>,
        tpu.vector_store %arg10[%swap3A_507, %swap3A_508], %bitcast3A_506 {strides = array<i32>} : memref<8x896xi32, #tpu.memory_space<vmem>>, vector<16xi32>,
        %mul3A_510 = arith.constant 26 : i32
        %mul3A_511 = arith.muli %scan3A_330, %mul3A_510 : i32
        %add3A_512 = arith.constant 7 : i32
        %add3A_513 = arith.addi %mul3A_511, %add3A_512 : i32
        %get3A_514 = arith.index_cast %add3A_513 : i32 to index
        %get3A_515 = arith.constant 0 : index
        %get3A_516 = tpu.vector_load %arg8[%get3A_514, %get3A_515] {strides = array<i32>} : memref<208x128xf32, #tpu.memory_space<vmem>>, vector<16xf32>,
        %get3A_517 = arith.index_cast %add3A_513 : i32 to index
        %get3A_518 = arith.constant 16 : index
        %get3A_519 = tpu.vector_load %arg8[%get3A_517, %get3A_518] {strides = array<i32>} : memref<208x128xf32, #tpu.memory_space<vmem>>, vector<16xf32>,
        %pack3A_520 = tpu.pack_subelements %get3A_516, %get3A_519 {pack_format = #tpu.pack_format<interleaved>, positions = array<i32: 0, 1>} : vector<16xf32>, vector<16xf32> -> vector<32xbf16>
        %bitcast3A_521 = vector.bitcast %pack3A_520 : vector<32xbf16> to vector<16xi32>
        %swap3A_522 = arith.index_cast %scan3A_330 : i32 to index
        %swap3A_523 = arith.constant 224 : index
        %swap3A_524 = tpu.vector_load %arg10[%swap3A_522, %swap3A_523] {strides = array<i32>} : memref<8x896xi32, #tpu.memory_space<vmem>>, vector<16xi32>,
        tpu.vector_store %arg10[%swap3A_522, %swap3A_523], %bitcast3A_521 {strides = array<i32>} : memref<8x896xi32, #tpu.memory_space<vmem>>, vector<16xi32>,
        %get3A_525 = arith.index_cast %add3A_513 : i32 to index
        %get3A_526 = arith.constant 32 : index
        %get3A_527 = tpu.vector_load %arg8[%get3A_525, %get3A_526] {strides = array<i32>} : memref<208x128xf32, #tpu.memory_space<vmem>>, vector<16xf32>,
        %get3A_528 = arith.index_cast %add3A_513 : i32 to index
        %get3A_529 = arith.constant 48 : index
        %get3A_530 = tpu.vector_load %arg8[%get3A_528, %get3A_529] {strides = array<i32>} : memref<208x128xf32, #tpu.memory_space<vmem>>, vector<16xf32>,
        %pack3A_531 = tpu.pack_subelements %get3A_527, %get3A_530 {pack_format = #tpu.pack_format<interleaved>, positions = array<i32: 0, 1>} : vector<16xf32>, vector<16xf32> -> vector<32xbf16>
        %bitcast3A_532 = vector.bitcast %pack3A_531 : vector<32xbf16> to vector<16xi32>
        %swap3A_533 = arith.index_cast %scan3A_330 : i32 to index
        %swap3A_534 = arith.constant 240 : index
        %swap3A_535 = tpu.vector_load %arg10[%swap3A_533, %swap3A_534] {strides = array<i32>} : memref<8x896xi32, #tpu.memory_space<vmem>>, vector<16xi32>,
        tpu.vector_store %arg10[%swap3A_533, %swap3A_534], %bitcast3A_532 {strides = array<i32>} : memref<8x896xi32, #tpu.memory_space<vmem>>, vector<16xi32>,
        %mul3A_536 = arith.constant 26 : i32
        %mul3A_537 = arith.muli %scan3A_330, %mul3A_536 : i32
        %add3A_538 = arith.constant 8 : i32
        %add3A_539 = arith.addi %mul3A_537, %add3A_538 : i32
        %get3A_540 = arith.index_cast %add3A_539 : i32 to index
        %get3A_541 = arith.constant 0 : index
        %get3A_542 = tpu.vector_load %arg8[%get3A_540, %get3A_541] {strides = array<i32>} : memref<208x128xf32, #tpu.memory_space<vmem>>, vector<16xf32>,
        %get3A_543 = arith.index_cast %add3A_539 : i32 to index
        %get3A_544 = arith.constant 16 : index
        %get3A_545 = tpu.vector_load %arg8[%get3A_543, %get3A_544] {strides = array<i32>} : memref<208x128xf32, #tpu.memory_space<vmem>>, vector<16xf32>,
        %pack3A_546 = tpu.pack_subelements %get3A_542, %get3A_545 {pack_format = #tpu.pack_format<interleaved>, positions = array<i32: 0, 1>} : vector<16xf32>, vector<16xf32> -> vector<32xbf16>
        %bitcast3A_547 = vector.bitcast %pack3A_546 : vector<32xbf16> to vector<16xi32>
        %swap3A_548 = arith.index_cast %scan3A_330 : i32 to index
        %swap3A_549 = arith.constant 256 : index
        %swap3A_550 = tpu.vector_load %arg10[%swap3A_548, %swap3A_549] {strides = array<i32>} : memref<8x896xi32, #tpu.memory_space<vmem>>, vector<16xi32>,
        tpu.vector_store %arg10[%swap3A_548, %swap3A_549], %bitcast3A_547 {strides = array<i32>} : memref<8x896xi32, #tpu.memory_space<vmem>>, vector<16xi32>,
        %get3A_551 = arith.index_cast %add3A_539 : i32 to index
        %get3A_552 = arith.constant 32 : index
        %get3A_553 = tpu.vector_load %arg8[%get3A_551, %get3A_552] {strides = array<i32>} : memref<208x128xf32, #tpu.memory_space<vmem>>, vector<16xf32>,
        %get3A_554 = arith.index_cast %add3A_539 : i32 to index
        %get3A_555 = arith.constant 48 : index
        %get3A_556 = tpu.vector_load %arg8[%get3A_554, %get3A_555] {strides = array<i32>} : memref<208x128xf32, #tpu.memory_space<vmem>>, vector<16xf32>,
        %pack3A_557 = tpu.pack_subelements %get3A_553, %get3A_556 {pack_format = #tpu.pack_format<interleaved>, positions = array<i32: 0, 1>} : vector<16xf32>, vector<16xf32> -> vector<32xbf16>
        %bitcast3A_558 = vector.bitcast %pack3A_557 : vector<32xbf16> to vector<16xi32>
        %swap3A_559 = arith.index_cast %scan3A_330 : i32 to index
        %swap3A_560 = arith.constant 272 : index
        %swap3A_561 = tpu.vector_load %arg10[%swap3A_559, %swap3A_560] {strides = array<i32>} : memref<8x896xi32, #tpu.memory_space<vmem>>, vector<16xi32>,
        tpu.vector_store %arg10[%swap3A_559, %swap3A_560], %bitcast3A_558 {strides = array<i32>} : memref<8x896xi32, #tpu.memory_space<vmem>>, vector<16xi32>,
        %mul3A_562 = arith.constant 26 : i32
        %mul3A_563 = arith.muli %scan3A_330, %mul3A_562 : i32
        %add3A_564 = arith.constant 9 : i32
        %add3A_565 = arith.addi %mul3A_563, %add3A_564 : i32
        %get3A_566 = arith.index_cast %add3A_565 : i32 to index
        %get3A_567 = arith.constant 0 : index
        %get3A_568 = tpu.vector_load %arg8[%get3A_566, %get3A_567] {strides = array<i32>} : memref<208x128xf32, #tpu.memory_space<vmem>>, vector<16xf32>,
        %get3A_569 = arith.index_cast %add3A_565 : i32 to index
        %get3A_570 = arith.constant 16 : index
        %get3A_571 = tpu.vector_load %arg8[%get3A_569, %get3A_570] {strides = array<i32>} : memref<208x128xf32, #tpu.memory_space<vmem>>, vector<16xf32>,
        %pack3A_572 = tpu.pack_subelements %get3A_568, %get3A_571 {pack_format = #tpu.pack_format<interleaved>, positions = array<i32: 0, 1>} : vector<16xf32>, vector<16xf32> -> vector<32xbf16>
        %bitcast3A_573 = vector.bitcast %pack3A_572 : vector<32xbf16> to vector<16xi32>
        %swap3A_574 = arith.index_cast %scan3A_330 : i32 to index
        %swap3A_575 = arith.constant 288 : index
        %swap3A_576 = tpu.vector_load %arg10[%swap3A_574, %swap3A_575] {strides = array<i32>} : memref<8x896xi32, #tpu.memory_space<vmem>>, vector<16xi32>,
        tpu.vector_store %arg10[%swap3A_574, %swap3A_575], %bitcast3A_573 {strides = array<i32>} : memref<8x896xi32, #tpu.memory_space<vmem>>, vector<16xi32>,
        %get3A_577 = arith.index_cast %add3A_565 : i32 to index
        %get3A_578 = arith.constant 32 : index
        %get3A_579 = tpu.vector_load %arg8[%get3A_577, %get3A_578] {strides = array<i32>} : memref<208x128xf32, #tpu.memory_space<vmem>>, vector<16xf32>,
        %get3A_580 = arith.index_cast %add3A_565 : i32 to index
        %get3A_581 = arith.constant 48 : index
        %get3A_582 = tpu.vector_load %arg8[%get3A_580, %get3A_581] {strides = array<i32>} : memref<208x128xf32, #tpu.memory_space<vmem>>, vector<16xf32>,
        %pack3A_583 = tpu.pack_subelements %get3A_579, %get3A_582 {pack_format = #tpu.pack_format<interleaved>, positions = array<i32: 0, 1>} : vector<16xf32>, vector<16xf32> -> vector<32xbf16>
        %bitcast3A_584 = vector.bitcast %pack3A_583 : vector<32xbf16> to vector<16xi32>
        %swap3A_585 = arith.index_cast %scan3A_330 : i32 to index
        %swap3A_586 = arith.constant 304 : index
        %swap3A_587 = tpu.vector_load %arg10[%swap3A_585, %swap3A_586] {strides = array<i32>} : memref<8x896xi32, #tpu.memory_space<vmem>>, vector<16xi32>,
        tpu.vector_store %arg10[%swap3A_585, %swap3A_586], %bitcast3A_584 {strides = array<i32>} : memref<8x896xi32, #tpu.memory_space<vmem>>, vector<16xi32>,
        %mul3A_588 = arith.constant 26 : i32
        %mul3A_589 = arith.muli %scan3A_330, %mul3A_588 : i32
        %add3A_590 = arith.constant 10 : i32
        %add3A_591 = arith.addi %mul3A_589, %add3A_590 : i32
        %get3A_592 = arith.index_cast %add3A_591 : i32 to index
        %get3A_593 = arith.constant 0 : index
        %get3A_594 = tpu.vector_load %arg8[%get3A_592, %get3A_593] {strides = array<i32>} : memref<208x128xf32, #tpu.memory_space<vmem>>, vector<16xf32>,
        %get3A_595 = arith.index_cast %add3A_591 : i32 to index
        %get3A_596 = arith.constant 16 : index
        %get3A_597 = tpu.vector_load %arg8[%get3A_595, %get3A_596] {strides = array<i32>} : memref<208x128xf32, #tpu.memory_space<vmem>>, vector<16xf32>,
        %pack3A_598 = tpu.pack_subelements %get3A_594, %get3A_597 {pack_format = #tpu.pack_format<interleaved>, positions = array<i32: 0, 1>} : vector<16xf32>, vector<16xf32> -> vector<32xbf16>
        %bitcast3A_599 = vector.bitcast %pack3A_598 : vector<32xbf16> to vector<16xi32>
        %swap3A_600 = arith.index_cast %scan3A_330 : i32 to index
        %swap3A_601 = arith.constant 320 : index
        %swap3A_602 = tpu.vector_load %arg10[%swap3A_600, %swap3A_601] {strides = array<i32>} : memref<8x896xi32, #tpu.memory_space<vmem>>, vector<16xi32>,
        tpu.vector_store %arg10[%swap3A_600, %swap3A_601], %bitcast3A_599 {strides = array<i32>} : memref<8x896xi32, #tpu.memory_space<vmem>>, vector<16xi32>,
        %get3A_603 = arith.index_cast %add3A_591 : i32 to index
        %get3A_604 = arith.constant 32 : index
        %get3A_605 = tpu.vector_load %arg8[%get3A_603, %get3A_604] {strides = array<i32>} : memref<208x128xf32, #tpu.memory_space<vmem>>, vector<16xf32>,
        %get3A_606 = arith.index_cast %add3A_591 : i32 to index
        %get3A_607 = arith.constant 48 : index
        %get3A_608 = tpu.vector_load %arg8[%get3A_606, %get3A_607] {strides = array<i32>} : memref<208x128xf32, #tpu.memory_space<vmem>>, vector<16xf32>,
        %pack3A_609 = tpu.pack_subelements %get3A_605, %get3A_608 {pack_format = #tpu.pack_format<interleaved>, positions = array<i32: 0, 1>} : vector<16xf32>, vector<16xf32> -> vector<32xbf16>
        %bitcast3A_610 = vector.bitcast %pack3A_609 : vector<32xbf16> to vector<16xi32>
        %swap3A_611 = arith.index_cast %scan3A_330 : i32 to index
        %swap3A_612 = arith.constant 336 : index
        %swap3A_613 = tpu.vector_load %arg10[%swap3A_611, %swap3A_612] {strides = array<i32>} : memref<8x896xi32, #tpu.memory_space<vmem>>, vector<16xi32>,
        tpu.vector_store %arg10[%swap3A_611, %swap3A_612], %bitcast3A_610 {strides = array<i32>} : memref<8x896xi32, #tpu.memory_space<vmem>>, vector<16xi32>,
        %mul3A_614 = arith.constant 26 : i32
        %mul3A_615 = arith.muli %scan3A_330, %mul3A_614 : i32
        %add3A_616 = arith.constant 11 : i32
        %add3A_617 = arith.addi %mul3A_615, %add3A_616 : i32
        %get3A_618 = arith.index_cast %add3A_617 : i32 to index
        %get3A_619 = arith.constant 0 : index
        %get3A_620 = tpu.vector_load %arg8[%get3A_618, %get3A_619] {strides = array<i32>} : memref<208x128xf32, #tpu.memory_space<vmem>>, vector<16xf32>,
        %get3A_621 = arith.index_cast %add3A_617 : i32 to index
        %get3A_622 = arith.constant 16 : index
        %get3A_623 = tpu.vector_load %arg8[%get3A_621, %get3A_622] {strides = array<i32>} : memref<208x128xf32, #tpu.memory_space<vmem>>, vector<16xf32>,
        %pack3A_624 = tpu.pack_subelements %get3A_620, %get3A_623 {pack_format = #tpu.pack_format<interleaved>, positions = array<i32: 0, 1>} : vector<16xf32>, vector<16xf32> -> vector<32xbf16>
        %bitcast3A_625 = vector.bitcast %pack3A_624 : vector<32xbf16> to vector<16xi32>
        %swap3A_626 = arith.index_cast %scan3A_330 : i32 to index
        %swap3A_627 = arith.constant 352 : index
        %swap3A_628 = tpu.vector_load %arg10[%swap3A_626, %swap3A_627] {strides = array<i32>} : memref<8x896xi32, #tpu.memory_space<vmem>>, vector<16xi32>,
        tpu.vector_store %arg10[%swap3A_626, %swap3A_627], %bitcast3A_625 {strides = array<i32>} : memref<8x896xi32, #tpu.memory_space<vmem>>, vector<16xi32>,
        %get3A_629 = arith.index_cast %add3A_617 : i32 to index
        %get3A_630 = arith.constant 32 : index
        %get3A_631 = tpu.vector_load %arg8[%get3A_629, %get3A_630] {strides = array<i32>} : memref<208x128xf32, #tpu.memory_space<vmem>>, vector<16xf32>,
        %get3A_632 = arith.index_cast %add3A_617 : i32 to index
        %get3A_633 = arith.constant 48 : index
        %get3A_634 = tpu.vector_load %arg8[%get3A_632, %get3A_633] {strides = array<i32>} : memref<208x128xf32, #tpu.memory_space<vmem>>, vector<16xf32>,
        %pack3A_635 = tpu.pack_subelements %get3A_631, %get3A_634 {pack_format = #tpu.pack_format<interleaved>, positions = array<i32: 0, 1>} : vector<16xf32>, vector<16xf32> -> vector<32xbf16>
        %bitcast3A_636 = vector.bitcast %pack3A_635 : vector<32xbf16> to vector<16xi32>
        %swap3A_637 = arith.index_cast %scan3A_330 : i32 to index
        %swap3A_638 = arith.constant 368 : index
        %swap3A_639 = tpu.vector_load %arg10[%swap3A_637, %swap3A_638] {strides = array<i32>} : memref<8x896xi32, #tpu.memory_space<vmem>>, vector<16xi32>,
        tpu.vector_store %arg10[%swap3A_637, %swap3A_638], %bitcast3A_636 {strides = array<i32>} : memref<8x896xi32, #tpu.memory_space<vmem>>, vector<16xi32>,
        %mul3A_640 = arith.constant 26 : i32
        %mul3A_641 = arith.muli %scan3A_330, %mul3A_640 : i32
        %add3A_642 = arith.constant 12 : i32
        %add3A_643 = arith.addi %mul3A_641, %add3A_642 : i32
        %get3A_644 = arith.index_cast %add3A_643 : i32 to index
        %get3A_645 = arith.constant 0 : index
        %get3A_646 = tpu.vector_load %arg8[%get3A_644, %get3A_645] {strides = array<i32>} : memref<208x128xf32, #tpu.memory_space<vmem>>, vector<16xf32>,
        %get3A_647 = arith.index_cast %add3A_643 : i32 to index
        %get3A_648 = arith.constant 16 : index
        %get3A_649 = tpu.vector_load %arg8[%get3A_647, %get3A_648] {strides = array<i32>} : memref<208x128xf32, #tpu.memory_space<vmem>>, vector<16xf32>,
        %pack3A_650 = tpu.pack_subelements %get3A_646, %get3A_649 {pack_format = #tpu.pack_format<interleaved>, positions = array<i32: 0, 1>} : vector<16xf32>, vector<16xf32> -> vector<32xbf16>
        %bitcast3A_651 = vector.bitcast %pack3A_650 : vector<32xbf16> to vector<16xi32>
        %swap3A_652 = arith.index_cast %scan3A_330 : i32 to index
        %swap3A_653 = arith.constant 384 : index
        %swap3A_654 = tpu.vector_load %arg10[%swap3A_652, %swap3A_653] {strides = array<i32>} : memref<8x896xi32, #tpu.memory_space<vmem>>, vector<16xi32>,
        tpu.vector_store %arg10[%swap3A_652, %swap3A_653], %bitcast3A_651 {strides = array<i32>} : memref<8x896xi32, #tpu.memory_space<vmem>>, vector<16xi32>,
        %get3A_655 = arith.index_cast %add3A_643 : i32 to index
        %get3A_656 = arith.constant 32 : index
        %get3A_657 = tpu.vector_load %arg8[%get3A_655, %get3A_656] {strides = array<i32>} : memref<208x128xf32, #tpu.memory_space<vmem>>, vector<16xf32>,
        %get3A_658 = arith.index_cast %add3A_643 : i32 to index
        %get3A_659 = arith.constant 48 : index
        %get3A_660 = tpu.vector_load %arg8[%get3A_658, %get3A_659] {strides = array<i32>} : memref<208x128xf32, #tpu.memory_space<vmem>>, vector<16xf32>,
        %pack3A_661 = tpu.pack_subelements %get3A_657, %get3A_660 {pack_format = #tpu.pack_format<interleaved>, positions = array<i32: 0, 1>} : vector<16xf32>, vector<16xf32> -> vector<32xbf16>
        %bitcast3A_662 = vector.bitcast %pack3A_661 : vector<32xbf16> to vector<16xi32>
        %swap3A_663 = arith.index_cast %scan3A_330 : i32 to index
        %swap3A_664 = arith.constant 400 : index
        %swap3A_665 = tpu.vector_load %arg10[%swap3A_663, %swap3A_664] {strides = array<i32>} : memref<8x896xi32, #tpu.memory_space<vmem>>, vector<16xi32>,
        tpu.vector_store %arg10[%swap3A_663, %swap3A_664], %bitcast3A_662 {strides = array<i32>} : memref<8x896xi32, #tpu.memory_space<vmem>>, vector<16xi32>,
        %mul3A_666 = arith.constant 26 : i32
        %mul3A_667 = arith.muli %scan3A_330, %mul3A_666 : i32
        %add3A_668 = arith.constant 13 : i32
        %add3A_669 = arith.addi %mul3A_667, %add3A_668 : i32
        %get3A_670 = arith.index_cast %add3A_669 : i32 to index
        %get3A_671 = arith.constant 0 : index
        %get3A_672 = tpu.vector_load %arg8[%get3A_670, %get3A_671] {strides = array<i32>} : memref<208x128xf32, #tpu.memory_space<vmem>>, vector<16xf32>,
        %get3A_673 = arith.index_cast %add3A_669 : i32 to index
        %get3A_674 = arith.constant 16 : index
        %get3A_675 = tpu.vector_load %arg8[%get3A_673, %get3A_674] {strides = array<i32>} : memref<208x128xf32, #tpu.memory_space<vmem>>, vector<16xf32>,
        %pack3A_676 = tpu.pack_subelements %get3A_672, %get3A_675 {pack_format = #tpu.pack_format<interleaved>, positions = array<i32: 0, 1>} : vector<16xf32>, vector<16xf32> -> vector<32xbf16>
        %bitcast3A_677 = vector.bitcast %pack3A_676 : vector<32xbf16> to vector<16xi32>
        %swap3A_678 = arith.index_cast %scan3A_330 : i32 to index
        %swap3A_679 = arith.constant 416 : index
        %swap3A_680 = tpu.vector_load %arg10[%swap3A_678, %swap3A_679] {strides = array<i32>} : memref<8x896xi32, #tpu.memory_space<vmem>>, vector<16xi32>,
        tpu.vector_store %arg10[%swap3A_678, %swap3A_679], %bitcast3A_677 {strides = array<i32>} : memref<8x896xi32, #tpu.memory_space<vmem>>, vector<16xi32>,
        %get3A_681 = arith.index_cast %add3A_669 : i32 to index
        %get3A_682 = arith.constant 32 : index
        %get3A_683 = tpu.vector_load %arg8[%get3A_681, %get3A_682] {strides = array<i32>} : memref<208x128xf32, #tpu.memory_space<vmem>>, vector<16xf32>,
        %get3A_684 = arith.index_cast %add3A_669 : i32 to index
        %get3A_685 = arith.constant 48 : index
        %get3A_686 = tpu.vector_load %arg8[%get3A_684, %get3A_685] {strides = array<i32>} : memref<208x128xf32, #tpu.memory_space<vmem>>, vector<16xf32>,
        %pack3A_687 = tpu.pack_subelements %get3A_683, %get3A_686 {pack_format = #tpu.pack_format<interleaved>, positions = array<i32: 0, 1>} : vector<16xf32>, vector<16xf32> -> vector<32xbf16>
        %bitcast3A_688 = vector.bitcast %pack3A_687 : vector<32xbf16> to vector<16xi32>
        %swap3A_689 = arith.index_cast %scan3A_330 : i32 to index
        %swap3A_690 = arith.constant 432 : index
        %swap3A_691 = tpu.vector_load %arg10[%swap3A_689, %swap3A_690] {strides = array<i32>} : memref<8x896xi32, #tpu.memory_space<vmem>>, vector<16xi32>,
        tpu.vector_store %arg10[%swap3A_689, %swap3A_690], %bitcast3A_688 {strides = array<i32>} : memref<8x896xi32, #tpu.memory_space<vmem>>, vector<16xi32>,
        %mul3A_692 = arith.constant 26 : i32
        %mul3A_693 = arith.muli %scan3A_330, %mul3A_692 : i32
        %add3A_694 = arith.constant 14 : i32
        %add3A_695 = arith.addi %mul3A_693, %add3A_694 : i32
        %get3A_696 = arith.index_cast %add3A_695 : i32 to index
        %get3A_697 = arith.constant 0 : index
        %get3A_698 = tpu.vector_load %arg8[%get3A_696, %get3A_697] {strides = array<i32>} : memref<208x128xf32, #tpu.memory_space<vmem>>, vector<16xf32>,
        %get3A_699 = arith.index_cast %add3A_695 : i32 to index
        %get3A_700 = arith.constant 16 : index
        %get3A_701 = tpu.vector_load %arg8[%get3A_699, %get3A_700] {strides = array<i32>} : memref<208x128xf32, #tpu.memory_space<vmem>>, vector<16xf32>,
        %pack3A_702 = tpu.pack_subelements %get3A_698, %get3A_701 {pack_format = #tpu.pack_format<interleaved>, positions = array<i32: 0, 1>} : vector<16xf32>, vector<16xf32> -> vector<32xbf16>
        %bitcast3A_703 = vector.bitcast %pack3A_702 : vector<32xbf16> to vector<16xi32>
        %swap3A_704 = arith.index_cast %scan3A_330 : i32 to index
        %swap3A_705 = arith.constant 448 : index
        %swap3A_706 = tpu.vector_load %arg10[%swap3A_704, %swap3A_705] {strides = array<i32>} : memref<8x896xi32, #tpu.memory_space<vmem>>, vector<16xi32>,
        tpu.vector_store %arg10[%swap3A_704, %swap3A_705], %bitcast3A_703 {strides = array<i32>} : memref<8x896xi32, #tpu.memory_space<vmem>>, vector<16xi32>,
        %get3A_707 = arith.index_cast %add3A_695 : i32 to index
        %get3A_708 = arith.constant 32 : index
        %get3A_709 = tpu.vector_load %arg8[%get3A_707, %get3A_708] {strides = array<i32>} : memref<208x128xf32, #tpu.memory_space<vmem>>, vector<16xf32>,
        %get3A_710 = arith.index_cast %add3A_695 : i32 to index
        %get3A_711 = arith.constant 48 : index
        %get3A_712 = tpu.vector_load %arg8[%get3A_710, %get3A_711] {strides = array<i32>} : memref<208x128xf32, #tpu.memory_space<vmem>>, vector<16xf32>,
        %pack3A_713 = tpu.pack_subelements %get3A_709, %get3A_712 {pack_format = #tpu.pack_format<interleaved>, positions = array<i32: 0, 1>} : vector<16xf32>, vector<16xf32> -> vector<32xbf16>
        %bitcast3A_714 = vector.bitcast %pack3A_713 : vector<32xbf16> to vector<16xi32>
        %swap3A_715 = arith.index_cast %scan3A_330 : i32 to index
        %swap3A_716 = arith.constant 464 : index
        %swap3A_717 = tpu.vector_load %arg10[%swap3A_715, %swap3A_716] {strides = array<i32>} : memref<8x896xi32, #tpu.memory_space<vmem>>, vector<16xi32>,
        tpu.vector_store %arg10[%swap3A_715, %swap3A_716], %bitcast3A_714 {strides = array<i32>} : memref<8x896xi32, #tpu.memory_space<vmem>>, vector<16xi32>,
        %mul3A_718 = arith.constant 26 : i32
        %mul3A_719 = arith.muli %scan3A_330, %mul3A_718 : i32
        %add3A_720 = arith.constant 15 : i32
        %add3A_721 = arith.addi %mul3A_719, %add3A_720 : i32
        %get3A_722 = arith.index_cast %add3A_721 : i32 to index
        %get3A_723 = arith.constant 0 : index
        %get3A_724 = tpu.vector_load %arg8[%get3A_722, %get3A_723] {strides = array<i32>} : memref<208x128xf32, #tpu.memory_space<vmem>>, vector<16xf32>,
        %get3A_725 = arith.index_cast %add3A_721 : i32 to index
        %get3A_726 = arith.constant 16 : index
        %get3A_727 = tpu.vector_load %arg8[%get3A_725, %get3A_726] {strides = array<i32>} : memref<208x128xf32, #tpu.memory_space<vmem>>, vector<16xf32>,
        %pack3A_728 = tpu.pack_subelements %get3A_724, %get3A_727 {pack_format = #tpu.pack_format<interleaved>, positions = array<i32: 0, 1>} : vector<16xf32>, vector<16xf32> -> vector<32xbf16>
        %bitcast3A_729 = vector.bitcast %pack3A_728 : vector<32xbf16> to vector<16xi32>
        %swap3A_730 = arith.index_cast %scan3A_330 : i32 to index
        %swap3A_731 = arith.constant 480 : index
        %swap3A_732 = tpu.vector_load %arg10[%swap3A_730, %swap3A_731] {strides = array<i32>} : memref<8x896xi32, #tpu.memory_space<vmem>>, vector<16xi32>,
        tpu.vector_store %arg10[%swap3A_730, %swap3A_731], %bitcast3A_729 {strides = array<i32>} : memref<8x896xi32, #tpu.memory_space<vmem>>, vector<16xi32>,
        %get3A_733 = arith.index_cast %add3A_721 : i32 to index
        %get3A_734 = arith.constant 32 : index
        %get3A_735 = tpu.vector_load %arg8[%get3A_733, %get3A_734] {strides = array<i32>} : memref<208x128xf32, #tpu.memory_space<vmem>>, vector<16xf32>,
        %get3A_736 = arith.index_cast %add3A_721 : i32 to index
        %get3A_737 = arith.constant 48 : index
        %get3A_738 = tpu.vector_load %arg8[%get3A_736, %get3A_737] {strides = array<i32>} : memref<208x128xf32, #tpu.memory_space<vmem>>, vector<16xf32>,
        %pack3A_739 = tpu.pack_subelements %get3A_735, %get3A_738 {pack_format = #tpu.pack_format<interleaved>, positions = array<i32: 0, 1>} : vector<16xf32>, vector<16xf32> -> vector<32xbf16>
        %bitcast3A_740 = vector.bitcast %pack3A_739 : vector<32xbf16> to vector<16xi32>
        %swap3A_741 = arith.index_cast %scan3A_330 : i32 to index
        %swap3A_742 = arith.constant 496 : index
        %swap3A_743 = tpu.vector_load %arg10[%swap3A_741, %swap3A_742] {strides = array<i32>} : memref<8x896xi32, #tpu.memory_space<vmem>>, vector<16xi32>,
        tpu.vector_store %arg10[%swap3A_741, %swap3A_742], %bitcast3A_740 {strides = array<i32>} : memref<8x896xi32, #tpu.memory_space<vmem>>, vector<16xi32>,
        %mul3A_744 = arith.constant 26 : i32
        %mul3A_745 = arith.muli %scan3A_330, %mul3A_744 : i32
        %add3A_746 = arith.constant 16 : i32
        %add3A_747 = arith.addi %mul3A_745, %add3A_746 : i32
        %get3A_748 = arith.index_cast %add3A_747 : i32 to index
        %get3A_749 = arith.constant 0 : index
        %get3A_750 = tpu.vector_load %arg8[%get3A_748, %get3A_749] {strides = array<i32>} : memref<208x128xf32, #tpu.memory_space<vmem>>, vector<16xf32>,
        %get3A_751 = arith.index_cast %add3A_747 : i32 to index
        %get3A_752 = arith.constant 16 : index
        %get3A_753 = tpu.vector_load %arg8[%get3A_751, %get3A_752] {strides = array<i32>} : memref<208x128xf32, #tpu.memory_space<vmem>>, vector<16xf32>,
        %pack3A_754 = tpu.pack_subelements %get3A_750, %get3A_753 {pack_format = #tpu.pack_format<interleaved>, positions = array<i32: 0, 1>} : vector<16xf32>, vector<16xf32> -> vector<32xbf16>
        %bitcast3A_755 = vector.bitcast %pack3A_754 : vector<32xbf16> to vector<16xi32>
        %swap3A_756 = arith.index_cast %scan3A_330 : i32 to index
        %swap3A_757 = arith.constant 512 : index
        %swap3A_758 = tpu.vector_load %arg10[%swap3A_756, %swap3A_757] {strides = array<i32>} : memref<8x896xi32, #tpu.memory_space<vmem>>, vector<16xi32>,
        tpu.vector_store %arg10[%swap3A_756, %swap3A_757], %bitcast3A_755 {strides = array<i32>} : memref<8x896xi32, #tpu.memory_space<vmem>>, vector<16xi32>,
        %get3A_759 = arith.index_cast %add3A_747 : i32 to index
        %get3A_760 = arith.constant 32 : index
        %get3A_761 = tpu.vector_load %arg8[%get3A_759, %get3A_760] {strides = array<i32>} : memref<208x128xf32, #tpu.memory_space<vmem>>, vector<16xf32>,
        %get3A_762 = arith.index_cast %add3A_747 : i32 to index
        %get3A_763 = arith.constant 48 : index
        %get3A_764 = tpu.vector_load %arg8[%get3A_762, %get3A_763] {strides = array<i32>} : memref<208x128xf32, #tpu.memory_space<vmem>>, vector<16xf32>,
        %pack3A_765 = tpu.pack_subelements %get3A_761, %get3A_764 {pack_format = #tpu.pack_format<interleaved>, positions = array<i32: 0, 1>} : vector<16xf32>, vector<16xf32> -> vector<32xbf16>
        %bitcast3A_766 = vector.bitcast %pack3A_765 : vector<32xbf16> to vector<16xi32>
        %swap3A_767 = arith.index_cast %scan3A_330 : i32 to index
        %swap3A_768 = arith.constant 528 : index
        %swap3A_769 = tpu.vector_load %arg10[%swap3A_767, %swap3A_768] {strides = array<i32>} : memref<8x896xi32, #tpu.memory_space<vmem>>, vector<16xi32>,
        tpu.vector_store %arg10[%swap3A_767, %swap3A_768], %bitcast3A_766 {strides = array<i32>} : memref<8x896xi32, #tpu.memory_space<vmem>>, vector<16xi32>,
        %mul3A_770 = arith.constant 26 : i32
        %mul3A_771 = arith.muli %scan3A_330, %mul3A_770 : i32
        %add3A_772 = arith.constant 17 : i32
        %add3A_773 = arith.addi %mul3A_771, %add3A_772 : i32
        %get3A_774 = arith.index_cast %add3A_773 : i32 to index
        %get3A_775 = arith.constant 0 : index
        %get3A_776 = tpu.vector_load %arg8[%get3A_774, %get3A_775] {strides = array<i32>} : memref<208x128xf32, #tpu.memory_space<vmem>>, vector<16xf32>,
        %get3A_777 = arith.index_cast %add3A_773 : i32 to index
        %get3A_778 = arith.constant 16 : index
        %get3A_779 = tpu.vector_load %arg8[%get3A_777, %get3A_778] {strides = array<i32>} : memref<208x128xf32, #tpu.memory_space<vmem>>, vector<16xf32>,
        %pack3A_780 = tpu.pack_subelements %get3A_776, %get3A_779 {pack_format = #tpu.pack_format<interleaved>, positions = array<i32: 0, 1>} : vector<16xf32>, vector<16xf32> -> vector<32xbf16>
        %bitcast3A_781 = vector.bitcast %pack3A_780 : vector<32xbf16> to vector<16xi32>
        %swap3A_782 = arith.index_cast %scan3A_330 : i32 to index
        %swap3A_783 = arith.constant 544 : index
        %swap3A_784 = tpu.vector_load %arg10[%swap3A_782, %swap3A_783] {strides = array<i32>} : memref<8x896xi32, #tpu.memory_space<vmem>>, vector<16xi32>,
        tpu.vector_store %arg10[%swap3A_782, %swap3A_783], %bitcast3A_781 {strides = array<i32>} : memref<8x896xi32, #tpu.memory_space<vmem>>, vector<16xi32>,
        %get3A_785 = arith.index_cast %add3A_773 : i32 to index
        %get3A_786 = arith.constant 32 : index
        %get3A_787 = tpu.vector_load %arg8[%get3A_785, %get3A_786] {strides = array<i32>} : memref<208x128xf32, #tpu.memory_space<vmem>>, vector<16xf32>,
        %get3A_788 = arith.index_cast %add3A_773 : i32 to index
        %get3A_789 = arith.constant 48 : index
        %get3A_790 = tpu.vector_load %arg8[%get3A_788, %get3A_789] {strides = array<i32>} : memref<208x128xf32, #tpu.memory_space<vmem>>, vector<16xf32>,
        %pack3A_791 = tpu.pack_subelements %get3A_787, %get3A_790 {pack_format = #tpu.pack_format<interleaved>, positions = array<i32: 0, 1>} : vector<16xf32>, vector<16xf32> -> vector<32xbf16>
        %bitcast3A_792 = vector.bitcast %pack3A_791 : vector<32xbf16> to vector<16xi32>
        %swap3A_793 = arith.index_cast %scan3A_330 : i32 to index
        %swap3A_794 = arith.constant 560 : index
        %swap3A_795 = tpu.vector_load %arg10[%swap3A_793, %swap3A_794] {strides = array<i32>} : memref<8x896xi32, #tpu.memory_space<vmem>>, vector<16xi32>,
        tpu.vector_store %arg10[%swap3A_793, %swap3A_794], %bitcast3A_792 {strides = array<i32>} : memref<8x896xi32, #tpu.memory_space<vmem>>, vector<16xi32>,
        %mul3A_796 = arith.constant 26 : i32
        %mul3A_797 = arith.muli %scan3A_330, %mul3A_796 : i32
        %add3A_798 = arith.constant 18 : i32
        %add3A_799 = arith.addi %mul3A_797, %add3A_798 : i32
        %get3A_800 = arith.index_cast %add3A_799 : i32 to index
        %get3A_801 = arith.constant 0 : index
        %get3A_802 = tpu.vector_load %arg8[%get3A_800, %get3A_801] {strides = array<i32>} : memref<208x128xf32, #tpu.memory_space<vmem>>, vector<16xf32>,
        %get3A_803 = arith.index_cast %add3A_799 : i32 to index
        %get3A_804 = arith.constant 16 : index
        %get3A_805 = tpu.vector_load %arg8[%get3A_803, %get3A_804] {strides = array<i32>} : memref<208x128xf32, #tpu.memory_space<vmem>>, vector<16xf32>,
        %pack3A_806 = tpu.pack_subelements %get3A_802, %get3A_805 {pack_format = #tpu.pack_format<interleaved>, positions = array<i32: 0, 1>} : vector<16xf32>, vector<16xf32> -> vector<32xbf16>
        %bitcast3A_807 = vector.bitcast %pack3A_806 : vector<32xbf16> to vector<16xi32>
        %swap3A_808 = arith.index_cast %scan3A_330 : i32 to index
        %swap3A_809 = arith.constant 576 : index
        %swap3A_810 = tpu.vector_load %arg10[%swap3A_808, %swap3A_809] {strides = array<i32>} : memref<8x896xi32, #tpu.memory_space<vmem>>, vector<16xi32>,
        tpu.vector_store %arg10[%swap3A_808, %swap3A_809], %bitcast3A_807 {strides = array<i32>} : memref<8x896xi32, #tpu.memory_space<vmem>>, vector<16xi32>,
        %get3A_811 = arith.index_cast %add3A_799 : i32 to index
        %get3A_812 = arith.constant 32 : index
        %get3A_813 = tpu.vector_load %arg8[%get3A_811, %get3A_812] {strides = array<i32>} : memref<208x128xf32, #tpu.memory_space<vmem>>, vector<16xf32>,
        %get3A_814 = arith.index_cast %add3A_799 : i32 to index
        %get3A_815 = arith.constant 48 : index
        %get3A_816 = tpu.vector_load %arg8[%get3A_814, %get3A_815] {strides = array<i32>} : memref<208x128xf32, #tpu.memory_space<vmem>>, vector<16xf32>,
        %pack3A_817 = tpu.pack_subelements %get3A_813, %get3A_816 {pack_format = #tpu.pack_format<interleaved>, positions = array<i32: 0, 1>} : vector<16xf32>, vector<16xf32> -> vector<32xbf16>
        %bitcast3A_818 = vector.bitcast %pack3A_817 : vector<32xbf16> to vector<16xi32>
        %swap3A_819 = arith.index_cast %scan3A_330 : i32 to index
        %swap3A_820 = arith.constant 592 : index
        %swap3A_821 = tpu.vector_load %arg10[%swap3A_819, %swap3A_820] {strides = array<i32>} : memref<8x896xi32, #tpu.memory_space<vmem>>, vector<16xi32>,
        tpu.vector_store %arg10[%swap3A_819, %swap3A_820], %bitcast3A_818 {strides = array<i32>} : memref<8x896xi32, #tpu.memory_space<vmem>>, vector<16xi32>,
        %mul3A_822 = arith.constant 26 : i32
        %mul3A_823 = arith.muli %scan3A_330, %mul3A_822 : i32
        %add3A_824 = arith.constant 19 : i32
        %add3A_825 = arith.addi %mul3A_823, %add3A_824 : i32
        %get3A_826 = arith.index_cast %add3A_825 : i32 to index
        %get3A_827 = arith.constant 0 : index
        %get3A_828 = tpu.vector_load %arg8[%get3A_826, %get3A_827] {strides = array<i32>} : memref<208x128xf32, #tpu.memory_space<vmem>>, vector<16xf32>,
        %get3A_829 = arith.index_cast %add3A_825 : i32 to index
        %get3A_830 = arith.constant 16 : index
        %get3A_831 = tpu.vector_load %arg8[%get3A_829, %get3A_830] {strides = array<i32>} : memref<208x128xf32, #tpu.memory_space<vmem>>, vector<16xf32>,
        %pack3A_832 = tpu.pack_subelements %get3A_828, %get3A_831 {pack_format = #tpu.pack_format<interleaved>, positions = array<i32: 0, 1>} : vector<16xf32>, vector<16xf32> -> vector<32xbf16>
        %bitcast3A_833 = vector.bitcast %pack3A_832 : vector<32xbf16> to vector<16xi32>
        %swap3A_834 = arith.index_cast %scan3A_330 : i32 to index
        %swap3A_835 = arith.constant 608 : index
        %swap3A_836 = tpu.vector_load %arg10[%swap3A_834, %swap3A_835] {strides = array<i32>} : memref<8x896xi32, #tpu.memory_space<vmem>>, vector<16xi32>,
        tpu.vector_store %arg10[%swap3A_834, %swap3A_835], %bitcast3A_833 {strides = array<i32>} : memref<8x896xi32, #tpu.memory_space<vmem>>, vector<16xi32>,
        %get3A_837 = arith.index_cast %add3A_825 : i32 to index
        %get3A_838 = arith.constant 32 : index
        %get3A_839 = tpu.vector_load %arg8[%get3A_837, %get3A_838] {strides = array<i32>} : memref<208x128xf32, #tpu.memory_space<vmem>>, vector<16xf32>,
        %get3A_840 = arith.index_cast %add3A_825 : i32 to index
        %get3A_841 = arith.constant 48 : index
        %get3A_842 = tpu.vector_load %arg8[%get3A_840, %get3A_841] {strides = array<i32>} : memref<208x128xf32, #tpu.memory_space<vmem>>, vector<16xf32>,
        %pack3A_843 = tpu.pack_subelements %get3A_839, %get3A_842 {pack_format = #tpu.pack_format<interleaved>, positions = array<i32: 0, 1>} : vector<16xf32>, vector<16xf32> -> vector<32xbf16>
        %bitcast3A_844 = vector.bitcast %pack3A_843 : vector<32xbf16> to vector<16xi32>
        %swap3A_845 = arith.index_cast %scan3A_330 : i32 to index
        %swap3A_846 = arith.constant 624 : index
        %swap3A_847 = tpu.vector_load %arg10[%swap3A_845, %swap3A_846] {strides = array<i32>} : memref<8x896xi32, #tpu.memory_space<vmem>>, vector<16xi32>,
        tpu.vector_store %arg10[%swap3A_845, %swap3A_846], %bitcast3A_844 {strides = array<i32>} : memref<8x896xi32, #tpu.memory_space<vmem>>, vector<16xi32>,
        %mul3A_848 = arith.constant 26 : i32
        %mul3A_849 = arith.muli %scan3A_330, %mul3A_848 : i32
        %add3A_850 = arith.constant 20 : i32
        %add3A_851 = arith.addi %mul3A_849, %add3A_850 : i32
        %get3A_852 = arith.index_cast %add3A_851 : i32 to index
        %get3A_853 = arith.constant 0 : index
        %get3A_854 = tpu.vector_load %arg8[%get3A_852, %get3A_853] {strides = array<i32>} : memref<208x128xf32, #tpu.memory_space<vmem>>, vector<16xf32>,
        %get3A_855 = arith.index_cast %add3A_851 : i32 to index
        %get3A_856 = arith.constant 16 : index
        %get3A_857 = tpu.vector_load %arg8[%get3A_855, %get3A_856] {strides = array<i32>} : memref<208x128xf32, #tpu.memory_space<vmem>>, vector<16xf32>,
        %pack3A_858 = tpu.pack_subelements %get3A_854, %get3A_857 {pack_format = #tpu.pack_format<interleaved>, positions = array<i32: 0, 1>} : vector<16xf32>, vector<16xf32> -> vector<32xbf16>
        %bitcast3A_859 = vector.bitcast %pack3A_858 : vector<32xbf16> to vector<16xi32>
        %swap3A_860 = arith.index_cast %scan3A_330 : i32 to index
        %swap3A_861 = arith.constant 640 : index
        %swap3A_862 = tpu.vector_load %arg10[%swap3A_860, %swap3A_861] {strides = array<i32>} : memref<8x896xi32, #tpu.memory_space<vmem>>, vector<16xi32>,
        tpu.vector_store %arg10[%swap3A_860, %swap3A_861], %bitcast3A_859 {strides = array<i32>} : memref<8x896xi32, #tpu.memory_space<vmem>>, vector<16xi32>,
        %get3A_863 = arith.index_cast %add3A_851 : i32 to index
        %get3A_864 = arith.constant 32 : index
        %get3A_865 = tpu.vector_load %arg8[%get3A_863, %get3A_864] {strides = array<i32>} : memref<208x128xf32, #tpu.memory_space<vmem>>, vector<16xf32>,
        %get3A_866 = arith.index_cast %add3A_851 : i32 to index
        %get3A_867 = arith.constant 48 : index
        %get3A_868 = tpu.vector_load %arg8[%get3A_866, %get3A_867] {strides = array<i32>} : memref<208x128xf32, #tpu.memory_space<vmem>>, vector<16xf32>,
        %pack3A_869 = tpu.pack_subelements %get3A_865, %get3A_868 {pack_format = #tpu.pack_format<interleaved>, positions = array<i32: 0, 1>} : vector<16xf32>, vector<16xf32> -> vector<32xbf16>
        %bitcast3A_870 = vector.bitcast %pack3A_869 : vector<32xbf16> to vector<16xi32>
        %swap3A_871 = arith.index_cast %scan3A_330 : i32 to index
        %swap3A_872 = arith.constant 656 : index
        %swap3A_873 = tpu.vector_load %arg10[%swap3A_871, %swap3A_872] {strides = array<i32>} : memref<8x896xi32, #tpu.memory_space<vmem>>, vector<16xi32>,
        tpu.vector_store %arg10[%swap3A_871, %swap3A_872], %bitcast3A_870 {strides = array<i32>} : memref<8x896xi32, #tpu.memory_space<vmem>>, vector<16xi32>,
        %mul3A_874 = arith.constant 26 : i32
        %mul3A_875 = arith.muli %scan3A_330, %mul3A_874 : i32
        %add3A_876 = arith.constant 21 : i32
        %add3A_877 = arith.addi %mul3A_875, %add3A_876 : i32
        %get3A_878 = arith.index_cast %add3A_877 : i32 to index
        %get3A_879 = arith.constant 0 : index
        %get3A_880 = tpu.vector_load %arg8[%get3A_878, %get3A_879] {strides = array<i32>} : memref<208x128xf32, #tpu.memory_space<vmem>>, vector<16xf32>,
        %get3A_881 = arith.index_cast %add3A_877 : i32 to index
        %get3A_882 = arith.constant 16 : index
        %get3A_883 = tpu.vector_load %arg8[%get3A_881, %get3A_882] {strides = array<i32>} : memref<208x128xf32, #tpu.memory_space<vmem>>, vector<16xf32>,
        %pack3A_884 = tpu.pack_subelements %get3A_880, %get3A_883 {pack_format = #tpu.pack_format<interleaved>, positions = array<i32: 0, 1>} : vector<16xf32>, vector<16xf32> -> vector<32xbf16>
        %bitcast3A_885 = vector.bitcast %pack3A_884 : vector<32xbf16> to vector<16xi32>
        %swap3A_886 = arith.index_cast %scan3A_330 : i32 to index
        %swap3A_887 = arith.constant 672 : index
        %swap3A_888 = tpu.vector_load %arg10[%swap3A_886, %swap3A_887] {strides = array<i32>} : memref<8x896xi32, #tpu.memory_space<vmem>>, vector<16xi32>,
        tpu.vector_store %arg10[%swap3A_886, %swap3A_887], %bitcast3A_885 {strides = array<i32>} : memref<8x896xi32, #tpu.memory_space<vmem>>, vector<16xi32>,
        %get3A_889 = arith.index_cast %add3A_877 : i32 to index
        %get3A_890 = arith.constant 32 : index
        %get3A_891 = tpu.vector_load %arg8[%get3A_889, %get3A_890] {strides = array<i32>} : memref<208x128xf32, #tpu.memory_space<vmem>>, vector<16xf32>,
        %get3A_892 = arith.index_cast %add3A_877 : i32 to index
        %get3A_893 = arith.constant 48 : index
        %get3A_894 = tpu.vector_load %arg8[%get3A_892, %get3A_893] {strides = array<i32>} : memref<208x128xf32, #tpu.memory_space<vmem>>, vector<16xf32>,
        %pack3A_895 = tpu.pack_subelements %get3A_891, %get3A_894 {pack_format = #tpu.pack_format<interleaved>, positions = array<i32: 0, 1>} : vector<16xf32>, vector<16xf32> -> vector<32xbf16>
        %bitcast3A_896 = vector.bitcast %pack3A_895 : vector<32xbf16> to vector<16xi32>
        %swap3A_897 = arith.index_cast %scan3A_330 : i32 to index
        %swap3A_898 = arith.constant 688 : index
        %swap3A_899 = tpu.vector_load %arg10[%swap3A_897, %swap3A_898] {strides = array<i32>} : memref<8x896xi32, #tpu.memory_space<vmem>>, vector<16xi32>,
        tpu.vector_store %arg10[%swap3A_897, %swap3A_898], %bitcast3A_896 {strides = array<i32>} : memref<8x896xi32, #tpu.memory_space<vmem>>, vector<16xi32>,
        %mul3A_900 = arith.constant 26 : i32
        %mul3A_901 = arith.muli %scan3A_330, %mul3A_900 : i32
        %add3A_902 = arith.constant 22 : i32
        %add3A_903 = arith.addi %mul3A_901, %add3A_902 : i32
        %get3A_904 = arith.index_cast %add3A_903 : i32 to index
        %get3A_905 = arith.constant 0 : index
        %get3A_906 = tpu.vector_load %arg8[%get3A_904, %get3A_905] {strides = array<i32>} : memref<208x128xf32, #tpu.memory_space<vmem>>, vector<16xf32>,
        %get3A_907 = arith.index_cast %add3A_903 : i32 to index
        %get3A_908 = arith.constant 16 : index
        %get3A_909 = tpu.vector_load %arg8[%get3A_907, %get3A_908] {strides = array<i32>} : memref<208x128xf32, #tpu.memory_space<vmem>>, vector<16xf32>,
        %pack3A_910 = tpu.pack_subelements %get3A_906, %get3A_909 {pack_format = #tpu.pack_format<interleaved>, positions = array<i32: 0, 1>} : vector<16xf32>, vector<16xf32> -> vector<32xbf16>
        %bitcast3A_911 = vector.bitcast %pack3A_910 : vector<32xbf16> to vector<16xi32>
        %swap3A_912 = arith.index_cast %scan3A_330 : i32 to index
        %swap3A_913 = arith.constant 704 : index
        %swap3A_914 = tpu.vector_load %arg10[%swap3A_912, %swap3A_913] {strides = array<i32>} : memref<8x896xi32, #tpu.memory_space<vmem>>, vector<16xi32>,
        tpu.vector_store %arg10[%swap3A_912, %swap3A_913], %bitcast3A_911 {strides = array<i32>} : memref<8x896xi32, #tpu.memory_space<vmem>>, vector<16xi32>,
        %get3A_915 = arith.index_cast %add3A_903 : i32 to index
        %get3A_916 = arith.constant 32 : index
        %get3A_917 = tpu.vector_load %arg8[%get3A_915, %get3A_916] {strides = array<i32>} : memref<208x128xf32, #tpu.memory_space<vmem>>, vector<16xf32>,
        %get3A_918 = arith.index_cast %add3A_903 : i32 to index
        %get3A_919 = arith.constant 48 : index
        %get3A_920 = tpu.vector_load %arg8[%get3A_918, %get3A_919] {strides = array<i32>} : memref<208x128xf32, #tpu.memory_space<vmem>>, vector<16xf32>,
        %pack3A_921 = tpu.pack_subelements %get3A_917, %get3A_920 {pack_format = #tpu.pack_format<interleaved>, positions = array<i32: 0, 1>} : vector<16xf32>, vector<16xf32> -> vector<32xbf16>
        %bitcast3A_922 = vector.bitcast %pack3A_921 : vector<32xbf16> to vector<16xi32>
        %swap3A_923 = arith.index_cast %scan3A_330 : i32 to index
        %swap3A_924 = arith.constant 720 : index
        %swap3A_925 = tpu.vector_load %arg10[%swap3A_923, %swap3A_924] {strides = array<i32>} : memref<8x896xi32, #tpu.memory_space<vmem>>, vector<16xi32>,
        tpu.vector_store %arg10[%swap3A_923, %swap3A_924], %bitcast3A_922 {strides = array<i32>} : memref<8x896xi32, #tpu.memory_space<vmem>>, vector<16xi32>,
        %mul3A_926 = arith.constant 26 : i32
        %mul3A_927 = arith.muli %scan3A_330, %mul3A_926 : i32
        %add3A_928 = arith.constant 23 : i32
        %add3A_929 = arith.addi %mul3A_927, %add3A_928 : i32
        %get3A_930 = arith.index_cast %add3A_929 : i32 to index
        %get3A_931 = arith.constant 0 : index
        %get3A_932 = tpu.vector_load %arg8[%get3A_930, %get3A_931] {strides = array<i32>} : memref<208x128xf32, #tpu.memory_space<vmem>>, vector<16xf32>,
        %get3A_933 = arith.index_cast %add3A_929 : i32 to index
        %get3A_934 = arith.constant 16 : index
        %get3A_935 = tpu.vector_load %arg8[%get3A_933, %get3A_934] {strides = array<i32>} : memref<208x128xf32, #tpu.memory_space<vmem>>, vector<16xf32>,
        %pack3A_936 = tpu.pack_subelements %get3A_932, %get3A_935 {pack_format = #tpu.pack_format<interleaved>, positions = array<i32: 0, 1>} : vector<16xf32>, vector<16xf32> -> vector<32xbf16>
        %bitcast3A_937 = vector.bitcast %pack3A_936 : vector<32xbf16> to vector<16xi32>
        %swap3A_938 = arith.index_cast %scan3A_330 : i32 to index
        %swap3A_939 = arith.constant 736 : index
        %swap3A_940 = tpu.vector_load %arg10[%swap3A_938, %swap3A_939] {strides = array<i32>} : memref<8x896xi32, #tpu.memory_space<vmem>>, vector<16xi32>,
        tpu.vector_store %arg10[%swap3A_938, %swap3A_939], %bitcast3A_937 {strides = array<i32>} : memref<8x896xi32, #tpu.memory_space<vmem>>, vector<16xi32>,
        %get3A_941 = arith.index_cast %add3A_929 : i32 to index
        %get3A_942 = arith.constant 32 : index
        %get3A_943 = tpu.vector_load %arg8[%get3A_941, %get3A_942] {strides = array<i32>} : memref<208x128xf32, #tpu.memory_space<vmem>>, vector<16xf32>,
        %get3A_944 = arith.index_cast %add3A_929 : i32 to index
        %get3A_945 = arith.constant 48 : index
        %get3A_946 = tpu.vector_load %arg8[%get3A_944, %get3A_945] {strides = array<i32>} : memref<208x128xf32, #tpu.memory_space<vmem>>, vector<16xf32>,
        %pack3A_947 = tpu.pack_subelements %get3A_943, %get3A_946 {pack_format = #tpu.pack_format<interleaved>, positions = array<i32: 0, 1>} : vector<16xf32>, vector<16xf32> -> vector<32xbf16>
        %bitcast3A_948 = vector.bitcast %pack3A_947 : vector<32xbf16> to vector<16xi32>
        %swap3A_949 = arith.index_cast %scan3A_330 : i32 to index
        %swap3A_950 = arith.constant 752 : index
        %swap3A_951 = tpu.vector_load %arg10[%swap3A_949, %swap3A_950] {strides = array<i32>} : memref<8x896xi32, #tpu.memory_space<vmem>>, vector<16xi32>,
        tpu.vector_store %arg10[%swap3A_949, %swap3A_950], %bitcast3A_948 {strides = array<i32>} : memref<8x896xi32, #tpu.memory_space<vmem>>, vector<16xi32>,
        %mul3A_952 = arith.constant 26 : i32
        %mul3A_953 = arith.muli %scan3A_330, %mul3A_952 : i32
        %add3A_954 = arith.constant 24 : i32
        %add3A_955 = arith.addi %mul3A_953, %add3A_954 : i32
        %get3A_956 = arith.index_cast %add3A_955 : i32 to index
        %get3A_957 = arith.constant 0 : index
        %get3A_958 = tpu.vector_load %arg8[%get3A_956, %get3A_957] {strides = array<i32>} : memref<208x128xf32, #tpu.memory_space<vmem>>, vector<16xf32>,
        %get3A_959 = arith.index_cast %add3A_955 : i32 to index
        %get3A_960 = arith.constant 16 : index
        %get3A_961 = tpu.vector_load %arg8[%get3A_959, %get3A_960] {strides = array<i32>} : memref<208x128xf32, #tpu.memory_space<vmem>>, vector<16xf32>,
        %pack3A_962 = tpu.pack_subelements %get3A_958, %get3A_961 {pack_format = #tpu.pack_format<interleaved>, positions = array<i32: 0, 1>} : vector<16xf32>, vector<16xf32> -> vector<32xbf16>
        %bitcast3A_963 = vector.bitcast %pack3A_962 : vector<32xbf16> to vector<16xi32>
        %swap3A_964 = arith.index_cast %scan3A_330 : i32 to index
        %swap3A_965 = arith.constant 768 : index
        %swap3A_966 = tpu.vector_load %arg10[%swap3A_964, %swap3A_965] {strides = array<i32>} : memref<8x896xi32, #tpu.memory_space<vmem>>, vector<16xi32>,
        tpu.vector_store %arg10[%swap3A_964, %swap3A_965], %bitcast3A_963 {strides = array<i32>} : memref<8x896xi32, #tpu.memory_space<vmem>>, vector<16xi32>,
        %get3A_967 = arith.index_cast %add3A_955 : i32 to index
        %get3A_968 = arith.constant 32 : index
        %get3A_969 = tpu.vector_load %arg8[%get3A_967, %get3A_968] {strides = array<i32>} : memref<208x128xf32, #tpu.memory_space<vmem>>, vector<16xf32>,
        %get3A_970 = arith.index_cast %add3A_955 : i32 to index
        %get3A_971 = arith.constant 48 : index
        %get3A_972 = tpu.vector_load %arg8[%get3A_970, %get3A_971] {strides = array<i32>} : memref<208x128xf32, #tpu.memory_space<vmem>>, vector<16xf32>,
        %pack3A_973 = tpu.pack_subelements %get3A_969, %get3A_972 {pack_format = #tpu.pack_format<interleaved>, positions = array<i32: 0, 1>} : vector<16xf32>, vector<16xf32> -> vector<32xbf16>
        %bitcast3A_974 = vector.bitcast %pack3A_973 : vector<32xbf16> to vector<16xi32>
        %swap3A_975 = arith.index_cast %scan3A_330 : i32 to index
        %swap3A_976 = arith.constant 784 : index
        %swap3A_977 = tpu.vector_load %arg10[%swap3A_975, %swap3A_976] {strides = array<i32>} : memref<8x896xi32, #tpu.memory_space<vmem>>, vector<16xi32>,
        tpu.vector_store %arg10[%swap3A_975, %swap3A_976], %bitcast3A_974 {strides = array<i32>} : memref<8x896xi32, #tpu.memory_space<vmem>>, vector<16xi32>,
        %mul3A_978 = arith.constant 26 : i32
        %mul3A_979 = arith.muli %scan3A_330, %mul3A_978 : i32
        %add3A_980 = arith.constant 25 : i32
        %add3A_981 = arith.addi %mul3A_979, %add3A_980 : i32
        %get3A_982 = arith.index_cast %add3A_981 : i32 to index
        %get3A_983 = arith.constant 0 : index
        %get3A_984 = tpu.vector_load %arg8[%get3A_982, %get3A_983] {strides = array<i32>} : memref<208x128xf32, #tpu.memory_space<vmem>>, vector<16xf32>,
        %get3A_985 = arith.index_cast %add3A_981 : i32 to index
        %get3A_986 = arith.constant 16 : index
        %get3A_987 = tpu.vector_load %arg8[%get3A_985, %get3A_986] {strides = array<i32>} : memref<208x128xf32, #tpu.memory_space<vmem>>, vector<16xf32>,
        %pack3A_988 = tpu.pack_subelements %get3A_984, %get3A_987 {pack_format = #tpu.pack_format<interleaved>, positions = array<i32: 0, 1>} : vector<16xf32>, vector<16xf32> -> vector<32xbf16>
        %bitcast3A_989 = vector.bitcast %pack3A_988 : vector<32xbf16> to vector<16xi32>
        %swap3A_990 = arith.index_cast %scan3A_330 : i32 to index
        %swap3A_991 = arith.constant 800 : index
        %swap3A_992 = tpu.vector_load %arg10[%swap3A_990, %swap3A_991] {strides = array<i32>} : memref<8x896xi32, #tpu.memory_space<vmem>>, vector<16xi32>,
        tpu.vector_store %arg10[%swap3A_990, %swap3A_991], %bitcast3A_989 {strides = array<i32>} : memref<8x896xi32, #tpu.memory_space<vmem>>, vector<16xi32>,
        %get3A_993 = arith.index_cast %add3A_981 : i32 to index
        %get3A_994 = arith.constant 32 : index
        %get3A_995 = tpu.vector_load %arg8[%get3A_993, %get3A_994] {strides = array<i32>} : memref<208x128xf32, #tpu.memory_space<vmem>>, vector<16xf32>,
        %get3A_996 = arith.index_cast %add3A_981 : i32 to index
        %get3A_997 = arith.constant 48 : index
        %get3A_998 = tpu.vector_load %arg8[%get3A_996, %get3A_997] {strides = array<i32>} : memref<208x128xf32, #tpu.memory_space<vmem>>, vector<16xf32>,
        %pack3A_999 = tpu.pack_subelements %get3A_995, %get3A_998 {pack_format = #tpu.pack_format<interleaved>, positions = array<i32: 0, 1>} : vector<16xf32>, vector<16xf32> -> vector<32xbf16>
        %bitcast3A_1000 = vector.bitcast %pack3A_999 : vector<32xbf16> to vector<16xi32>
        %swap3A_1001 = arith.index_cast %scan3A_330 : i32 to index
        %swap3A_1002 = arith.constant 816 : index
        %swap3A_1003 = tpu.vector_load %arg10[%swap3A_1001, %swap3A_1002] {strides = array<i32>} : memref<8x896xi32, #tpu.memory_space<vmem>>, vector<16xi32>,
        tpu.vector_store %arg10[%swap3A_1001, %swap3A_1002], %bitcast3A_1000 {strides = array<i32>} : memref<8x896xi32, #tpu.memory_space<vmem>>, vector<16xi32>,
      }
      %scan3A_320 = arith.constant 8 : i32
      %add3A_321 = arith.constant 1 : i32
      %add3A_322 = arith.addi %mul3A_279, %add3A_321 : i32
      %mul3A_323 = arith.constant 8 : i32
      %mul3A_324 = arith.muli %add3A_322, %mul3A_323 : i32
      %add3A_325 = arith.addi %mul3A_2, %mul3A_324 : i32
      %dma_start3A_326 = arith.constant 0 : i32
      %dma_start3A_327 = tpu.memref_slice %arg4[%add3A_325, %dma_start3A_326] : memref<4096x896xi32, #tpu.memory_space<hbm>> -> memref<8x896xi32, #tpu.memory_space<hbm>>
      %dma_start3A_328 = arith.constant 0 : i32
      %dma_start3A_329 = tpu.memref_slice %arg4[%add3A_325, %dma_start3A_328] : memref<4096x896xi32, #tpu.memory_space<hbm>> -> memref<8x896xi32, #tpu.memory_space<hbm>>
      tpu.enqueue_dma source(%arg10 : memref<8x896xi32, #tpu.memory_space<vmem>>) target(%dma_start3A_329 : memref<8x896xi32, #tpu.memory_space<hbm>>) target_semaphore(%arg14 : memref<!tpu.dma_semaphore, #tpu.memory_space<semaphore_mem>>)
    }
    %scan3A_265 = arith.constant 8 : i32
    %add3A_266 = arith.constant 112 : i32
    %add3A_267 = arith.addi %mul3A_2, %add3A_266 : i32
    %dma_wait3A = arith.constant 0 : i32
    %dma_wait3A_268 = tpu.memref_slice %arg4[%add3A_267, %dma_wait3A] : memref<4096x896xi32, #tpu.memory_space<hbm>> -> memref<8x896xi32, #tpu.memory_space<hbm>>
    %dma_wait3A_269 = arith.constant 0 : i32
    %dma_wait3A_270 = tpu.memref_slice %arg4[%add3A_267, %dma_wait3A_269] : memref<4096x896xi32, #tpu.memory_space<hbm>> -> memref<8x896xi32, #tpu.memory_space<hbm>>
    tpu.wait_dma2 semaphore(%arg13 : memref<!tpu.dma_semaphore, #tpu.memory_space<semaphore_mem>>) src(%arg9 : memref<8x896xi32, #tpu.memory_space<vmem>>) dst(%dma_wait3A_270 : memref<8x896xi32, #tpu.memory_space<hbm>>)
    %add3A_271 = arith.constant 120 : i32
    %add3A_272 = arith.addi %mul3A_2, %add3A_271 : i32
    %dma_wait3A_273 = arith.constant 0 : i32
    %dma_wait3A_274 = tpu.memref_slice %arg4[%add3A_272, %dma_wait3A_273] : memref<4096x896xi32, #tpu.memory_space<hbm>> -> memref<8x896xi32, #tpu.memory_space<hbm>>
    %dma_wait3A_275 = arith.constant 0 : i32
    %dma_wait3A_276 = tpu.memref_slice %arg4[%add3A_272, %dma_wait3A_275] : memref<4096x896xi32, #tpu.memory_space<hbm>> -> memref<8x896xi32, #tpu.memory_space<hbm>>
    tpu.wait_dma2 semaphore(%arg14 : memref<!tpu.dma_semaphore, #tpu.memory_space<semaphore_mem>>) src(%arg10 : memref<8x896xi32, #tpu.memory_space<vmem>>) dst(%dma_wait3A_276 : memref<8x896xi32, #tpu.memory_space<hbm>>)
    return
  }
}

</mosaic_0001>

<sc_bundles>
// kernel: _gather.3.cloned.1.call-start
scs
__scs_entry_jumppad:
0x0: {  	(pc) =	sbr.rel $0x88, $3  }
0x1: {  	(tag) =	ssettag $0x0;
	lr =	simm.s32 $0x1  }
0x2: {  	[smem:$0x3F9F] =	sst lr;
	_ =	strace $0xD0000000  }
0x3: {  	_ = 	snop  }
0x4: {  	_ = 	snop  }
0x5: {  	_ = 	snop  }
0x6: {  	_ = 	snop  }
0x7: {  	_ = 	snop  }
__scs_overlays_trampoline_lowered:
0x8: {  	[smem:$0x3FAE] =	sst s0  }
0x9: {  	[smem:$0x3FAF] =	sst s1  }
0xa: {  	[smem:$0x3FB0] =	sst s2  }
0xb: {  	[smem:$0x3FB1] =	sst s3  }
0xc: {  	[smem:$0x3FB2] =	sst s4  }
0xd: {  	[smem:$0x3FB3] =	sst s5  }
0xe: {  	[smem:$0x3FB4] =	sst s6  }
0xf: {  	[smem:$0x3FB5] =	sst s7  }
0x10: {  	[smem:$0x3FB6] =	sst s8  }
0x11: {  	[smem:$0x3FB7] =	sst s9;
	s0 =	simm.s32 @!p0 $0x0  }
0x12: {  	s1 =	sld [smem:$0x3F9D];
	s0 =	simm.s32 @p0 $0x1  }
0x13: {  	[smem:$0x3FB8] =	sst s0;
	s0 =	simm.s32 @!p1 $0x0  }
0x14: {  	s2 =	sld [smem:$0x3F9C];
	s0 =	simm.s32 @p1 $0x1  }
0x15: {  	[smem:$0x3FB9] =	sst s0;
	s0 =	simm.s32 @!p2 $0x0  }
0x16: {  	s3 =	sld [smem:$0x3FDB];
	s0 =	simm.s32 @p2 $0x1  }
0x17: {  	s4 =	simm.s32 $0x1BF5;
	[smem:$0x3FBB] =	sst s0  }
0x18: {  	s0 =	sld [smem:$0x3F9E];
	_ =	swait.ge [sflag:s4], $0x0  }
0x19: {  	s7 =	sld [smem:$0x3F9F]  }
0x1a: {  	s8 =	sadd.s32 $0xFFFFE003, lr  }
0x1b: {  	s9 =	sadd.s32 $0xFFFFFEF7, lr;
	s5 =	simm.s32 $0xFFFFFFFF;
	p2 =	slt.u32 s8, $0xFFFFF086  }
0x1c: {  	p1 =	slt.u32 s9, $0xF7A;
	s5 =	simm.s32 @!p2 $0x0  }
0x1d: {  	s5 =	simm.s32 @p1 $0x1;
	p0 =	seq.s32 s7, s2  }
0x1e: {  	s7 =	smul.u32 @!p0 $0xF7A, s2;
	p2 =	seq.s32 @!p0 s5, $0x0  }
0x1f: {  	s9 =	smul.u32 $0xF7A, s1;
	s8 =	simm.s32 @!p0 $0x1BF5;
	p2 =	por !p2, p0  }
0x20: {  	[sflag:s8] =	ssyncset.s32 @!p0 $0xFFFFF086;
	s6 =	sadd.s32 @!p0 s3, s7;
	s7 =	simm.s32 @!p0 $0x108  }
0x21: {  	s3 =	sadd.s32 s3, s9;
	s6 =	sadd.s32 @!p0 $0x88, s6;
	s7 =	simm.s32 @p2 $0x1082  }
0x22: {  	[simem:s7], [sflag:s8] =	dma.local @!p0 [hbm:s6], $0xF7A  }
0x23: {  	s9 =	sor.u32 $0xD0000000, s2;
	s6 =	simm.s32 $0x108;
	_ =	swait.ge @!p0 [sflag:s8], $0x0  }
0x24: {  	s3 =	sadd.s32 $0x88, s3;
	s6 =	simm.s32 @!p1 $0x1082;
	[sflag:s4] =	ssyncset.s32 $0xFFFFF086  }
0x25: {  	[simem:s6], [sflag:s4] =	dma.local [hbm:s3], $0xF7A  }
0x26: {  	[smem:$0x3F9F] =	sst s1;
	(tag) =	ssettag s2;
	_ =	strace s9  }
0x27: {  	s1 =	sld [smem:$0x3FAF]  }
0x28: {  	s2 =	sld [smem:$0x3FB0]  }
0x29: {  	s4 =	sld [smem:$0x3FB2]  }
0x2a: {  	p0 =	seq.s32 s5, $0x0;
	s5 =	sld [smem:$0x3FB3]  }
0x2b: {  	s6 =	sld [smem:$0x3FB4]  }
0x2c: {  	s7 =	sld [smem:$0x3FB5]  }
0x2d: {  	s3 =	simm.s32 $0x108;
	s8 =	sld [smem:$0x3FB6]  }
0x2e: {  	s3 =	simm.s32 @!p0 $0x1082;
	s9 =	sld [smem:$0x3FB7]  }
0x2f: {  	lr =	sadd.s32 s0, s3;
	s0 =	sld [smem:$0x3FAE]  }
0x30: {  	s3 =	sld [smem:$0x3FB1]  }
0x31: {  	[smem:$0x3FBA] =	sst s10  }
0x32: {  	s10 =	sld [smem:$0x3FB8];
	_ =	sdelay $0x3  }
0x33: {  	p0 =	seq.s32 s10, $0x1;
	s10 =	sld [smem:$0x3FBA];
	_ =	sdelay $0x3  }
0x34: {  	[smem:$0x3FBA] =	sst s10  }
0x35: {  	s10 =	sld [smem:$0x3FB9];
	_ =	sdelay $0x3  }
0x36: {  	p1 =	seq.s32 s10, $0x1;
	s10 =	sld [smem:$0x3FBA];
	_ =	sdelay $0x3  }
0x37: {  	[smem:$0x3FBA] =	sst s10  }
0x38: {  	s10 =	sld [smem:$0x3FBB]  }
0x39: {  	_ = 	snop;
	(pc) =	sbr.ind lr, $3  }
0x3a: {  	_ = 	snop  }
0x3b: {  	_ = 	snop  }
0x3c: {  	p2 =	seq.s32 s10, $0x1;
	s10 =	sld [smem:$0x3FBA]  }
0x3d: {  	_ =	shalt  }
0x3e: {  	_ =	shalt  }
0x3f: {  	_ =	shalt  }
0x40: {  	_ =	shalt  }
0x41: {  	_ =	shalt  }
0x42: {  	_ =	shalt  }
0x43: {  	_ =	shalt  }
0x44: {  	_ =	shalt  }
0x45: {  	_ =	shalt  }
0x46: {  	_ =	shalt  }
0x47: {  	_ =	shalt  }
0x48: {  	_ =	shalt  }
0x49: {  	_ =	shalt  }
0x4a: {  	_ =	shalt  }
0x4b: {  	_ =	shalt  }
0x4c: {  	_ =	shalt  }
0x4d: {  	_ =	shalt  }
0x4e: {  	_ =	shalt  }
0x4f: {  	_ =	shalt  }
0x50: {  	_ =	shalt  }
0x51: {  	_ =	shalt  }
0x52: {  	_ =	shalt  }
0x53: {  	_ =	shalt  }
0x54: {  	_ =	shalt  }
0x55: {  	_ =	shalt  }
0x56: {  	_ =	shalt  }
0x57: {  	_ =	shalt  }
0x58: {  	_ =	shalt  }
0x59: {  	_ =	shalt  }
0x5a: {  	_ =	shalt  }
0x5b: {  	_ =	shalt  }
0x5c: {  	_ =	shalt  }
0x5d: {  	_ =	shalt  }
0x5e: {  	_ =	shalt  }
0x5f: {  	_ =	shalt  }
0x60: {  	_ =	shalt  }
0x61: {  	_ =	shalt  }
0x62: {  	_ =	shalt  }
0x63: {  	_ =	shalt  }
0x64: {  	_ =	shalt  }
0x65: {  	_ =	shalt  }
0x66: {  	_ =	shalt  }
0x67: {  	_ =	shalt  }
0x68: {  	_ =	shalt  }
0x69: {  	_ =	shalt  }
0x6a: {  	_ =	shalt  }
0x6b: {  	_ =	shalt  }
0x6c: {  	_ =	shalt  }
0x6d: {  	_ =	shalt  }
0x6e: {  	_ =	shalt  }
0x6f: {  	_ =	shalt  }
0x70: {  	_ =	shalt  }
0x71: {  	_ =	shalt  }
0x72: {  	_ =	shalt  }
0x73: {  	_ =	shalt  }
0x74: {  	_ =	shalt  }
0x75: {  	_ =	shalt  }
0x76: {  	_ =	shalt  }
0x77: {  	_ =	shalt  }
0x78: {  	_ =	shalt  }
0x79: {  	_ =	shalt  }
0x7a: {  	_ =	shalt  }
0x7b: {  	_ =	shalt  }
0x7c: {  	_ =	shalt  }
0x7d: {  	_ =	shalt  }
0x7e: {  	_ =	shalt  }
0x7f: {  	_ =	shalt  }
0x80: {  	_ =	shalt  }
0x81: {  	_ =	shalt  }
0x82: {  	_ =	shalt  }
0x83: {  	_ =	shalt  }
0x84: {  	_ =	shalt  }
0x85: {  	_ =	shalt  }
0x86: {  	_ =	shalt  }
0x87: {  	_ =	shalt  }
.Lfunc_end0:
.L_simem_size_0:
called_computation_lowered:
.L_overlay_start_0:
0x88: {  	s2 =	sld [smem:$0x3FD9]  }
0x89: {  	s3 =	sld [smem:$0x3FFE];
	_ =	sdelay $0x1  }
0x8a: {  	s1 =	srdreg.scid  }
0x8b: {  	s0 =	sand.u32 $0x1, s1  }
0x8c: {  	s18 =	sshll.u32 s0, $0xA;
	s2 =	sadd.s32 s3, s2  }
0x8d: {  	s2 =	sadd.s32 s2, s18  }
0x8e: {  	[smem:$0x3FC6] =	sst s2  }
0x8f: {  	_ = 	snop  }
0x90: {  	s2 =	sld [smem:$0x3FC9]  }
0x91: {  	s19 =	sld [smem:$0x3FC8]  }
0x92: {  	s4 =	sld [smem:$0x3FD0];
	(tm) =	ssettm $0x1  }
0x93: {  	s5 =	sld [smem:$0x3FFB];
	_ =	sdelay $0x3  }
0x94: {  	_ =	strace s5  }
0x95: {  	s5 =	sld [smem:$0x3FFC];
	_ =	sdelay $0x3  }
0x96: {  	_ =	strace s5  }
0x97: {  	s5 =	sld [smem:$0x3FFD];
	_ =	sdelay $0x3  }
0x98: {  	_ =	strace s5  }
0x99: {  	_ =	strace $0x8FFFFFFF  }
0x9a: {  	s20 =	sld [smem:$0x3FDB];
	_ =	sdelay $0x1  }
0x9b: {  	s6 =	simm.s32 $_scs_section_size  }
0x9c: {  	s7 =	simm.s32 $_size__tile_overlayer_lowered;
	s8 =	simm.s32 $_tile_overlayer_lowered  }
0x9d: {  	s23 =	simm.s32 $0x1BFF;
	s22 =	sshll.u32 s8, $0x1;
	s5 =	sadd.s32 s6, s20  }
0x9e: {  	s9 =	simm.s32 $0x0;
	s21 =	sshll.u32 s7, $0x1;
	s7 =	sadd.s32 s22, s5  }
0x9f: {  	[timem:s9], [sflag:s23] =	dma.local [hbm:s7], s21  }
0xa0: {  	_ =	swait.ge [sflag:s23], s21  }
0xa1: {  	s6 =	ssub.s32 $0x0, s21;
	[sflag:s23] =	ssyncset.done $0x0  }
0xa2: {  	[sflag:s23] =	ssyncadd.s32 s6;
	_ =	sdelay $0x1  }
0xa3: {  	s24 =	simm.s32 $0x1B8B  }
0xa4: {  	_ =	swait.ge [sflag:s24], $0x1  }
0xa5: {  	[sflag:s24] =	ssyncset.done $0x0  }
0xa6: {  	s25 =	simm.s32 $0x1B8E;
	[sflag:s24] =	ssyncadd.s32 $0xFFFFFFFF  }
0xa7: {  	s26 =	simm.s32 $execute0_lowered;
	[smem:$0x3FD2] =	sst s25  }
0xa8: {  	s6 =	sshll.u32 s26, $0x1;
	_ =	strace $0x80000046;
	[dreg:$0x1] =	wrdreg $0xFFFFFFFF  }
0xa9: {  	s28 =	simm.s32 $_size_execute0_lowered;
	s5 =	sadd.s32 s5, s6;
	[dreg:$0x0] =	wrdreg $0x0  }
0xaa: {  	s6 =	sshll.u32 s28, $0x1;
	[dreg:$0x2] =	wrdreg s5  }
0xab: {  	[dreg:$0x3] =	wrdreg s6  }
0xac: {  	[dreg:$0x4] =	wrdreg $0xC0  }
0xad: {  	_ =	task [dreg:s9], $0x5FFFF  }
0xae: {  	[dreg:$0x1] =	wrdreg $0xFFFFFFFF  }
0xaf: {  	[dreg:$0x0] =	wrdreg $0x60  }
0xb0: {  	[dreg:$0x2] =	wrdreg s2  }
0xb1: {  	[dreg:$0x3] =	wrdreg s19  }
0xb2: {  	[dreg:$0x4] =	wrdreg s4  }
0xb3: {  	[dreg:$0x5] =	wrdreg $0x9  }
0xb4: {  	_ =	task.clear_ibuf [dreg:s9], $0x6FFFF;
	_ =	strace $0x90000046  }
0xb5: {  	s29 =	simm.s32 $0x9;
	_ =	strace $0x80000048  }
0xb6: {  	_ =	swait.ge [sflag:s29], $0x1  }
0xb7: {  	[sflag:s29] =	ssyncadd.s32 $0xFFFFFFFF  }
0xb8: {  	_ =	strace $0x90000048  }
0xb9: {  	_ =	sfence  }
0xba: {  	s30 =	sld [smem:$0x0];
	_ =	sdelay $0x2  }
0xbb: {  	s31 =	sshll.u32 s1, $0xD;
	s1 =	sshrl.u32 s1, $0x2  }
0xbc: {  	s3 =	sand.u32 $0x4000, s31;
	s1 =	sadd.s32 s1, s30  }
0xbd: {  	s0 =	sor.u32 s3, s0;
	s1 =	sshll.u32 s1, $0x11  }
0xbe: {  	s0 =	sor.u32 s1, s0  }
0xbf: {  	s0 =	sadd.s32 $0x8F2B, s0  }
0xc0: {  	[sflag:s0] =	ssyncadd.remote.s32 $0x1  }
0xc1: {  	_ =	sfence.sel $0xFFFF  }
0xc2: {  	[dreg:$0x0] =	wrdreg $0xFFFFFFFF;
	(pc) =	sbr.abs _section_cstart, $3  }
0xc3: {  	[dreg:$0x1] =	wrdreg $0xFFFFFFFF  }
0xc4: {  	_ =	task.clear_ibuf [dreg:s9], $0x2FFFF;
	_ =	strace $0x9FFFFFFF  }
0xc5: {  	(tm) =	ssettm $0x7FFFFFFF  }
tec
execute0_lowered:
.L_overlay_start_1:
0x0: {  	(tag) =	ssettag $0x1  }
0x1: {  	s1 =	rddreg [dreg:$0x0]  }
0x2: {  	s3 =	rddreg [dreg:$0x1]  }
0x3: {  	s4 =	rddreg [dreg:$0x2];
	s5 =	srdreg.scid  }
0x4: {  	s0 =	rddreg [dreg:$0x3];
	s2 =	stileid.u32;
	s11 =	simm.s32 $0x400  }
0x5: {  	s12 =	simm.s32 $0x5;
	s13 =	simm.s32 $0xD0;
	s14 =	simm.s32 $0x200  }
0x6: {  	s15 =	simm.s32 $0x100;
	s16 =	simm.s32 $0x6A00;
	s17 =	simm.s32 $0x1  }
0x7: {  	s18 =	simm.s32 $0xD200;
	s19 =	simm.s32 $0x2;
	s20 =	simm.s32 $0x4  }
0x8: {  	s21 =	simm.s32 $0xEE00;
	s22 =	simm.s32 $0x3;
	s23 =	simm.s32 $0x0  }
0x9: {  	s6 =	sand.u32 $0x1, s5;
	s5 =	simm.s32 $0x0;
	s8 =	sshll.u32 s2, $0x1  }
0xa: {  	s7 =	ssub.s32 $0x2, s6;
	[smem:$0x7FF] =	sst s5;
	s8 =	sor.u32 s6, s8  }
0xb: {  	s9 =	sshrl.u32 s7, $0x1;
	_ =	strace $0x80000047;
	s10 =	sshll.u32 s8, $0x9  }
0xc: {  	s6 =	sshll.u32 s8, $0x4;
	s9 =	ssub.s32 s7, s9;
	s7 =	sshll.u32 s8, $0xC  }
0xd: {  	v0 =	vimm.s32 $0x0;
	s8 =	sadd.s32 s3, s10;
	s10 =	simm.s32 $0x80;
	s9 =	smax.u32 s9, $0x1  }
.LBB2_1:
0xe: {  	[tilespmem:$0xEA40] =	vst v0  }
0xf: {  	[tilespmem:$0xEA50] =	vst v0  }
0x10: {  	[tilespmem:$0xEA60] =	vst v0  }
0x11: {  	[tilespmem:$0xEA70] =	vst v0  }
0x12: {  	[tilespmem:$0xEAC0] =	vst v0  }
0x13: {  	[tilespmem:$0xEAD0] =	vst v0  }
0x14: {  	[tilespmem:$0xEAE0] =	vst v0  }
0x15: {  	[tilespmem:$0xEAF0] =	vst v0  }
0x16: {  	[tilespmem:$0xEB40] =	vst v0  }
0x17: {  	[tilespmem:$0xEB50] =	vst v0  }
0x18: {  	[tilespmem:$0xEB60] =	vst v0  }
0x19: {  	[tilespmem:$0xEB70] =	vst v0  }
0x1a: {  	[tilespmem:$0xEBC0] =	vst v0  }
0x1b: {  	[tilespmem:$0xEBD0] =	vst v0  }
0x1c: {  	[tilespmem:$0xEBE0] =	vst v0  }
0x1d: {  	[tilespmem:$0xEBF0] =	vst v0  }
0x1e: {  	[tilespmem:$0xEC40] =	vst v0  }
0x1f: {  	[tilespmem:$0xEC50] =	vst v0  }
0x20: {  	[tilespmem:$0xEC60] =	vst v0  }
0x21: {  	[tilespmem:$0xEC70] =	vst v0  }
0x22: {  	[tilespmem:$0xECC0] =	vst v0  }
0x23: {  	[tilespmem:$0xECD0] =	vst v0  }
0x24: {  	[tilespmem:$0xECE0] =	vst v0  }
0x25: {  	[tilespmem:$0xECF0] =	vst v0  }
0x26: {  	[tilespmem:$0xED40] =	vst v0  }
0x27: {  	[tilespmem:$0xED50] =	vst v0  }
0x28: {  	[tilespmem:$0xED60] =	vst v0  }
0x29: {  	[tilespmem:$0xED70] =	vst v0  }
0x2a: {  	[tilespmem:$0xEDC0] =	vst v0  }
0x2b: {  	[tilespmem:$0xEDD0] =	vst v0  }
0x2c: {  	[tilespmem:$0xEDE0] =	vst v0  }
0x2d: {  	[tilespmem:$0xEDF0] =	vst v0  }
0x2e: {  	[tilespmem:$0x10640] =	vst v0  }
0x2f: {  	[tilespmem:$0x10650] =	vst v0  }
0x30: {  	[tilespmem:$0x10660] =	vst v0  }
0x31: {  	[tilespmem:$0x10670] =	vst v0  }
0x32: {  	[tilespmem:$0x106C0] =	vst v0  }
0x33: {  	[tilespmem:$0x106D0] =	vst v0  }
0x34: {  	[tilespmem:$0x106E0] =	vst v0  }
0x35: {  	[tilespmem:$0x106F0] =	vst v0  }
0x36: {  	[tilespmem:$0x10740] =	vst v0  }
0x37: {  	[tilespmem:$0x10750] =	vst v0  }
0x38: {  	[tilespmem:$0x10760] =	vst v0  }
0x39: {  	[tilespmem:$0x10770] =	vst v0  }
0x3a: {  	[tilespmem:$0x107C0] =	vst v0  }
0x3b: {  	[tilespmem:$0x107D0] =	vst v0  }
0x3c: {  	[tilespmem:$0x107E0] =	vst v0  }
0x3d: {  	[tilespmem:$0x107F0] =	vst v0  }
0x3e: {  	[tilespmem:$0x10840] =	vst v0  }
0x3f: {  	[tilespmem:$0x10850] =	vst v0  }
0x40: {  	[tilespmem:$0x10860] =	vst v0  }
0x41: {  	[tilespmem:$0x10870] =	vst v0  }
0x42: {  	[tilespmem:$0x108C0] =	vst v0  }
0x43: {  	[tilespmem:$0x108D0] =	vst v0  }
0x44: {  	[tilespmem:$0x108E0] =	vst v0  }
0x45: {  	[tilespmem:$0x108F0] =	vst v0  }
0x46: {  	[tilespmem:$0x10940] =	vst v0  }
0x47: {  	[tilespmem:$0x10950] =	vst v0  }
0x48: {  	[tilespmem:$0x10960] =	vst v0  }
0x49: {  	[tilespmem:$0x10970] =	vst v0  }
0x4a: {  	[tilespmem:$0x109C0] =	vst v0  }
0x4b: {  	[tilespmem:$0x109D0] =	vst v0  }
0x4c: {  	[tilespmem:$0x109E0] =	vst v0  }
0x4d: {  	[tilespmem:$0x109F0] =	vst v0  }
0x4e: {  	[tilespmem:s5], [sflag:$0x5] =	stream.strided.gather [hbm4b:s8+s10], $0x100, s11, s10, $0x38;
	[tilespmem:$0x10A00] =	vst v63  }
0x4f: {  	_ =	swait.ge [sflag:s12], $0x100  }
0x50: {  	[sflag:s12] =	ssyncset.done $0x0  }
0x51: {  	s24 =	simm.s32 $0x0;
	[sflag:s12] =	ssyncadd.s32 $0xFFFFFF00  }
0x52: {  	[tilespmem:s14], [sflag:$0x1] =	stream.indirect.gather [hbm4b:s1+s13], $0x80, s5, s13, $0xb8;
	[tilespmem:$0x10A00] =	vst v63  }
.LBB2_2:
0x53: {  	s25 =	sshllo.u32 s24, $0x1  }
0x54: {  	s28 =	sshll.u32 s24, $0x9;
	s26 =	sshll.u32 s25, $0x7  }
0x55: {  	s28 =	sand.u32 $0x800, s28;
	s26 =	sand.u32 $0x380, s26  }
0x56: {  	s26 =	sor.u32 s26, s28  }
0x57: {  	s26 =	sor.u32 s7, s26  }
0x58: {  	s26 =	sshrl.u32 s26, $0x3  }
0x59: {  	s26 =	sadd.s32 s3, s26  }
0x5a: {  	[tilespmem:s15], [sflag:$0x5] =	stream.strided.gather [hbm4b:s26+s10], $0x100, s11, s10, $0x38;
	[tilespmem:$0x10A00] =	vst v63  }
0x5b: {  	_ =	swait.ge [sflag:s12], $0x100  }
0x5c: {  	[sflag:s12] =	ssyncset.done $0x0  }
0x5d: {  	[sflag:s12] =	ssyncadd.s32 $0xFFFFFF00  }
0x5e: {  	[tilespmem:s16], [sflag:$0x2] =	stream.indirect.gather [hbm4b:s1+s13], $0x80, s15, s13, $0xb8;
	[tilespmem:$0x10A00] =	vst v63  }
0x5f: {  	_ =	swait.ge [sflag:s17], $0x6800  }
0x60: {  	p0 =	seq.s32 s24, $0x0;
	[sflag:s17] =	ssyncset.done $0x0  }
0x61: {  	s28 =	simm.s32 @!p0 $0x3;
	[sflag:s17] =	ssyncadd.s32 $0xFFFF9800  }
0x62: {  	_ =	swait.ge @!p0 [sflag:s28], $0x1C00  }
0x63: {  	s29 =	simm.s32 $0xFFFFF000;
	[sflag:s28] =	ssyncset.done @!p0 $0x0  }
0x64: {  	s26 =	sshll.u32 s24, $0x1;
	[sflag:s28] =	ssyncadd.s32 @!p0 $0xFFFFE400;
	s28 =	simm.s32 $0x880  }
.LBB2_3:
0x65: {  	v1 =	vld [tilespmem:s28+$0xFFFFF980]  }
0x66: {  	v2 =	vld [tilespmem:s28+$0xFFFFF990];
	_ =	sdelay $0x4  }
0x67: {  	s30 =	sshra.s32 s29, $0x2;
	v1 =	vpack.i.f32.bf16 v2, v1  }
0x68: {  	[tilespmem:s30+$0xD600] =	vst v1  }
0x69: {  	v1 =	vld [tilespmem:s28+$0xFFFFF9A0]  }
0x6a: {  	v2 =	vld [tilespmem:s28+$0xFFFFF9B0];
	_ =	sdelay $0x4  }
0x6b: {  	v1 =	vpack.i.f32.bf16 v2, v1  }
0x6c: {  	[tilespmem:s30+$0xD610] =	vst v1  }
0x6d: {  	v1 =	vld [tilespmem:s28+$0xFFFFFA00]  }
0x6e: {  	v2 =	vld [tilespmem:s28+$0xFFFFFA10];
	_ =	sdelay $0x4  }
0x6f: {  	v1 =	vpack.i.f32.bf16 v2, v1  }
0x70: {  	[tilespmem:s30+$0xD620] =	vst v1  }
0x71: {  	v1 =	vld [tilespmem:s28+$0xFFFFFA20]  }
0x72: {  	v2 =	vld [tilespmem:s28+$0xFFFFFA30];
	_ =	sdelay $0x4  }
0x73: {  	v1 =	vpack.i.f32.bf16 v2, v1  }
0x74: {  	[tilespmem:s30+$0xD630] =	vst v1  }
0x75: {  	v1 =	vld [tilespmem:s28+$0xFFFFFA80]  }
0x76: {  	v2 =	vld [tilespmem:s28+$0xFFFFFA90];
	_ =	sdelay $0x4  }
0x77: {  	v1 =	vpack.i.f32.bf16 v2, v1  }
0x78: {  	[tilespmem:s30+$0xD640] =	vst v1  }
0x79: {  	v1 =	vld [tilespmem:s28+$0xFFFFFAA0]  }
0x7a: {  	v2 =	vld [tilespmem:s28+$0xFFFFFAB0];
	_ =	sdelay $0x4  }
0x7b: {  	v1 =	vpack.i.f32.bf16 v2, v1  }
0x7c: {  	[tilespmem:s30+$0xD650] =	vst v1  }
0x7d: {  	v1 =	vld [tilespmem:s28+$0xFFFFFB00]  }
0x7e: {  	v2 =	vld [tilespmem:s28+$0xFFFFFB10];
	_ =	sdelay $0x4  }
0x7f: {  	v1 =	vpack.i.f32.bf16 v2, v1  }
0x80: {  	[tilespmem:s30+$0xD660] =	vst v1  }
0x81: {  	v1 =	vld [tilespmem:s28+$0xFFFFFB20]  }
0x82: {  	v2 =	vld [tilespmem:s28+$0xFFFFFB30];
	_ =	sdelay $0x4  }
0x83: {  	v1 =	vpack.i.f32.bf16 v2, v1  }
0x84: {  	[tilespmem:s30+$0xD670] =	vst v1  }
0x85: {  	v1 =	vld [tilespmem:s28+$0xFFFFFB80]  }
0x86: {  	v2 =	vld [tilespmem:s28+$0xFFFFFB90];
	_ =	sdelay $0x4  }
0x87: {  	v1 =	vpack.i.f32.bf16 v2, v1  }
0x88: {  	[tilespmem:s30+$0xDA00] =	vst v1  }
0x89: {  	v1 =	vld [tilespmem:s28+$0xFFFFFBA0]  }
0x8a: {  	v2 =	vld [tilespmem:s28+$0xFFFFFBB0];
	_ =	sdelay $0x4  }
0x8b: {  	v1 =	vpack.i.f32.bf16 v2, v1  }
0x8c: {  	[tilespmem:s30+$0xDA10] =	vst v1  }
0x8d: {  	v1 =	vld [tilespmem:s28+$0xFFFFFC00]  }
0x8e: {  	v2 =	vld [tilespmem:s28+$0xFFFFFC10];
	_ =	sdelay $0x4  }
0x8f: {  	v1 =	vpack.i.f32.bf16 v2, v1  }
0x90: {  	[tilespmem:s30+$0xDA20] =	vst v1  }
0x91: {  	v1 =	vld [tilespmem:s28+$0xFFFFFC20]  }
0x92: {  	v2 =	vld [tilespmem:s28+$0xFFFFFC30];
	_ =	sdelay $0x4  }
0x93: {  	v1 =	vpack.i.f32.bf16 v2, v1  }
0x94: {  	[tilespmem:s30+$0xDA30] =	vst v1  }
0x95: {  	v1 =	vld [tilespmem:s28+$0xFFFFFC80]  }
0x96: {  	v2 =	vld [tilespmem:s28+$0xFFFFFC90];
	_ =	sdelay $0x4  }
0x97: {  	v1 =	vpack.i.f32.bf16 v2, v1  }
0x98: {  	[tilespmem:s30+$0xDA40] =	vst v1  }
0x99: {  	v1 =	vld [tilespmem:s28+$0xFFFFFCA0]  }
0x9a: {  	v2 =	vld [tilespmem:s28+$0xFFFFFCB0];
	_ =	sdelay $0x4  }
0x9b: {  	v1 =	vpack.i.f32.bf16 v2, v1  }
0x9c: {  	[tilespmem:s30+$0xDA50] =	vst v1  }
0x9d: {  	v1 =	vld [tilespmem:s28+$0xFFFFFD00]  }
0x9e: {  	v2 =	vld [tilespmem:s28+$0xFFFFFD10];
	_ =	sdelay $0x4  }
0x9f: {  	v1 =	vpack.i.f32.bf16 v2, v1  }
0xa0: {  	[tilespmem:s30+$0xDA60] =	vst v1  }
0xa1: {  	v1 =	vld [tilespmem:s28+$0xFFFFFD20]  }
0xa2: {  	v2 =	vld [tilespmem:s28+$0xFFFFFD30];
	_ =	sdelay $0x4  }
0xa3: {  	v1 =	vpack.i.f32.bf16 v2, v1  }
0xa4: {  	[tilespmem:s30+$0xDA70] =	vst v1  }
0xa5: {  	v1 =	vld [tilespmem:s28+$0xFFFFFD80]  }
0xa6: {  	v2 =	vld [tilespmem:s28+$0xFFFFFD90];
	_ =	sdelay $0x4  }
0xa7: {  	v1 =	vpack.i.f32.bf16 v2, v1  }
0xa8: {  	[tilespmem:s30+$0xDE00] =	vst v1  }
0xa9: {  	v1 =	vld [tilespmem:s28+$0xFFFFFDA0]  }
0xaa: {  	v2 =	vld [tilespmem:s28+$0xFFFFFDB0];
	_ =	sdelay $0x4  }
0xab: {  	v1 =	vpack.i.f32.bf16 v2, v1  }
0xac: {  	[tilespmem:s30+$0xDE10] =	vst v1  }
0xad: {  	v1 =	vld [tilespmem:s28+$0xFFFFFE00]  }
0xae: {  	v2 =	vld [tilespmem:s28+$0xFFFFFE10];
	_ =	sdelay $0x4  }
0xaf: {  	v1 =	vpack.i.f32.bf16 v2, v1  }
0xb0: {  	[tilespmem:s30+$0xDE20] =	vst v1  }
0xb1: {  	v1 =	vld [tilespmem:s28+$0xFFFFFE20]  }
0xb2: {  	v2 =	vld [tilespmem:s28+$0xFFFFFE30];
	_ =	sdelay $0x4  }
0xb3: {  	v1 =	vpack.i.f32.bf16 v2, v1  }
0xb4: {  	[tilespmem:s30+$0xDE30] =	vst v1  }
0xb5: {  	v1 =	vld [tilespmem:s28+$0xFFFFFE80]  }
0xb6: {  	v2 =	vld [tilespmem:s28+$0xFFFFFE90];
	_ =	sdelay $0x4  }
0xb7: {  	v1 =	vpack.i.f32.bf16 v2, v1  }
0xb8: {  	[tilespmem:s30+$0xDE40] =	vst v1  }
0xb9: {  	v1 =	vld [tilespmem:s28+$0xFFFFFEA0]  }
0xba: {  	v2 =	vld [tilespmem:s28+$0xFFFFFEB0];
	_ =	sdelay $0x4  }
0xbb: {  	v1 =	vpack.i.f32.bf16 v2, v1  }
0xbc: {  	[tilespmem:s30+$0xDE50] =	vst v1  }
0xbd: {  	v1 =	vld [tilespmem:s28+$0xFFFFFF00]  }
0xbe: {  	v2 =	vld [tilespmem:s28+$0xFFFFFF10];
	_ =	sdelay $0x4  }
0xbf: {  	v1 =	vpack.i.f32.bf16 v2, v1  }
0xc0: {  	[tilespmem:s30+$0xDE60] =	vst v1  }
0xc1: {  	v1 =	vld [tilespmem:s28+$0xFFFFFF20]  }
0xc2: {  	v2 =	vld [tilespmem:s28+$0xFFFFFF30];
	_ =	sdelay $0x4  }
0xc3: {  	v1 =	vpack.i.f32.bf16 v2, v1  }
0xc4: {  	[tilespmem:s30+$0xDE70] =	vst v1  }
0xc5: {  	v1 =	vld [tilespmem:s28+$0xFFFFFF80]  }
0xc6: {  	v2 =	vld [tilespmem:s28+$0xFFFFFF90];
	_ =	sdelay $0x4  }
0xc7: {  	v1 =	vpack.i.f32.bf16 v2, v1  }
0xc8: {  	[tilespmem:s30+$0xE200] =	vst v1  }
0xc9: {  	v1 =	vld [tilespmem:s28+$0xFFFFFFA0]  }
0xca: {  	v2 =	vld [tilespmem:s28+$0xFFFFFFB0];
	_ =	sdelay $0x4  }
0xcb: {  	v1 =	vpack.i.f32.bf16 v2, v1  }
0xcc: {  	[tilespmem:s30+$0xE210] =	vst v1  }
0xcd: {  	v1 =	vld [tilespmem:s28+$0x0]  }
0xce: {  	v2 =	vld [tilespmem:s28+$0x10];
	_ =	sdelay $0x4  }
0xcf: {  	v1 =	vpack.i.f32.bf16 v2, v1  }
0xd0: {  	[tilespmem:s30+$0xE220] =	vst v1  }
0xd1: {  	v1 =	vld [tilespmem:s28+$0x20]  }
0xd2: {  	v2 =	vld [tilespmem:s28+$0x30];
	_ =	sdelay $0x4  }
0xd3: {  	v1 =	vpack.i.f32.bf16 v2, v1  }
0xd4: {  	[tilespmem:s30+$0xE230] =	vst v1  }
0xd5: {  	v1 =	vld [tilespmem:s28+$0x80]  }
0xd6: {  	v2 =	vld [tilespmem:s28+$0x90];
	_ =	sdelay $0x4  }
0xd7: {  	v1 =	vpack.i.f32.bf16 v2, v1  }
0xd8: {  	[tilespmem:s30+$0xE240] =	vst v1  }
0xd9: {  	v1 =	vld [tilespmem:s28+$0xA0]  }
0xda: {  	v2 =	vld [tilespmem:s28+$0xB0];
	_ =	sdelay $0x4  }
0xdb: {  	v1 =	vpack.i.f32.bf16 v2, v1  }
0xdc: {  	[tilespmem:s30+$0xE250] =	vst v1  }
0xdd: {  	v1 =	vld [tilespmem:s28+$0x100]  }
0xde: {  	v2 =	vld [tilespmem:s28+$0x110];
	_ =	sdelay $0x4  }
0xdf: {  	v1 =	vpack.i.f32.bf16 v2, v1  }
0xe0: {  	[tilespmem:s30+$0xE260] =	vst v1  }
0xe1: {  	v1 =	vld [tilespmem:s28+$0x120]  }
0xe2: {  	v2 =	vld [tilespmem:s28+$0x130];
	_ =	sdelay $0x4  }
0xe3: {  	v1 =	vpack.i.f32.bf16 v2, v1  }
0xe4: {  	[tilespmem:s30+$0xE270] =	vst v1  }
0xe5: {  	v1 =	vld [tilespmem:s28+$0x180]  }
0xe6: {  	v2 =	vld [tilespmem:s28+$0x190];
	_ =	sdelay $0x4  }
0xe7: {  	v1 =	vpack.i.f32.bf16 v2, v1  }
0xe8: {  	[tilespmem:s30+$0xE600] =	vst v1  }
0xe9: {  	v1 =	vld [tilespmem:s28+$0x1A0]  }
0xea: {  	v2 =	vld [tilespmem:s28+$0x1B0];
	_ =	sdelay $0x4  }
0xeb: {  	v1 =	vpack.i.f32.bf16 v2, v1  }
0xec: {  	[tilespmem:s30+$0xE610] =	vst v1  }
0xed: {  	v1 =	vld [tilespmem:s28+$0x200]  }
0xee: {  	v2 =	vld [tilespmem:s28+$0x210];
	_ =	sdelay $0x4  }
0xef: {  	v1 =	vpack.i.f32.bf16 v2, v1  }
0xf0: {  	[tilespmem:s30+$0xE620] =	vst v1  }
0xf1: {  	v1 =	vld [tilespmem:s28+$0x220]  }
0xf2: {  	v2 =	vld [tilespmem:s28+$0x230];
	_ =	sdelay $0x4  }
0xf3: {  	v1 =	vpack.i.f32.bf16 v2, v1  }
0xf4: {  	[tilespmem:s30+$0xE630] =	vst v1  }
0xf5: {  	v1 =	vld [tilespmem:s28+$0x280]  }
0xf6: {  	v2 =	vld [tilespmem:s28+$0x290];
	_ =	sdelay $0x4  }
0xf7: {  	v1 =	vpack.i.f32.bf16 v2, v1  }
0xf8: {  	[tilespmem:s30+$0xE640] =	vst v1  }
0xf9: {  	v1 =	vld [tilespmem:s28+$0x2A0]  }
0xfa: {  	v2 =	vld [tilespmem:s28+$0x2B0];
	_ =	sdelay $0x4  }
0xfb: {  	v1 =	vpack.i.f32.bf16 v2, v1  }
0xfc: {  	[tilespmem:s30+$0xE650] =	vst v1  }
0xfd: {  	v1 =	vld [tilespmem:s28+$0x300]  }
0xfe: {  	v2 =	vld [tilespmem:s28+$0x310];
	_ =	sdelay $0x4  }
0xff: {  	v1 =	vpack.i.f32.bf16 v2, v1  }
0x100: {  	[tilespmem:s30+$0xE660] =	vst v1  }
0x101: {  	v1 =	vld [tilespmem:s28+$0x320]  }
0x102: {  	v2 =	vld [tilespmem:s28+$0x330];
	_ =	sdelay $0x4  }
0x103: {  	v1 =	vpack.i.f32.bf16 v2, v1  }
0x104: {  	[tilespmem:s30+$0xE670] =	vst v1  }
0x105: {  	v1 =	vld [tilespmem:s28+$0x380]  }
0x106: {  	v2 =	vld [tilespmem:s28+$0x390];
	_ =	sdelay $0x4  }
0x107: {  	v1 =	vpack.i.f32.bf16 v2, v1  }
0x108: {  	[tilespmem:s30+$0xEA00] =	vst v1  }
0x109: {  	v1 =	vld [tilespmem:s28+$0x3A0]  }
0x10a: {  	v2 =	vld [tilespmem:s28+$0x3B0];
	_ =	sdelay $0x4  }
0x10b: {  	v1 =	vpack.i.f32.bf16 v2, v1  }
0x10c: {  	[tilespmem:s30+$0xEA10] =	vst v1  }
0x10d: {  	v1 =	vld [tilespmem:s28+$0x400]  }
0x10e: {  	v2 =	vld [tilespmem:s28+$0x410];
	_ =	sdelay $0x4  }
0x10f: {  	v1 =	vpack.i.f32.bf16 v2, v1  }
0x110: {  	[tilespmem:s30+$0xEA20] =	vst v1  }
0x111: {  	v1 =	vld [tilespmem:s28+$0x420]  }
0x112: {  	v2 =	vld [tilespmem:s28+$0x430];
	_ =	sdelay $0x4  }
0x113: {  	v1 =	vpack.i.f32.bf16 v2, v1  }
0x114: {  	[tilespmem:s30+$0xEA30] =	vst v1  }
0x115: {  	v1 =	vld [tilespmem:s28+$0x480]  }
0x116: {  	v2 =	vld [tilespmem:s28+$0x490];
	_ =	sdelay $0x4  }
0x117: {  	v1 =	vpack.i.f32.bf16 v2, v1  }
0x118: {  	[tilespmem:s30+$0xEA40] =	vst v1  }
0x119: {  	v1 =	vld [tilespmem:s28+$0x4A0]  }
0x11a: {  	v2 =	vld [tilespmem:s28+$0x4B0];
	_ =	sdelay $0x4  }
0x11b: {  	v1 =	vpack.i.f32.bf16 v2, v1  }
0x11c: {  	[tilespmem:s30+$0xEA50] =	vst v1  }
0x11d: {  	v1 =	vld [tilespmem:s28+$0x500]  }
0x11e: {  	v2 =	vld [tilespmem:s28+$0x510];
	_ =	sdelay $0x4  }
0x11f: {  	v1 =	vpack.i.f32.bf16 v2, v1  }
0x120: {  	[tilespmem:s30+$0xEA60] =	vst v1  }
0x121: {  	v1 =	vld [tilespmem:s28+$0x520]  }
0x122: {  	v2 =	vld [tilespmem:s28+$0x530];
	_ =	sdelay $0x4  }
0x123: {  	v1 =	vpack.i.f32.bf16 v2, v1  }
0x124: {  	[tilespmem:s30+$0xEA70] =	vst v1  }
0x125: {  	v1 =	vld [tilespmem:s28+$0x580]  }
0x126: {  	v2 =	vld [tilespmem:s28+$0x590];
	_ =	sdelay $0x4  }
0x127: {  	v1 =	vpack.i.f32.bf16 v2, v1  }
0x128: {  	[tilespmem:s30+$0xEE00] =	vst v1  }
0x129: {  	v1 =	vld [tilespmem:s28+$0x5A0]  }
0x12a: {  	v2 =	vld [tilespmem:s28+$0x5B0];
	_ =	sdelay $0x4  }
0x12b: {  	v1 =	vpack.i.f32.bf16 v2, v1  }
0x12c: {  	[tilespmem:s30+$0xEE10] =	vst v1  }
0x12d: {  	v1 =	vld [tilespmem:s28+$0x600]  }
0x12e: {  	v2 =	vld [tilespmem:s28+$0x610];
	_ =	sdelay $0x4  }
0x12f: {  	v1 =	vpack.i.f32.bf16 v2, v1  }
0x130: {  	[tilespmem:s30+$0xEE20] =	vst v1  }
0x131: {  	v1 =	vld [tilespmem:s28+$0x620]  }
0x132: {  	v2 =	vld [tilespmem:s28+$0x630]  }
0x133: {  	p1 =	sne.s32 s29, $0xFFFFFE00  }
.Ltmp0:
0x134: {  	_ = 	snop;
	(pc) =	sbr.rel @p1 .LBB2_3-.Ltmp0, $3  }
0x135: {  	_ =	sdelay $0x1  }
0x136: {  	v1 =	vpack.i.f32.bf16 v2, v1  }
0x137: {  	s29 =	sadd.s32 $0x200, s29;
	s28 =	sadd.s32 $0xD00, s28;
	[tilespmem:s30+$0xEE30] =	vst v1  }
0x138: {  	p1 =	sne.s32 s24, $0x7  }
.Ltmp1:
0x139: {  	s28 =	sadd.s32 s6, s26;
	(pc) =	sbr.rel @p1 .LBB2_6-.Ltmp1, $3  }
0x13a: {  	s28 =	smul.u32 $0x380, s28;
	_ =	sdelay $0x1  }
0x13b: {  	s28 =	sadd.s32 s4, s28  }
0x13c: {  	[hbm4b:s28+s5] =	stream.linear.scatter [tilespmem:s18], [sflag:$0x3], $0x1C00, $0x38;
	[tilespmem:$0x10A00] =	vst v63  }
.Ltmp2:
0x13d: {  	(pc) =	sbr.rel .LBB2_7-.Ltmp2, $4  }
0x13e: {  	_ = 	snop  }
0x13f: {  	_ =	swait.ge [sflag:s19], $0x6800  }
0x140: {  	[sflag:s19] =	ssyncset.done $0x0  }
0x141: {  	[sflag:s19] =	ssyncadd.s32 $0xFFFF9800  }
.LBB2_6:
0x142: {  	s26 =	sadd.s32 $0x2, s26  }
0x143: {  	s28 =	sshll.u32 s26, $0x8  }
0x144: {  	s26 =	sshll.u32 s26, $0x7;
	s28 =	sand.u32 $0x1800, s28  }
0x145: {  	s26 =	sand.u32 $0x300, s26;
	s28 =	sadd.s32 s7, s28  }
0x146: {  	s26 =	sor.u32 s26, s28  }
0x147: {  	s26 =	sshrl.u32 s26, $0x3  }
0x148: {  	s26 =	sadd.s32 s3, s26  }
0x149: {  	[tilespmem:s5], [sflag:$0x5] =	stream.strided.gather [hbm4b:s26+s10], $0x100, s11, s10, $0x38;
	[tilespmem:$0x10A00] =	vst v63  }
0x14a: {  	_ =	swait.ge [sflag:s12], $0x100  }
0x14b: {  	[sflag:s12] =	ssyncset.done $0x0  }
.Ltmp3:
0x14c: {  	[sflag:s12] =	ssyncadd.s32 $0xFFFFFF00;
	(pc) =	sbr.rel @p0 .LBB2_8-.Ltmp3, $4  }
0x14d: {  	[tilespmem:s14], [sflag:$0x1] =	stream.indirect.gather [hbm4b:s1+s13], $0x80, s5, s13, $0xb8;
	[tilespmem:$0x10A00] =	vst v63  }
0x14e: {  	_ =	swait.ge [sflag:s19], $0x6800  }
0x14f: {  	[sflag:s19] =	ssyncset.done $0x0  }
0x150: {  	[sflag:s19] =	ssyncadd.s32 $0xFFFF9800  }
.LBB2_7:
0x151: {  	_ =	swait.ge [sflag:s20], $0x1C00  }
0x152: {  	[sflag:s20] =	ssyncset.done $0x0  }
0x153: {  	[sflag:s20] =	ssyncadd.s32 $0xFFFFE400  }
.LBB2_8:
0x154: {  	s26 =	simm.s32 $0x7080;
	s28 =	simm.s32 $0xFFFFF000  }
.LBB2_9:
0x155: {  	v1 =	vld [tilespmem:s26+$0xFFFFF980]  }
0x156: {  	v2 =	vld [tilespmem:s26+$0xFFFFF990];
	_ =	sdelay $0x4  }
0x157: {  	s29 =	sshra.s32 s28, $0x2;
	v1 =	vpack.i.f32.bf16 v2, v1  }
0x158: {  	[tilespmem:s29+$0xF200] =	vst v1  }
0x159: {  	v1 =	vld [tilespmem:s26+$0xFFFFF9A0]  }
0x15a: {  	v2 =	vld [tilespmem:s26+$0xFFFFF9B0];
	_ =	sdelay $0x4  }
0x15b: {  	v1 =	vpack.i.f32.bf16 v2, v1  }
0x15c: {  	[tilespmem:s29+$0xF210] =	vst v1  }
0x15d: {  	v1 =	vld [tilespmem:s26+$0xFFFFFA00]  }
0x15e: {  	v2 =	vld [tilespmem:s26+$0xFFFFFA10];
	_ =	sdelay $0x4  }
0x15f: {  	v1 =	vpack.i.f32.bf16 v2, v1  }
0x160: {  	[tilespmem:s29+$0xF220] =	vst v1  }
0x161: {  	v1 =	vld [tilespmem:s26+$0xFFFFFA20]  }
0x162: {  	v2 =	vld [tilespmem:s26+$0xFFFFFA30];
	_ =	sdelay $0x4  }
0x163: {  	v1 =	vpack.i.f32.bf16 v2, v1  }
0x164: {  	[tilespmem:s29+$0xF230] =	vst v1  }
0x165: {  	v1 =	vld [tilespmem:s26+$0xFFFFFA80]  }
0x166: {  	v2 =	vld [tilespmem:s26+$0xFFFFFA90];
	_ =	sdelay $0x4  }
0x167: {  	v1 =	vpack.i.f32.bf16 v2, v1  }
0x168: {  	[tilespmem:s29+$0xF240] =	vst v1  }
0x169: {  	v1 =	vld [tilespmem:s26+$0xFFFFFAA0]  }
0x16a: {  	v2 =	vld [tilespmem:s26+$0xFFFFFAB0];
	_ =	sdelay $0x4  }
0x16b: {  	v1 =	vpack.i.f32.bf16 v2, v1  }
0x16c: {  	[tilespmem:s29+$0xF250] =	vst v1  }
0x16d: {  	v1 =	vld [tilespmem:s26+$0xFFFFFB00]  }
0x16e: {  	v2 =	vld [tilespmem:s26+$0xFFFFFB10];
	_ =	sdelay $0x4  }
0x16f: {  	v1 =	vpack.i.f32.bf16 v2, v1  }
0x170: {  	[tilespmem:s29+$0xF260] =	vst v1  }
0x171: {  	v1 =	vld [tilespmem:s26+$0xFFFFFB20]  }
0x172: {  	v2 =	vld [tilespmem:s26+$0xFFFFFB30];
	_ =	sdelay $0x4  }
0x173: {  	v1 =	vpack.i.f32.bf16 v2, v1  }
0x174: {  	[tilespmem:s29+$0xF270] =	vst v1  }
0x175: {  	v1 =	vld [tilespmem:s26+$0xFFFFFB80]  }
0x176: {  	v2 =	vld [tilespmem:s26+$0xFFFFFB90];
	_ =	sdelay $0x4  }
0x177: {  	v1 =	vpack.i.f32.bf16 v2, v1  }
0x178: {  	[tilespmem:s29+$0xF600] =	vst v1  }
0x179: {  	v1 =	vld [tilespmem:s26+$0xFFFFFBA0]  }
0x17a: {  	v2 =	vld [tilespmem:s26+$0xFFFFFBB0];
	_ =	sdelay $0x4  }
0x17b: {  	v1 =	vpack.i.f32.bf16 v2, v1  }
0x17c: {  	[tilespmem:s29+$0xF610] =	vst v1  }
0x17d: {  	v1 =	vld [tilespmem:s26+$0xFFFFFC00]  }
0x17e: {  	v2 =	vld [tilespmem:s26+$0xFFFFFC10];
	_ =	sdelay $0x4  }
0x17f: {  	v1 =	vpack.i.f32.bf16 v2, v1  }
0x180: {  	[tilespmem:s29+$0xF620] =	vst v1  }
0x181: {  	v1 =	vld [tilespmem:s26+$0xFFFFFC20]  }
0x182: {  	v2 =	vld [tilespmem:s26+$0xFFFFFC30];
	_ =	sdelay $0x4  }
0x183: {  	v1 =	vpack.i.f32.bf16 v2, v1  }
0x184: {  	[tilespmem:s29+$0xF630] =	vst v1  }
0x185: {  	v1 =	vld [tilespmem:s26+$0xFFFFFC80]  }
0x186: {  	v2 =	vld [tilespmem:s26+$0xFFFFFC90];
	_ =	sdelay $0x4  }
0x187: {  	v1 =	vpack.i.f32.bf16 v2, v1  }
0x188: {  	[tilespmem:s29+$0xF640] =	vst v1  }
0x189: {  	v1 =	vld [tilespmem:s26+$0xFFFFFCA0]  }
0x18a: {  	v2 =	vld [tilespmem:s26+$0xFFFFFCB0];
	_ =	sdelay $0x4  }
0x18b: {  	v1 =	vpack.i.f32.bf16 v2, v1  }
0x18c: {  	[tilespmem:s29+$0xF650] =	vst v1  }
0x18d: {  	v1 =	vld [tilespmem:s26+$0xFFFFFD00]  }
0x18e: {  	v2 =	vld [tilespmem:s26+$0xFFFFFD10];
	_ =	sdelay $0x4  }
0x18f: {  	v1 =	vpack.i.f32.bf16 v2, v1  }
0x190: {  	[tilespmem:s29+$0xF660] =	vst v1  }
0x191: {  	v1 =	vld [tilespmem:s26+$0xFFFFFD20]  }
0x192: {  	v2 =	vld [tilespmem:s26+$0xFFFFFD30];
	_ =	sdelay $0x4  }
0x193: {  	v1 =	vpack.i.f32.bf16 v2, v1  }
0x194: {  	[tilespmem:s29+$0xF670] =	vst v1  }
0x195: {  	v1 =	vld [tilespmem:s26+$0xFFFFFD80]  }
0x196: {  	v2 =	vld [tilespmem:s26+$0xFFFFFD90];
	_ =	sdelay $0x4  }
0x197: {  	v1 =	vpack.i.f32.bf16 v2, v1  }
0x198: {  	[tilespmem:s29+$0xFA00] =	vst v1  }
0x199: {  	v1 =	vld [tilespmem:s26+$0xFFFFFDA0]  }
0x19a: {  	v2 =	vld [tilespmem:s26+$0xFFFFFDB0];
	_ =	sdelay $0x4  }
0x19b: {  	v1 =	vpack.i.f32.bf16 v2, v1  }
0x19c: {  	[tilespmem:s29+$0xFA10] =	vst v1  }
0x19d: {  	v1 =	vld [tilespmem:s26+$0xFFFFFE00]  }
0x19e: {  	v2 =	vld [tilespmem:s26+$0xFFFFFE10];
	_ =	sdelay $0x4  }
0x19f: {  	v1 =	vpack.i.f32.bf16 v2, v1  }
0x1a0: {  	[tilespmem:s29+$0xFA20] =	vst v1  }
0x1a1: {  	v1 =	vld [tilespmem:s26+$0xFFFFFE20]  }
0x1a2: {  	v2 =	vld [tilespmem:s26+$0xFFFFFE30];
	_ =	sdelay $0x4  }
0x1a3: {  	v1 =	vpack.i.f32.bf16 v2, v1  }
0x1a4: {  	[tilespmem:s29+$0xFA30] =	vst v1  }
0x1a5: {  	v1 =	vld [tilespmem:s26+$0xFFFFFE80]  }
0x1a6: {  	v2 =	vld [tilespmem:s26+$0xFFFFFE90];
	_ =	sdelay $0x4  }
0x1a7: {  	v1 =	vpack.i.f32.bf16 v2, v1  }
0x1a8: {  	[tilespmem:s29+$0xFA40] =	vst v1  }
0x1a9: {  	v1 =	vld [tilespmem:s26+$0xFFFFFEA0]  }
0x1aa: {  	v2 =	vld [tilespmem:s26+$0xFFFFFEB0];
	_ =	sdelay $0x4  }
0x1ab: {  	v1 =	vpack.i.f32.bf16 v2, v1  }
0x1ac: {  	[tilespmem:s29+$0xFA50] =	vst v1  }
0x1ad: {  	v1 =	vld [tilespmem:s26+$0xFFFFFF00]  }
0x1ae: {  	v2 =	vld [tilespmem:s26+$0xFFFFFF10];
	_ =	sdelay $0x4  }
0x1af: {  	v1 =	vpack.i.f32.bf16 v2, v1  }
0x1b0: {  	[tilespmem:s29+$0xFA60] =	vst v1  }
0x1b1: {  	v1 =	vld [tilespmem:s26+$0xFFFFFF20]  }
0x1b2: {  	v2 =	vld [tilespmem:s26+$0xFFFFFF30];
	_ =	sdelay $0x4  }
0x1b3: {  	v1 =	vpack.i.f32.bf16 v2, v1  }
0x1b4: {  	[tilespmem:s29+$0xFA70] =	vst v1  }
0x1b5: {  	v1 =	vld [tilespmem:s26+$0xFFFFFF80]  }
0x1b6: {  	v2 =	vld [tilespmem:s26+$0xFFFFFF90];
	_ =	sdelay $0x4  }
0x1b7: {  	v1 =	vpack.i.f32.bf16 v2, v1  }
0x1b8: {  	[tilespmem:s29+$0xFE00] =	vst v1  }
0x1b9: {  	v1 =	vld [tilespmem:s26+$0xFFFFFFA0]  }
0x1ba: {  	v2 =	vld [tilespmem:s26+$0xFFFFFFB0];
	_ =	sdelay $0x4  }
0x1bb: {  	v1 =	vpack.i.f32.bf16 v2, v1  }
0x1bc: {  	[tilespmem:s29+$0xFE10] =	vst v1  }
0x1bd: {  	v1 =	vld [tilespmem:s26+$0x0]  }
0x1be: {  	v2 =	vld [tilespmem:s26+$0x10];
	_ =	sdelay $0x4  }
0x1bf: {  	v1 =	vpack.i.f32.bf16 v2, v1  }
0x1c0: {  	[tilespmem:s29+$0xFE20] =	vst v1  }
0x1c1: {  	v1 =	vld [tilespmem:s26+$0x20]  }
0x1c2: {  	v2 =	vld [tilespmem:s26+$0x30];
	_ =	sdelay $0x4  }
0x1c3: {  	v1 =	vpack.i.f32.bf16 v2, v1  }
0x1c4: {  	[tilespmem:s29+$0xFE30] =	vst v1  }
0x1c5: {  	v1 =	vld [tilespmem:s26+$0x80]  }
0x1c6: {  	v2 =	vld [tilespmem:s26+$0x90];
	_ =	sdelay $0x4  }
0x1c7: {  	v1 =	vpack.i.f32.bf16 v2, v1  }
0x1c8: {  	[tilespmem:s29+$0xFE40] =	vst v1  }
0x1c9: {  	v1 =	vld [tilespmem:s26+$0xA0]  }
0x1ca: {  	v2 =	vld [tilespmem:s26+$0xB0];
	_ =	sdelay $0x4  }
0x1cb: {  	v1 =	vpack.i.f32.bf16 v2, v1  }
0x1cc: {  	[tilespmem:s29+$0xFE50] =	vst v1  }
0x1cd: {  	v1 =	vld [tilespmem:s26+$0x100]  }
0x1ce: {  	v2 =	vld [tilespmem:s26+$0x110];
	_ =	sdelay $0x4  }
0x1cf: {  	v1 =	vpack.i.f32.bf16 v2, v1  }
0x1d0: {  	[tilespmem:s29+$0xFE60] =	vst v1  }
0x1d1: {  	v1 =	vld [tilespmem:s26+$0x120]  }
0x1d2: {  	v2 =	vld [tilespmem:s26+$0x130];
	_ =	sdelay $0x4  }
0x1d3: {  	v1 =	vpack.i.f32.bf16 v2, v1  }
0x1d4: {  	[tilespmem:s29+$0xFE70] =	vst v1  }
0x1d5: {  	v1 =	vld [tilespmem:s26+$0x180]  }
0x1d6: {  	v2 =	vld [tilespmem:s26+$0x190];
	_ =	sdelay $0x4  }
0x1d7: {  	v1 =	vpack.i.f32.bf16 v2, v1  }
0x1d8: {  	[tilespmem:s29+$0x10200] =	vst v1  }
0x1d9: {  	v1 =	vld [tilespmem:s26+$0x1A0]  }
0x1da: {  	v2 =	vld [tilespmem:s26+$0x1B0];
	_ =	sdelay $0x4  }
0x1db: {  	v1 =	vpack.i.f32.bf16 v2, v1  }
0x1dc: {  	[tilespmem:s29+$0x10210] =	vst v1  }
0x1dd: {  	v1 =	vld [tilespmem:s26+$0x200]  }
0x1de: {  	v2 =	vld [tilespmem:s26+$0x210];
	_ =	sdelay $0x4  }
0x1df: {  	v1 =	vpack.i.f32.bf16 v2, v1  }
0x1e0: {  	[tilespmem:s29+$0x10220] =	vst v1  }
0x1e1: {  	v1 =	vld [tilespmem:s26+$0x220]  }
0x1e2: {  	v2 =	vld [tilespmem:s26+$0x230];
	_ =	sdelay $0x4  }
0x1e3: {  	v1 =	vpack.i.f32.bf16 v2, v1  }
0x1e4: {  	[tilespmem:s29+$0x10230] =	vst v1  }
0x1e5: {  	v1 =	vld [tilespmem:s26+$0x280]  }
0x1e6: {  	v2 =	vld [tilespmem:s26+$0x290];
	_ =	sdelay $0x4  }
0x1e7: {  	v1 =	vpack.i.f32.bf16 v2, v1  }
0x1e8: {  	[tilespmem:s29+$0x10240] =	vst v1  }
0x1e9: {  	v1 =	vld [tilespmem:s26+$0x2A0]  }
0x1ea: {  	v2 =	vld [tilespmem:s26+$0x2B0];
	_ =	sdelay $0x4  }
0x1eb: {  	v1 =	vpack.i.f32.bf16 v2, v1  }
0x1ec: {  	[tilespmem:s29+$0x10250] =	vst v1  }
0x1ed: {  	v1 =	vld [tilespmem:s26+$0x300]  }
0x1ee: {  	v2 =	vld [tilespmem:s26+$0x310];
	_ =	sdelay $0x4  }
0x1ef: {  	v1 =	vpack.i.f32.bf16 v2, v1  }
0x1f0: {  	[tilespmem:s29+$0x10260] =	vst v1  }
0x1f1: {  	v1 =	vld [tilespmem:s26+$0x320]  }
0x1f2: {  	v2 =	vld [tilespmem:s26+$0x330];
	_ =	sdelay $0x4  }
0x1f3: {  	v1 =	vpack.i.f32.bf16 v2, v1  }
0x1f4: {  	[tilespmem:s29+$0x10270] =	vst v1  }
0x1f5: {  	v1 =	vld [tilespmem:s26+$0x380]  }
0x1f6: {  	v2 =	vld [tilespmem:s26+$0x390];
	_ =	sdelay $0x4  }
0x1f7: {  	v1 =	vpack.i.f32.bf16 v2, v1  }
0x1f8: {  	[tilespmem:s29+$0x10600] =	vst v1  }
0x1f9: {  	v1 =	vld [tilespmem:s26+$0x3A0]  }
0x1fa: {  	v2 =	vld [tilespmem:s26+$0x3B0];
	_ =	sdelay $0x4  }
0x1fb: {  	v1 =	vpack.i.f32.bf16 v2, v1  }
0x1fc: {  	[tilespmem:s29+$0x10610] =	vst v1  }
0x1fd: {  	v1 =	vld [tilespmem:s26+$0x400]  }
0x1fe: {  	v2 =	vld [tilespmem:s26+$0x410];
	_ =	sdelay $0x4  }
0x1ff: {  	v1 =	vpack.i.f32.bf16 v2, v1  }
0x200: {  	[tilespmem:s29+$0x10620] =	vst v1  }
0x201: {  	v1 =	vld [tilespmem:s26+$0x420]  }
0x202: {  	v2 =	vld [tilespmem:s26+$0x430];
	_ =	sdelay $0x4  }
0x203: {  	v1 =	vpack.i.f32.bf16 v2, v1  }
0x204: {  	[tilespmem:s29+$0x10630] =	vst v1  }
0x205: {  	v1 =	vld [tilespmem:s26+$0x480]  }
0x206: {  	v2 =	vld [tilespmem:s26+$0x490];
	_ =	sdelay $0x4  }
0x207: {  	v1 =	vpack.i.f32.bf16 v2, v1  }
0x208: {  	[tilespmem:s29+$0x10640] =	vst v1  }
0x209: {  	v1 =	vld [tilespmem:s26+$0x4A0]  }
0x20a: {  	v2 =	vld [tilespmem:s26+$0x4B0];
	_ =	sdelay $0x4  }
0x20b: {  	v1 =	vpack.i.f32.bf16 v2, v1  }
0x20c: {  	[tilespmem:s29+$0x10650] =	vst v1  }
0x20d: {  	v1 =	vld [tilespmem:s26+$0x500]  }
0x20e: {  	v2 =	vld [tilespmem:s26+$0x510];
	_ =	sdelay $0x4  }
0x20f: {  	v1 =	vpack.i.f32.bf16 v2, v1  }
0x210: {  	[tilespmem:s29+$0x10660] =	vst v1  }
0x211: {  	v1 =	vld [tilespmem:s26+$0x520]  }
0x212: {  	v2 =	vld [tilespmem:s26+$0x530];
	_ =	sdelay $0x4  }
0x213: {  	v1 =	vpack.i.f32.bf16 v2, v1  }
0x214: {  	[tilespmem:s29+$0x10670] =	vst v1  }
0x215: {  	v1 =	vld [tilespmem:s26+$0x580]  }
0x216: {  	v2 =	vld [tilespmem:s26+$0x590];
	_ =	sdelay $0x4  }
0x217: {  	v1 =	vpack.i.f32.bf16 v2, v1  }
0x218: {  	[tilespmem:s29+$0x10A00] =	vst v1  }
0x219: {  	v1 =	vld [tilespmem:s26+$0x5A0]  }
0x21a: {  	v2 =	vld [tilespmem:s26+$0x5B0];
	_ =	sdelay $0x4  }
0x21b: {  	v1 =	vpack.i.f32.bf16 v2, v1  }
0x21c: {  	[tilespmem:s29+$0x10A10] =	vst v1  }
0x21d: {  	v1 =	vld [tilespmem:s26+$0x600]  }
0x21e: {  	v2 =	vld [tilespmem:s26+$0x610];
	_ =	sdelay $0x4  }
0x21f: {  	v1 =	vpack.i.f32.bf16 v2, v1  }
0x220: {  	[tilespmem:s29+$0x10A20] =	vst v1  }
0x221: {  	v1 =	vld [tilespmem:s26+$0x620]  }
0x222: {  	v2 =	vld [tilespmem:s26+$0x630]  }
0x223: {  	p0 =	sne.s32 s28, $0xFFFFFE00  }
.Ltmp4:
0x224: {  	_ = 	snop;
	(pc) =	sbr.rel @p0 .LBB2_9-.Ltmp4, $3  }
0x225: {  	_ =	sdelay $0x1  }
0x226: {  	v1 =	vpack.i.f32.bf16 v2, v1  }
0x227: {  	s28 =	sadd.s32 $0x200, s28;
	s26 =	sadd.s32 $0xD00, s26;
	[tilespmem:s29+$0x10A30] =	vst v1  }
0x228: {  	s24 =	sadd.s32 $0x1, s24  }
0x229: {  	p0 =	sne.s32 s24, $0x8  }
.Ltmp5:
0x22a: {  	s25 =	sadd.s32 s6, s25;
	(pc) =	sbr.rel @p0 .LBB2_2-.Ltmp5, $3  }
0x22b: {  	s25 =	smul.u32 $0x380, s25;
	_ =	sdelay $0x1  }
0x22c: {  	s25 =	sadd.s32 s4, s25  }
0x22d: {  	[hbm4b:s25+s5] =	stream.linear.scatter [tilespmem:s21], [sflag:$0x4], $0x1C00, $0x38;
	[tilespmem:$0x10A00] =	vst v63  }
0x22e: {  	s23 =	sadd.s32 $0x1, s23  }
0x22f: {  	_ =	swait.ge [sflag:s22], $0x1C00;
	p0 =	sne.s32 s23, s9  }
.Ltmp6:
0x230: {  	[sflag:s22] =	ssyncset.done $0x0;
	(pc) =	sbr.rel @p0 .LBB2_1-.Ltmp6, $4  }
0x231: {  	[sflag:s22] =	ssyncadd.s32 $0xFFFFE400  }
0x232: {  	_ =	swait.ge [sflag:s20], $0x1C00  }
0x233: {  	[sflag:s20] =	ssyncset.done $0x0  }
0x234: {  	[sflag:s20] =	ssyncadd.s32 $0xFFFFE400  }
0x235: {  	_ =	sfence.sel $0x180000  }
0x236: {  	[bflag:$0x0] =	sbarrier.arrive $0xFFFF  }
0x237: {  	p0 =	sne.s32 s2, $0x0;
	_ =	strace $0x90000047  }
0x238: {  	s0 =	sadd.s32 @!p0 $0x100000, s0;
	[bflag:$0x2] =	sbarrier.arrive $0xFFFF  }
0x239: {  	[sflag:s0] =	ssyncadd.tile.s32 @!p0 $0x1;
	_ =	shalt  }
.Lfunc_end2:
_tile_overlayer_lowered:
.L_overlay_start_2:
0x23a: {  	(tag) =	ssettag $0x2  }
0x23b: {  	s0 =	rddreg [dreg:$0x0];
	s2 =	stileid.u32  }
0x23c: {  	s1 =	rddreg [dreg:$0x1];
	p0 =	sne.s32 s2, $0x0  }
0x23d: {  	s3 =	rddreg [dreg:$0x2];
	[bflag:$0x3] =	sbarrier.arrive $0xFFFF;
	s2 =	simm.s32 @!p0 $0x1C05  }
0x23e: {  	[timem:s3], [sflag:s2] =	dma.local @!p0 [hbm:s0], s1  }
0x23f: {  	s0 =	simm.s32 @!p0 $0x5  }
0x240: {  	_ =	swait.ge @!p0 [sflag:s0], s1  }
0x241: {  	s1 =	ssub.s32 @!p0 $0x0, s1;
	[sflag:s0] =	ssyncset.done @!p0 $0x0  }
0x242: {  	[sflag:s0] =	ssyncadd.s32 @!p0 s1  }
0x243: {  	[bflag:$0x3] =	sbarrier.arrive $0xFFFF  }
0x244: {  	_ =	shalt  }

</sc_bundles>
